<compile_context>
chip_gen: v7x
topology: tpu7x:2x2x1
jax: 0.10.2.dev20260603
libtpu: 0.0.44.dev20260713+nightly
codegen_flags: <defaults>
</compile_context>

<pallas_src>
import functools

import jax
import jax.numpy as jnp
from jax import lax
from jax.experimental import pallas as pl
from jax.experimental.pallas import tpu as pltpu
from jax.experimental.pallas import tpu_sc as plsc

B = 4
T = 8192
D = 1024
NC = 2
NS = 16
NW = NC * NS
LANES = 16

B_SC = B

ROWS_PER_W = T // NW
CH = 8
NT = ROWS_PER_W // CH


def _build_sc():
    mesh = plsc.VectorSubcoreMesh(core_axis_name="c", subcore_axis_name="s")

    scratch = (
        [pltpu.VMEM((CH, D), jnp.float32) for _ in range(2 * B_SC)]
        + [pltpu.VMEM((CH, D), jnp.float32) for _ in range(2)]
        + [pltpu.SemaphoreType.DMA for _ in range(2 * B_SC)]
        + [pltpu.SemaphoreType.DMA for _ in range(2 * B_SC)]
        + [pltpu.SemaphoreType.DMA for _ in range(2)]
    )

    @functools.partial(
        pl.kernel,
        mesh=mesh,
        out_type=jax.ShapeDtypeStruct((B_SC, T, D), jnp.float32),
        scratch_types=scratch,
        compiler_params=pltpu.CompilerParams(use_tc_tiling_on_sc=True),
    )
    def k(x_hbm, t_hbm, o_hbm, *s):
        nb = 2 * B_SC
        xb = s[0:nb]
        tb = s[nb:nb + 2]
        s_in = s[nb + 2:2 * nb + 2]
        s_out = s[2 * nb + 2:3 * nb + 2]
        s_t = s[3 * nb + 2:3 * nb + 4]

        wid = lax.axis_index("s") * NC + lax.axis_index("c")
        row_base = wid * ROWS_PER_W

        def rows(g):
            return pl.ds(pl.multiple_of(row_base + g * CH, CH), CH)

        def tbl_copy(g, p):
            return pltpu.make_async_copy(t_hbm.at[rows(g)], tb[p], s_t[p])

        def in_copy(g, b, p):
            return pltpu.make_async_copy(
                x_hbm.at[b, rows(g)], xb[p * B_SC + b], s_in[p * B_SC + b])

        def out_copy(g, b, p):
            return pltpu.make_async_copy(
                xb[p * B_SC + b], o_hbm.at[b, rows(g)], s_out[p * B_SC + b])

        tbl_copy(0, 0).start()
        for b in range(B_SC):
            in_copy(0, b, 0).start()

        def pair_body(g2, carry):
            for p in range(2):
                g = g2 * 2 + p
                q = 1 - p

                @pl.when(g + 1 < NT)
                def _():
                    tbl_copy(g + 1, q).start()

                tbl_copy(g, p).wait()

                for b in range(B_SC):
                    in_copy(g, b, p).wait()

                    @pl.when(g + 1 < NT)
                    def _():
                        @pl.when(g >= 1)
                        def _():
                            out_copy(g - 1, b, q).wait()

                        in_copy(g + 1, b, q).start()

                    xbuf = xb[p * B_SC + b]
                    tbuf = tb[p]

                    def add_body(m, c):
                        tc0 = m // CH
                        r = m % CH
                        for kk in range(128 // LANES):
                            sl = pl.ds(tc0 * 128 + kk * LANES, LANES)
                            plsc.addupdate(xbuf.at[r, sl], tbuf[r, sl])
                        return c

                    lax.fori_loop(0, (D // 128) * CH, add_body, 0, unroll=2)

                    out_copy(g, b, p).start()

            return carry

        lax.fori_loop(0, NT // 2, pair_body, 0)

        for b in range(B_SC):
            out_copy(NT - 1, b, 1).wait()

    return k


_sc_add = _build_sc()


@jax.jit
def kernel(x, table):
    return _sc_add(x, table)

# --- scband reference (transcript-rebuilt; emitter-appended) ---
"""Pipeline reference for scband-learned-positional-embedding-9397388443742 (READ-ONLY COPY).

The authoritative reference and input builder live on the scoring server;
editing this copy changes nothing except your own understanding.
"""

import jax, jax.numpy as jnp
import numpy as np

CONTEXT_LENGTH = 8192
D_MODEL = 1024

def setup_inputs(seed: int = 0) -> dict:
    key = jax.random.key(seed)
    k1, k2 = jax.random.split(key)
    x = jax.random.normal(k1, (4, 8192, 1024), dtype=jnp.float32)
    # learned positional embedding table, nn.Embedding default init N(0,1)
    table = jax.random.normal(k2, (CONTEXT_LENGTH, D_MODEL), dtype=jnp.float32)
    return {"x": x, "table": table}

def reference(x, table):
    b, t, _ = x.shape
    pos = jnp.arange(t)
    pos_emb = jnp.take(table, pos, axis=0)[None, :, :]
    return x + pos_emb

if __name__ == "__main__":
    import jax
    _d = setup_inputs()
    print(jax.jit(kernel)(*tuple(_d.values())))

</pallas_src>

<mosaic_0001>
#map = affine_map<(d0, d1) -> (0, 0, 0)>
#map1 = affine_map<(d0, d1) -> (0, 0)>
module attributes {stable_mosaic.version = 14 : i64} {
  func.func @k(%arg0: i32, %arg1: i32, %arg2: memref<4x8192x1024xf32, #tpu.memory_space<hbm>>, %arg3: memref<8192x1024xf32, #tpu.memory_space<hbm>>, %arg4: memref<4x8192x1024xf32, #tpu.memory_space<hbm>>, %arg5: memref<8x1024xf32, #tpu.memory_space<vmem>>, %arg6: memref<8x1024xf32, #tpu.memory_space<vmem>>, %arg7: memref<8x1024xf32, #tpu.memory_space<vmem>>, %arg8: memref<8x1024xf32, #tpu.memory_space<vmem>>, %arg9: memref<8x1024xf32, #tpu.memory_space<vmem>>, %arg10: memref<8x1024xf32, #tpu.memory_space<vmem>>, %arg11: memref<8x1024xf32, #tpu.memory_space<vmem>>, %arg12: memref<8x1024xf32, #tpu.memory_space<vmem>>, %arg13: memref<8x1024xf32, #tpu.memory_space<vmem>>, %arg14: memref<8x1024xf32, #tpu.memory_space<vmem>>, %arg15: memref<!tpu.dma_semaphore, #tpu.memory_space<semaphore_mem>>, %arg16: memref<!tpu.dma_semaphore, #tpu.memory_space<semaphore_mem>>, %arg17: memref<!tpu.dma_semaphore, #tpu.memory_space<semaphore_mem>>, %arg18: memref<!tpu.dma_semaphore, #tpu.memory_space<semaphore_mem>>, %arg19: memref<!tpu.dma_semaphore, #tpu.memory_space<semaphore_mem>>, %arg20: memref<!tpu.dma_semaphore, #tpu.memory_space<semaphore_mem>>, %arg21: memref<!tpu.dma_semaphore, #tpu.memory_space<semaphore_mem>>, %arg22: memref<!tpu.dma_semaphore, #tpu.memory_space<semaphore_mem>>, %arg23: memref<!tpu.dma_semaphore, #tpu.memory_space<semaphore_mem>>, %arg24: memref<!tpu.dma_semaphore, #tpu.memory_space<semaphore_mem>>, %arg25: memref<!tpu.dma_semaphore, #tpu.memory_space<semaphore_mem>>, %arg26: memref<!tpu.dma_semaphore, #tpu.memory_space<semaphore_mem>>, %arg27: memref<!tpu.dma_semaphore, #tpu.memory_space<semaphore_mem>>, %arg28: memref<!tpu.dma_semaphore, #tpu.memory_space<semaphore_mem>>, %arg29: memref<!tpu.dma_semaphore, #tpu.memory_space<semaphore_mem>>, %arg30: memref<!tpu.dma_semaphore, #tpu.memory_space<semaphore_mem>>, %arg31: memref<!tpu.dma_semaphore, #tpu.memory_space<semaphore_mem>>, %arg32: memref<!tpu.dma_semaphore, #tpu.memory_space<semaphore_mem>>) attributes {dimension_semantics = [#tpu.dimension_semantics<core_parallel>, #tpu.dimension_semantics<subcore_parallel>], iteration_bounds = array<i64: 2, 16>, scalar_prefetch = 0 : i64, scratch_operands = 28 : i64, tpu.core_type = #tpu.core_type<sc_vector_subcore>, window_params = [{transform_indices = #map}, {transform_indices = #map1}, {transform_indices = #map}]} {
    %mul3A = arith.constant 2 : i32
    %mul3A_0 = arith.muli %arg1, %mul3A : i32
    %add3A = arith.addi %mul3A_0, %arg0 : i32
    %mul3A_1 = arith.constant 256 : i32
    %mul3A_2 = arith.muli %add3A, %mul3A_1 : i32
    %add3A_3 = arith.constant 0 : i32
    %add3A_4 = arith.addi %mul3A_2, %add3A_3 : i32
    %multiple_of3A = tpu.assume_multiple %add3A_4, 8 : i32
    %dma_start3A = arith.constant 0 : i32
    %dma_start3A_5 = tpu.memref_slice %arg3[%multiple_of3A, %dma_start3A] : memref<8192x1024xf32, #tpu.memory_space<hbm>> -> memref<8x1024xf32, #tpu.memory_space<hbm>>
    %dma_start3A_6 = arith.constant 0 : i32
    %dma_start3A_7 = tpu.memref_slice %arg3[%multiple_of3A, %dma_start3A_6] : memref<8192x1024xf32, #tpu.memory_space<hbm>> -> memref<8x1024xf32, #tpu.memory_space<hbm>>
    tpu.enqueue_dma source(%dma_start3A_7 : memref<8x1024xf32, #tpu.memory_space<hbm>>) target(%arg13 : memref<8x1024xf32, #tpu.memory_space<vmem>>) target_semaphore(%arg31 : memref<!tpu.dma_semaphore, #tpu.memory_space<semaphore_mem>>)
    %add3A_8 = arith.constant 0 : i32
    %add3A_9 = arith.addi %mul3A_2, %add3A_8 : i32
    %multiple_of3A_10 = tpu.assume_multiple %add3A_9, 8 : i32
    %dma_start3A_11 = arith.constant 0 : i32
    %dma_start3A_12 = arith.constant 0 : i32
    %dma_start3A_13 = tpu.memref_slice %arg2[%dma_start3A_11, %multiple_of3A_10, %dma_start3A_12] : memref<4x8192x1024xf32, #tpu.memory_space<hbm>> -> memref<1x8x1024xf32, #tpu.memory_space<hbm>>
    %dma_start3A_14 = tpu.memref_squeeze %dma_start3A_13 : memref<1x8x1024xf32, #tpu.memory_space<hbm>> -> memref<8x1024xf32, #tpu.memory_space<hbm>>
    %dma_start3A_15 = arith.constant 0 : i32
    %dma_start3A_16 = tpu.memref_slice %arg2[%dma_start3A_11, %multiple_of3A_10, %dma_start3A_15] : memref<4x8192x1024xf32, #tpu.memory_space<hbm>> -> memref<1x8x1024xf32, #tpu.memory_space<hbm>>
    %dma_start3A_17 = tpu.memref_squeeze %dma_start3A_16 : memref<1x8x1024xf32, #tpu.memory_space<hbm>> -> memref<8x1024xf32, #tpu.memory_space<hbm>>
    tpu.enqueue_dma source(%dma_start3A_17 : memref<8x1024xf32, #tpu.memory_space<hbm>>) target(%arg5 : memref<8x1024xf32, #tpu.memory_space<vmem>>) target_semaphore(%arg15 : memref<!tpu.dma_semaphore, #tpu.memory_space<semaphore_mem>>)
    %add3A_18 = arith.constant 0 : i32
    %add3A_19 = arith.addi %mul3A_2, %add3A_18 : i32
    %multiple_of3A_20 = tpu.assume_multiple %add3A_19, 8 : i32
    %dma_start3A_21 = arith.constant 1 : i32
    %dma_start3A_22 = arith.constant 0 : i32
    %dma_start3A_23 = tpu.memref_slice %arg2[%dma_start3A_21, %multiple_of3A_20, %dma_start3A_22] : memref<4x8192x1024xf32, #tpu.memory_space<hbm>> -> memref<1x8x1024xf32, #tpu.memory_space<hbm>>
    %dma_start3A_24 = tpu.memref_squeeze %dma_start3A_23 : memref<1x8x1024xf32, #tpu.memory_space<hbm>> -> memref<8x1024xf32, #tpu.memory_space<hbm>>
    %dma_start3A_25 = arith.constant 0 : i32
    %dma_start3A_26 = tpu.memref_slice %arg2[%dma_start3A_21, %multiple_of3A_20, %dma_start3A_25] : memref<4x8192x1024xf32, #tpu.memory_space<hbm>> -> memref<1x8x1024xf32, #tpu.memory_space<hbm>>
    %dma_start3A_27 = tpu.memref_squeeze %dma_start3A_26 : memref<1x8x1024xf32, #tpu.memory_space<hbm>> -> memref<8x1024xf32, #tpu.memory_space<hbm>>
    tpu.enqueue_dma source(%dma_start3A_27 : memref<8x1024xf32, #tpu.memory_space<hbm>>) target(%arg6 : memref<8x1024xf32, #tpu.memory_space<vmem>>) target_semaphore(%arg16 : memref<!tpu.dma_semaphore, #tpu.memory_space<semaphore_mem>>)
    %add3A_28 = arith.constant 0 : i32
    %add3A_29 = arith.addi %mul3A_2, %add3A_28 : i32
    %multiple_of3A_30 = tpu.assume_multiple %add3A_29, 8 : i32
    %dma_start3A_31 = arith.constant 2 : i32
    %dma_start3A_32 = arith.constant 0 : i32
    %dma_start3A_33 = tpu.memref_slice %arg2[%dma_start3A_31, %multiple_of3A_30, %dma_start3A_32] : memref<4x8192x1024xf32, #tpu.memory_space<hbm>> -> memref<1x8x1024xf32, #tpu.memory_space<hbm>>
    %dma_start3A_34 = tpu.memref_squeeze %dma_start3A_33 : memref<1x8x1024xf32, #tpu.memory_space<hbm>> -> memref<8x1024xf32, #tpu.memory_space<hbm>>
    %dma_start3A_35 = arith.constant 0 : i32
    %dma_start3A_36 = tpu.memref_slice %arg2[%dma_start3A_31, %multiple_of3A_30, %dma_start3A_35] : memref<4x8192x1024xf32, #tpu.memory_space<hbm>> -> memref<1x8x1024xf32, #tpu.memory_space<hbm>>
    %dma_start3A_37 = tpu.memref_squeeze %dma_start3A_36 : memref<1x8x1024xf32, #tpu.memory_space<hbm>> -> memref<8x1024xf32, #tpu.memory_space<hbm>>
    tpu.enqueue_dma source(%dma_start3A_37 : memref<8x1024xf32, #tpu.memory_space<hbm>>) target(%arg7 : memref<8x1024xf32, #tpu.memory_space<vmem>>) target_semaphore(%arg17 : memref<!tpu.dma_semaphore, #tpu.memory_space<semaphore_mem>>)
    %add3A_38 = arith.constant 0 : i32
    %add3A_39 = arith.addi %mul3A_2, %add3A_38 : i32
    %multiple_of3A_40 = tpu.assume_multiple %add3A_39, 8 : i32
    %dma_start3A_41 = arith.constant 3 : i32
    %dma_start3A_42 = arith.constant 0 : i32
    %dma_start3A_43 = tpu.memref_slice %arg2[%dma_start3A_41, %multiple_of3A_40, %dma_start3A_42] : memref<4x8192x1024xf32, #tpu.memory_space<hbm>> -> memref<1x8x1024xf32, #tpu.memory_space<hbm>>
    %dma_start3A_44 = tpu.memref_squeeze %dma_start3A_43 : memref<1x8x1024xf32, #tpu.memory_space<hbm>> -> memref<8x1024xf32, #tpu.memory_space<hbm>>
    %dma_start3A_45 = arith.constant 0 : i32
    %dma_start3A_46 = tpu.memref_slice %arg2[%dma_start3A_41, %multiple_of3A_40, %dma_start3A_45] : memref<4x8192x1024xf32, #tpu.memory_space<hbm>> -> memref<1x8x1024xf32, #tpu.memory_space<hbm>>
    %dma_start3A_47 = tpu.memref_squeeze %dma_start3A_46 : memref<1x8x1024xf32, #tpu.memory_space<hbm>> -> memref<8x1024xf32, #tpu.memory_space<hbm>>
    tpu.enqueue_dma source(%dma_start3A_47 : memref<8x1024xf32, #tpu.memory_space<hbm>>) target(%arg8 : memref<8x1024xf32, #tpu.memory_space<vmem>>) target_semaphore(%arg18 : memref<!tpu.dma_semaphore, #tpu.memory_space<semaphore_mem>>)
    %scan3A = arith.constant 0 : i32
    %scan3A_48 = arith.constant 0 : i32
    %scan3A_49 = arith.constant 16 : i32
    %scan3A_50 = arith.addi %scan3A_48, %scan3A_49 : i32
    %scan3A_51 = arith.constant 1 : i32
    scf.for %scan3A_92 = %scan3A_48 to %scan3A_50 step %scan3A_51  : i32 {
      %mul3A_93 = arith.constant 2 : i32
      %mul3A_94 = arith.muli %scan3A_92, %mul3A_93 : i32
      %add3A_95 = arith.constant 0 : i32
      %add3A_96 = arith.addi %mul3A_94, %add3A_95 : i32
      %add3A_97 = arith.constant 1 : i32
      %add3A_98 = arith.addi %add3A_96, %add3A_97 : i32
      %lt3A = arith.constant 32 : i32
      %lt3A_99 = arith.cmpi slt, %add3A_98, %lt3A : i32
      %convert_element_type3A = arith.extui %lt3A_99 : i1 to i32
      %cond3A = arith.constant 0 : i32
      %cond3A_100 = arith.cmpi ne, %convert_element_type3A, %cond3A : i32
      scf.if %cond3A_100 {
        %add3A_408 = arith.constant 1 : i32
        %add3A_409 = arith.addi %add3A_96, %add3A_408 : i32
        %mul3A_410 = arith.constant 8 : i32
        %mul3A_411 = arith.muli %add3A_409, %mul3A_410 : i32
        %add3A_412 = arith.addi %mul3A_2, %mul3A_411 : i32
        %multiple_of3A_413 = tpu.assume_multiple %add3A_412, 8 : i32
        %dma_start3A_414 = arith.constant 0 : i32
        %dma_start3A_415 = tpu.memref_slice %arg3[%multiple_of3A_413, %dma_start3A_414] : memref<8192x1024xf32, #tpu.memory_space<hbm>> -> memref<8x1024xf32, #tpu.memory_space<hbm>>
        %dma_start3A_416 = arith.constant 0 : i32
        %dma_start3A_417 = tpu.memref_slice %arg3[%multiple_of3A_413, %dma_start3A_416] : memref<8192x1024xf32, #tpu.memory_space<hbm>> -> memref<8x1024xf32, #tpu.memory_space<hbm>>
        tpu.enqueue_dma source(%dma_start3A_417 : memref<8x1024xf32, #tpu.memory_space<hbm>>) target(%arg14 : memref<8x1024xf32, #tpu.memory_space<vmem>>) target_semaphore(%arg32 : memref<!tpu.dma_semaphore, #tpu.memory_space<semaphore_mem>>)
      } else {
      }
      %mul3A_101 = arith.constant 8 : i32
      %mul3A_102 = arith.muli %add3A_96, %mul3A_101 : i32
      %add3A_103 = arith.addi %mul3A_2, %mul3A_102 : i32
      %multiple_of3A_104 = tpu.assume_multiple %add3A_103, 8 : i32
      %dma_wait3A_105 = arith.constant 0 : i32
      %dma_wait3A_106 = tpu.memref_slice %arg3[%multiple_of3A_104, %dma_wait3A_105] : memref<8192x1024xf32, #tpu.memory_space<hbm>> -> memref<8x1024xf32, #tpu.memory_space<hbm>>
      %dma_wait3A_107 = arith.constant 0 : i32
      %dma_wait3A_108 = tpu.memref_slice %arg3[%multiple_of3A_104, %dma_wait3A_107] : memref<8192x1024xf32, #tpu.memory_space<hbm>> -> memref<8x1024xf32, #tpu.memory_space<hbm>>
      tpu.wait_dma2 semaphore(%arg31 : memref<!tpu.dma_semaphore, #tpu.memory_space<semaphore_mem>>) src(%dma_wait3A_108 : memref<8x1024xf32, #tpu.memory_space<hbm>>) dst(%arg13 : memref<8x1024xf32, #tpu.memory_space<vmem>>)
      %mul3A_109 = arith.constant 8 : i32
      %mul3A_110 = arith.muli %add3A_96, %mul3A_109 : i32
      %add3A_111 = arith.addi %mul3A_2, %mul3A_110 : i32
      %multiple_of3A_112 = tpu.assume_multiple %add3A_111, 8 : i32
      %dma_wait3A_113 = arith.constant 0 : i32
      %dma_wait3A_114 = arith.constant 0 : i32
      %dma_wait3A_115 = tpu.memref_slice %arg2[%dma_wait3A_113, %multiple_of3A_112, %dma_wait3A_114] : memref<4x8192x1024xf32, #tpu.memory_space<hbm>> -> memref<1x8x1024xf32, #tpu.memory_space<hbm>>
      %dma_wait3A_116 = tpu.memref_squeeze %dma_wait3A_115 : memref<1x8x1024xf32, #tpu.memory_space<hbm>> -> memref<8x1024xf32, #tpu.memory_space<hbm>>
      %dma_wait3A_117 = arith.constant 0 : i32
      %dma_wait3A_118 = tpu.memref_slice %arg2[%dma_wait3A_113, %multiple_of3A_112, %dma_wait3A_117] : memref<4x8192x1024xf32, #tpu.memory_space<hbm>> -> memref<1x8x1024xf32, #tpu.memory_space<hbm>>
      %dma_wait3A_119 = tpu.memref_squeeze %dma_wait3A_118 : memref<1x8x1024xf32, #tpu.memory_space<hbm>> -> memref<8x1024xf32, #tpu.memory_space<hbm>>
      tpu.wait_dma2 semaphore(%arg15 : memref<!tpu.dma_semaphore, #tpu.memory_space<semaphore_mem>>) src(%dma_wait3A_119 : memref<8x1024xf32, #tpu.memory_space<hbm>>) dst(%arg5 : memref<8x1024xf32, #tpu.memory_space<vmem>>)
      %add3A_120 = arith.constant 1 : i32
      %add3A_121 = arith.addi %add3A_96, %add3A_120 : i32
      %lt3A_122 = arith.constant 32 : i32
      %lt3A_123 = arith.cmpi slt, %add3A_121, %lt3A_122 : i32
      %convert_element_type3A_124 = arith.extui %lt3A_123 : i1 to i32
      %cond3A_125 = arith.constant 0 : i32
      %cond3A_126 = arith.cmpi ne, %convert_element_type3A_124, %cond3A_125 : i32
      scf.if %cond3A_126 {
        %ge3A = arith.constant 1 : i32
        %ge3A_408 = arith.cmpi sge, %add3A_96, %ge3A : i32
        %convert_element_type3A_409 = arith.extui %ge3A_408 : i1 to i32
        %cond3A_410 = arith.constant 0 : i32
        %cond3A_411 = arith.cmpi ne, %convert_element_type3A_409, %cond3A_410 : i32
        scf.if %cond3A_411 {
          %sub3A = arith.constant 1 : i32
          %sub3A_425 = arith.subi %add3A_96, %sub3A : i32
          %mul3A_426 = arith.constant 8 : i32
          %mul3A_427 = arith.muli %sub3A_425, %mul3A_426 : i32
          %add3A_428 = arith.addi %mul3A_2, %mul3A_427 : i32
          %multiple_of3A_429 = tpu.assume_multiple %add3A_428, 8 : i32
          %dma_wait3A_430 = arith.constant 0 : i32
          %dma_wait3A_431 = arith.constant 0 : i32
          %dma_wait3A_432 = tpu.memref_slice %arg4[%dma_wait3A_430, %multiple_of3A_429, %dma_wait3A_431] : memref<4x8192x1024xf32, #tpu.memory_space<hbm>> -> memref<1x8x1024xf32, #tpu.memory_space<hbm>>
          %dma_wait3A_433 = tpu.memref_squeeze %dma_wait3A_432 : memref<1x8x1024xf32, #tpu.memory_space<hbm>> -> memref<8x1024xf32, #tpu.memory_space<hbm>>
          %dma_wait3A_434 = arith.constant 0 : i32
          %dma_wait3A_435 = tpu.memref_slice %arg4[%dma_wait3A_430, %multiple_of3A_429, %dma_wait3A_434] : memref<4x8192x1024xf32, #tpu.memory_space<hbm>> -> memref<1x8x1024xf32, #tpu.memory_space<hbm>>
          %dma_wait3A_436 = tpu.memref_squeeze %dma_wait3A_435 : memref<1x8x1024xf32, #tpu.memory_space<hbm>> -> memref<8x1024xf32, #tpu.memory_space<hbm>>
          tpu.wait_dma2 semaphore(%arg27 : memref<!tpu.dma_semaphore, #tpu.memory_space<semaphore_mem>>) src(%arg9 : memref<8x1024xf32, #tpu.memory_space<vmem>>) dst(%dma_wait3A_436 : memref<8x1024xf32, #tpu.memory_space<hbm>>)
        } else {
        }
        %add3A_412 = arith.constant 1 : i32
        %add3A_413 = arith.addi %add3A_96, %add3A_412 : i32
        %mul3A_414 = arith.constant 8 : i32
        %mul3A_415 = arith.muli %add3A_413, %mul3A_414 : i32
        %add3A_416 = arith.addi %mul3A_2, %mul3A_415 : i32
        %multiple_of3A_417 = tpu.assume_multiple %add3A_416, 8 : i32
        %dma_start3A_418 = arith.constant 0 : i32
        %dma_start3A_419 = arith.constant 0 : i32
        %dma_start3A_420 = tpu.memref_slice %arg2[%dma_start3A_418, %multiple_of3A_417, %dma_start3A_419] : memref<4x8192x1024xf32, #tpu.memory_space<hbm>> -> memref<1x8x1024xf32, #tpu.memory_space<hbm>>
        %dma_start3A_421 = tpu.memref_squeeze %dma_start3A_420 : memref<1x8x1024xf32, #tpu.memory_space<hbm>> -> memref<8x1024xf32, #tpu.memory_space<hbm>>
        %dma_start3A_422 = arith.constant 0 : i32
        %dma_start3A_423 = tpu.memref_slice %arg2[%dma_start3A_418, %multiple_of3A_417, %dma_start3A_422] : memref<4x8192x1024xf32, #tpu.memory_space<hbm>> -> memref<1x8x1024xf32, #tpu.memory_space<hbm>>
        %dma_start3A_424 = tpu.memref_squeeze %dma_start3A_423 : memref<1x8x1024xf32, #tpu.memory_space<hbm>> -> memref<8x1024xf32, #tpu.memory_space<hbm>>
        tpu.enqueue_dma source(%dma_start3A_424 : memref<8x1024xf32, #tpu.memory_space<hbm>>) target(%arg9 : memref<8x1024xf32, #tpu.memory_space<vmem>>) target_semaphore(%arg19 : memref<!tpu.dma_semaphore, #tpu.memory_space<semaphore_mem>>)
      } else {
      }
      %scan3A_127 = arith.constant 0 : i32
      %scan3A_128 = arith.constant 0 : i32
      %scan3A_129 = arith.constant 64 : i32
      %scan3A_130 = arith.addi %scan3A_128, %scan3A_129 : i32
      %scan3A_131 = arith.constant 2 : i32
      scf.for %scan3A_408 = %scan3A_128 to %scan3A_130 step %scan3A_131  : i32 {
        %jit3A = arith.constant 8 : i32
        %div3A = arith.divsi %scan3A_408, %jit3A : i32
        %sign3A = arith.constant 0 : i32
        %sign3A_409 = arith.cmpi sgt, %scan3A_408, %sign3A : i32
        %sign3A_410 = arith.extui %sign3A_409 : i1 to i32
        %sign3A_411 = arith.constant 0 : i32
        %sign3A_412 = arith.cmpi slt, %scan3A_408, %sign3A_411 : i32
        %sign3A_413 = arith.extui %sign3A_412 : i1 to i32
        %sign3A_414 = arith.subi %sign3A_410, %sign3A_413 : i32
        %sign3A_415 = arith.constant 0 : i32
        %sign3A_416 = arith.cmpi sgt, %jit3A, %sign3A_415 : i32
        %sign3A_417 = arith.extui %sign3A_416 : i1 to i32
        %sign3A_418 = arith.constant 0 : i32
        %sign3A_419 = arith.cmpi slt, %jit3A, %sign3A_418 : i32
        %sign3A_420 = arith.extui %sign3A_419 : i1 to i32
        %sign3A_421 = arith.subi %sign3A_417, %sign3A_420 : i32
        %ne3A = arith.cmpi ne, %sign3A_414, %sign3A_421 : i32
        %rem3A = arith.remsi %scan3A_408, %jit3A : i32
        %ne3A_422 = arith.constant 0 : i32
        %ne3A_423 = arith.cmpi ne, %rem3A, %ne3A_422 : i32
        %and3A = arith.andi %ne3A, %ne3A_423 : i1
        %sub3A = arith.constant 1 : i32
        %sub3A_424 = arith.subi %div3A, %sub3A : i32
        %select_n3A = arith.select %and3A, %sub3A_424, %div3A : i32
        %jit3A_425 = arith.constant 8 : i32
        %eq3A = arith.constant 0 : i32
        %eq3A_426 = arith.cmpi eq, %jit3A_425, %eq3A : i32
        %jit3A_427 = arith.constant 1 : i32
        %select_n3A_428 = arith.select %eq3A_426, %jit3A_427, %jit3A_425 : i32
        %rem3A_429 = arith.remsi %scan3A_408, %select_n3A_428 : i32
        %ne3A_430 = arith.constant 0 : i32
        %ne3A_431 = arith.cmpi ne, %rem3A_429, %ne3A_430 : i32
        %lt3A_432 = arith.constant 0 : i32
        %lt3A_433 = arith.cmpi slt, %rem3A_429, %lt3A_432 : i32
        %lt3A_434 = arith.constant 0 : i32
        %lt3A_435 = arith.cmpi slt, %select_n3A_428, %lt3A_434 : i32
        %ne3A_436 = arith.xori %lt3A_433, %lt3A_435 : i1
        %and3A_437 = arith.andi %ne3A_436, %ne3A_431 : i1
        %add3A_438 = arith.addi %rem3A_429, %select_n3A_428 : i32
        %select_n3A_439 = arith.select %and3A_437, %add3A_438, %rem3A_429 : i32
        %mul3A_440 = arith.constant 128 : i32
        %mul3A_441 = arith.muli %select_n3A, %mul3A_440 : i32
        %add3A_442 = arith.constant 0 : i32
        %add3A_443 = arith.addi %mul3A_441, %add3A_442 : i32
        %get3A = arith.index_cast %select_n3A_439 : i32 to index
        %get3A_444 = arith.index_cast %add3A_443 : i32 to index
        %get3A_445 = tpu.vector_load %arg13[%get3A, %get3A_444] {strides = array<i32>} : memref<8x1024xf32, #tpu.memory_space<vmem>>, vector<1x16xf32>,
        %get3A_446 = vector.shape_cast %get3A_445 : vector<1x16xf32> to vector<16xf32>
        %swap3A = arith.index_cast %select_n3A_439 : i32 to index
        %swap3A_447 = arith.index_cast %add3A_443 : i32 to index
        %swap3A_448 = tpu.vector_load %arg5[%swap3A, %swap3A_447] {strides = array<i32>} : memref<8x1024xf32, #tpu.memory_space<vmem>>, vector<1x16xf32>,
        %swap3A_449 = vector.shape_cast %swap3A_448 : vector<1x16xf32> to vector<16xf32>
        %swap3A_450 = vector.shape_cast %get3A_446 : vector<16xf32> to vector<1x16xf32>
        tpu.vector_store %arg5[%swap3A, %swap3A_447], %swap3A_450 {add = true, strides = array<i32>} : memref<8x1024xf32, #tpu.memory_space<vmem>>, vector<1x16xf32>,
        %mul3A_451 = arith.constant 128 : i32
        %mul3A_452 = arith.muli %select_n3A, %mul3A_451 : i32
        %add3A_453 = arith.constant 16 : i32
        %add3A_454 = arith.addi %mul3A_452, %add3A_453 : i32
        %get3A_455 = arith.index_cast %select_n3A_439 : i32 to index
        %get3A_456 = arith.index_cast %add3A_454 : i32 to index
        %get3A_457 = tpu.vector_load %arg13[%get3A_455, %get3A_456] {strides = array<i32>} : memref<8x1024xf32, #tpu.memory_space<vmem>>, vector<1x16xf32>,
        %get3A_458 = vector.shape_cast %get3A_457 : vector<1x16xf32> to vector<16xf32>
        %swap3A_459 = arith.index_cast %select_n3A_439 : i32 to index
        %swap3A_460 = arith.index_cast %add3A_454 : i32 to index
        %swap3A_461 = tpu.vector_load %arg5[%swap3A_459, %swap3A_460] {strides = array<i32>} : memref<8x1024xf32, #tpu.memory_space<vmem>>, vector<1x16xf32>,
        %swap3A_462 = vector.shape_cast %swap3A_461 : vector<1x16xf32> to vector<16xf32>
        %swap3A_463 = vector.shape_cast %get3A_458 : vector<16xf32> to vector<1x16xf32>
        tpu.vector_store %arg5[%swap3A_459, %swap3A_460], %swap3A_463 {add = true, strides = array<i32>} : memref<8x1024xf32, #tpu.memory_space<vmem>>, vector<1x16xf32>,
        %mul3A_464 = arith.constant 128 : i32
        %mul3A_465 = arith.muli %select_n3A, %mul3A_464 : i32
        %add3A_466 = arith.constant 32 : i32
        %add3A_467 = arith.addi %mul3A_465, %add3A_466 : i32
        %get3A_468 = arith.index_cast %select_n3A_439 : i32 to index
        %get3A_469 = arith.index_cast %add3A_467 : i32 to index
        %get3A_470 = tpu.vector_load %arg13[%get3A_468, %get3A_469] {strides = array<i32>} : memref<8x1024xf32, #tpu.memory_space<vmem>>, vector<1x16xf32>,
        %get3A_471 = vector.shape_cast %get3A_470 : vector<1x16xf32> to vector<16xf32>
        %swap3A_472 = arith.index_cast %select_n3A_439 : i32 to index
        %swap3A_473 = arith.index_cast %add3A_467 : i32 to index
        %swap3A_474 = tpu.vector_load %arg5[%swap3A_472, %swap3A_473] {strides = array<i32>} : memref<8x1024xf32, #tpu.memory_space<vmem>>, vector<1x16xf32>,
        %swap3A_475 = vector.shape_cast %swap3A_474 : vector<1x16xf32> to vector<16xf32>
        %swap3A_476 = vector.shape_cast %get3A_471 : vector<16xf32> to vector<1x16xf32>
        tpu.vector_store %arg5[%swap3A_472, %swap3A_473], %swap3A_476 {add = true, strides = array<i32>} : memref<8x1024xf32, #tpu.memory_space<vmem>>, vector<1x16xf32>,
        %mul3A_477 = arith.constant 128 : i32
        %mul3A_478 = arith.muli %select_n3A, %mul3A_477 : i32
        %add3A_479 = arith.constant 48 : i32
        %add3A_480 = arith.addi %mul3A_478, %add3A_479 : i32
        %get3A_481 = arith.index_cast %select_n3A_439 : i32 to index
        %get3A_482 = arith.index_cast %add3A_480 : i32 to index
        %get3A_483 = tpu.vector_load %arg13[%get3A_481, %get3A_482] {strides = array<i32>} : memref<8x1024xf32, #tpu.memory_space<vmem>>, vector<1x16xf32>,
        %get3A_484 = vector.shape_cast %get3A_483 : vector<1x16xf32> to vector<16xf32>
        %swap3A_485 = arith.index_cast %select_n3A_439 : i32 to index
        %swap3A_486 = arith.index_cast %add3A_480 : i32 to index
        %swap3A_487 = tpu.vector_load %arg5[%swap3A_485, %swap3A_486] {strides = array<i32>} : memref<8x1024xf32, #tpu.memory_space<vmem>>, vector<1x16xf32>,
        %swap3A_488 = vector.shape_cast %swap3A_487 : vector<1x16xf32> to vector<16xf32>
        %swap3A_489 = vector.shape_cast %get3A_484 : vector<16xf32> to vector<1x16xf32>
        tpu.vector_store %arg5[%swap3A_485, %swap3A_486], %swap3A_489 {add = true, strides = array<i32>} : memref<8x1024xf32, #tpu.memory_space<vmem>>, vector<1x16xf32>,
        %mul3A_490 = arith.constant 128 : i32
        %mul3A_491 = arith.muli %select_n3A, %mul3A_490 : i32
        %add3A_492 = arith.constant 64 : i32
        %add3A_493 = arith.addi %mul3A_491, %add3A_492 : i32
        %get3A_494 = arith.index_cast %select_n3A_439 : i32 to index
        %get3A_495 = arith.index_cast %add3A_493 : i32 to index
        %get3A_496 = tpu.vector_load %arg13[%get3A_494, %get3A_495] {strides = array<i32>} : memref<8x1024xf32, #tpu.memory_space<vmem>>, vector<1x16xf32>,
        %get3A_497 = vector.shape_cast %get3A_496 : vector<1x16xf32> to vector<16xf32>
        %swap3A_498 = arith.index_cast %select_n3A_439 : i32 to index
        %swap3A_499 = arith.index_cast %add3A_493 : i32 to index
        %swap3A_500 = tpu.vector_load %arg5[%swap3A_498, %swap3A_499] {strides = array<i32>} : memref<8x1024xf32, #tpu.memory_space<vmem>>, vector<1x16xf32>,
        %swap3A_501 = vector.shape_cast %swap3A_500 : vector<1x16xf32> to vector<16xf32>
        %swap3A_502 = vector.shape_cast %get3A_497 : vector<16xf32> to vector<1x16xf32>
        tpu.vector_store %arg5[%swap3A_498, %swap3A_499], %swap3A_502 {add = true, strides = array<i32>} : memref<8x1024xf32, #tpu.memory_space<vmem>>, vector<1x16xf32>,
        %mul3A_503 = arith.constant 128 : i32
        %mul3A_504 = arith.muli %select_n3A, %mul3A_503 : i32
        %add3A_505 = arith.constant 80 : i32
        %add3A_506 = arith.addi %mul3A_504, %add3A_505 : i32
        %get3A_507 = arith.index_cast %select_n3A_439 : i32 to index
        %get3A_508 = arith.index_cast %add3A_506 : i32 to index
        %get3A_509 = tpu.vector_load %arg13[%get3A_507, %get3A_508] {strides = array<i32>} : memref<8x1024xf32, #tpu.memory_space<vmem>>, vector<1x16xf32>,
        %get3A_510 = vector.shape_cast %get3A_509 : vector<1x16xf32> to vector<16xf32>
        %swap3A_511 = arith.index_cast %select_n3A_439 : i32 to index
        %swap3A_512 = arith.index_cast %add3A_506 : i32 to index
        %swap3A_513 = tpu.vector_load %arg5[%swap3A_511, %swap3A_512] {strides = array<i32>} : memref<8x1024xf32, #tpu.memory_space<vmem>>, vector<1x16xf32>,
        %swap3A_514 = vector.shape_cast %swap3A_513 : vector<1x16xf32> to vector<16xf32>
        %swap3A_515 = vector.shape_cast %get3A_510 : vector<16xf32> to vector<1x16xf32>
        tpu.vector_store %arg5[%swap3A_511, %swap3A_512], %swap3A_515 {add = true, strides = array<i32>} : memref<8x1024xf32, #tpu.memory_space<vmem>>, vector<1x16xf32>,
        %mul3A_516 = arith.constant 128 : i32
        %mul3A_517 = arith.muli %select_n3A, %mul3A_516 : i32
        %add3A_518 = arith.constant 96 : i32
        %add3A_519 = arith.addi %mul3A_517, %add3A_518 : i32
        %get3A_520 = arith.index_cast %select_n3A_439 : i32 to index
        %get3A_521 = arith.index_cast %add3A_519 : i32 to index
        %get3A_522 = tpu.vector_load %arg13[%get3A_520, %get3A_521] {strides = array<i32>} : memref<8x1024xf32, #tpu.memory_space<vmem>>, vector<1x16xf32>,
        %get3A_523 = vector.shape_cast %get3A_522 : vector<1x16xf32> to vector<16xf32>
        %swap3A_524 = arith.index_cast %select_n3A_439 : i32 to index
        %swap3A_525 = arith.index_cast %add3A_519 : i32 to index
        %swap3A_526 = tpu.vector_load %arg5[%swap3A_524, %swap3A_525] {strides = array<i32>} : memref<8x1024xf32, #tpu.memory_space<vmem>>, vector<1x16xf32>,
        %swap3A_527 = vector.shape_cast %swap3A_526 : vector<1x16xf32> to vector<16xf32>
        %swap3A_528 = vector.shape_cast %get3A_523 : vector<16xf32> to vector<1x16xf32>
        tpu.vector_store %arg5[%swap3A_524, %swap3A_525], %swap3A_528 {add = true, strides = array<i32>} : memref<8x1024xf32, #tpu.memory_space<vmem>>, vector<1x16xf32>,
        %mul3A_529 = arith.constant 128 : i32
        %mul3A_530 = arith.muli %select_n3A, %mul3A_529 : i32
        %add3A_531 = arith.constant 112 : i32
        %add3A_532 = arith.addi %mul3A_530, %add3A_531 : i32
        %get3A_533 = arith.index_cast %select_n3A_439 : i32 to index
        %get3A_534 = arith.index_cast %add3A_532 : i32 to index
        %get3A_535 = tpu.vector_load %arg13[%get3A_533, %get3A_534] {strides = array<i32>} : memref<8x1024xf32, #tpu.memory_space<vmem>>, vector<1x16xf32>,
        %get3A_536 = vector.shape_cast %get3A_535 : vector<1x16xf32> to vector<16xf32>
        %swap3A_537 = arith.index_cast %select_n3A_439 : i32 to index
        %swap3A_538 = arith.index_cast %add3A_532 : i32 to index
        %swap3A_539 = tpu.vector_load %arg5[%swap3A_537, %swap3A_538] {strides = array<i32>} : memref<8x1024xf32, #tpu.memory_space<vmem>>, vector<1x16xf32>,
        %swap3A_540 = vector.shape_cast %swap3A_539 : vector<1x16xf32> to vector<16xf32>
        %swap3A_541 = vector.shape_cast %get3A_536 : vector<16xf32> to vector<1x16xf32>
        tpu.vector_store %arg5[%swap3A_537, %swap3A_538], %swap3A_541 {add = true, strides = array<i32>} : memref<8x1024xf32, #tpu.memory_space<vmem>>, vector<1x16xf32>,
        %scan3A_542 = arith.constant 1 : i32
        %scan3A_543 = arith.addi %scan3A_408, %scan3A_542 : i32
        %jit3A_544 = arith.constant 8 : i32
        %div3A_545 = arith.divsi %scan3A_543, %jit3A_544 : i32
        %sign3A_546 = arith.constant 0 : i32
        %sign3A_547 = arith.cmpi sgt, %scan3A_543, %sign3A_546 : i32
        %sign3A_548 = arith.extui %sign3A_547 : i1 to i32
        %sign3A_549 = arith.constant 0 : i32
        %sign3A_550 = arith.cmpi slt, %scan3A_543, %sign3A_549 : i32
        %sign3A_551 = arith.extui %sign3A_550 : i1 to i32
        %sign3A_552 = arith.subi %sign3A_548, %sign3A_551 : i32
        %sign3A_553 = arith.constant 0 : i32
        %sign3A_554 = arith.cmpi sgt, %jit3A_544, %sign3A_553 : i32
        %sign3A_555 = arith.extui %sign3A_554 : i1 to i32
        %sign3A_556 = arith.constant 0 : i32
        %sign3A_557 = arith.cmpi slt, %jit3A_544, %sign3A_556 : i32
        %sign3A_558 = arith.extui %sign3A_557 : i1 to i32
        %sign3A_559 = arith.subi %sign3A_555, %sign3A_558 : i32
        %ne3A_560 = arith.cmpi ne, %sign3A_552, %sign3A_559 : i32
        %rem3A_561 = arith.remsi %scan3A_543, %jit3A_544 : i32
        %ne3A_562 = arith.constant 0 : i32
        %ne3A_563 = arith.cmpi ne, %rem3A_561, %ne3A_562 : i32
        %and3A_564 = arith.andi %ne3A_560, %ne3A_563 : i1
        %sub3A_565 = arith.constant 1 : i32
        %sub3A_566 = arith.subi %div3A_545, %sub3A_565 : i32
        %select_n3A_567 = arith.select %and3A_564, %sub3A_566, %div3A_545 : i32
        %jit3A_568 = arith.constant 8 : i32
        %eq3A_569 = arith.constant 0 : i32
        %eq3A_570 = arith.cmpi eq, %jit3A_568, %eq3A_569 : i32
        %jit3A_571 = arith.constant 1 : i32
        %select_n3A_572 = arith.select %eq3A_570, %jit3A_571, %jit3A_568 : i32
        %rem3A_573 = arith.remsi %scan3A_543, %select_n3A_572 : i32
        %ne3A_574 = arith.constant 0 : i32
        %ne3A_575 = arith.cmpi ne, %rem3A_573, %ne3A_574 : i32
        %lt3A_576 = arith.constant 0 : i32
        %lt3A_577 = arith.cmpi slt, %rem3A_573, %lt3A_576 : i32
        %lt3A_578 = arith.constant 0 : i32
        %lt3A_579 = arith.cmpi slt, %select_n3A_572, %lt3A_578 : i32
        %ne3A_580 = arith.xori %lt3A_577, %lt3A_579 : i1
        %and3A_581 = arith.andi %ne3A_580, %ne3A_575 : i1
        %add3A_582 = arith.addi %rem3A_573, %select_n3A_572 : i32
        %select_n3A_583 = arith.select %and3A_581, %add3A_582, %rem3A_573 : i32
        %mul3A_584 = arith.constant 128 : i32
        %mul3A_585 = arith.muli %select_n3A_567, %mul3A_584 : i32
        %add3A_586 = arith.constant 0 : i32
        %add3A_587 = arith.addi %mul3A_585, %add3A_586 : i32
        %get3A_588 = arith.index_cast %select_n3A_583 : i32 to index
        %get3A_589 = arith.index_cast %add3A_587 : i32 to index
        %get3A_590 = tpu.vector_load %arg13[%get3A_588, %get3A_589] {strides = array<i32>} : memref<8x1024xf32, #tpu.memory_space<vmem>>, vector<1x16xf32>,
        %get3A_591 = vector.shape_cast %get3A_590 : vector<1x16xf32> to vector<16xf32>
        %swap3A_592 = arith.index_cast %select_n3A_583 : i32 to index
        %swap3A_593 = arith.index_cast %add3A_587 : i32 to index
        %swap3A_594 = tpu.vector_load %arg5[%swap3A_592, %swap3A_593] {strides = array<i32>} : memref<8x1024xf32, #tpu.memory_space<vmem>>, vector<1x16xf32>,
        %swap3A_595 = vector.shape_cast %swap3A_594 : vector<1x16xf32> to vector<16xf32>
        %swap3A_596 = vector.shape_cast %get3A_591 : vector<16xf32> to vector<1x16xf32>
        tpu.vector_store %arg5[%swap3A_592, %swap3A_593], %swap3A_596 {add = true, strides = array<i32>} : memref<8x1024xf32, #tpu.memory_space<vmem>>, vector<1x16xf32>,
        %mul3A_597 = arith.constant 128 : i32
        %mul3A_598 = arith.muli %select_n3A_567, %mul3A_597 : i32
        %add3A_599 = arith.constant 16 : i32
        %add3A_600 = arith.addi %mul3A_598, %add3A_599 : i32
        %get3A_601 = arith.index_cast %select_n3A_583 : i32 to index
        %get3A_602 = arith.index_cast %add3A_600 : i32 to index
        %get3A_603 = tpu.vector_load %arg13[%get3A_601, %get3A_602] {strides = array<i32>} : memref<8x1024xf32, #tpu.memory_space<vmem>>, vector<1x16xf32>,
        %get3A_604 = vector.shape_cast %get3A_603 : vector<1x16xf32> to vector<16xf32>
        %swap3A_605 = arith.index_cast %select_n3A_583 : i32 to index
        %swap3A_606 = arith.index_cast %add3A_600 : i32 to index
        %swap3A_607 = tpu.vector_load %arg5[%swap3A_605, %swap3A_606] {strides = array<i32>} : memref<8x1024xf32, #tpu.memory_space<vmem>>, vector<1x16xf32>,
        %swap3A_608 = vector.shape_cast %swap3A_607 : vector<1x16xf32> to vector<16xf32>
        %swap3A_609 = vector.shape_cast %get3A_604 : vector<16xf32> to vector<1x16xf32>
        tpu.vector_store %arg5[%swap3A_605, %swap3A_606], %swap3A_609 {add = true, strides = array<i32>} : memref<8x1024xf32, #tpu.memory_space<vmem>>, vector<1x16xf32>,
        %mul3A_610 = arith.constant 128 : i32
        %mul3A_611 = arith.muli %select_n3A_567, %mul3A_610 : i32
        %add3A_612 = arith.constant 32 : i32
        %add3A_613 = arith.addi %mul3A_611, %add3A_612 : i32
        %get3A_614 = arith.index_cast %select_n3A_583 : i32 to index
        %get3A_615 = arith.index_cast %add3A_613 : i32 to index
        %get3A_616 = tpu.vector_load %arg13[%get3A_614, %get3A_615] {strides = array<i32>} : memref<8x1024xf32, #tpu.memory_space<vmem>>, vector<1x16xf32>,
        %get3A_617 = vector.shape_cast %get3A_616 : vector<1x16xf32> to vector<16xf32>
        %swap3A_618 = arith.index_cast %select_n3A_583 : i32 to index
        %swap3A_619 = arith.index_cast %add3A_613 : i32 to index
        %swap3A_620 = tpu.vector_load %arg5[%swap3A_618, %swap3A_619] {strides = array<i32>} : memref<8x1024xf32, #tpu.memory_space<vmem>>, vector<1x16xf32>,
        %swap3A_621 = vector.shape_cast %swap3A_620 : vector<1x16xf32> to vector<16xf32>
        %swap3A_622 = vector.shape_cast %get3A_617 : vector<16xf32> to vector<1x16xf32>
        tpu.vector_store %arg5[%swap3A_618, %swap3A_619], %swap3A_622 {add = true, strides = array<i32>} : memref<8x1024xf32, #tpu.memory_space<vmem>>, vector<1x16xf32>,
        %mul3A_623 = arith.constant 128 : i32
        %mul3A_624 = arith.muli %select_n3A_567, %mul3A_623 : i32
        %add3A_625 = arith.constant 48 : i32
        %add3A_626 = arith.addi %mul3A_624, %add3A_625 : i32
        %get3A_627 = arith.index_cast %select_n3A_583 : i32 to index
        %get3A_628 = arith.index_cast %add3A_626 : i32 to index
        %get3A_629 = tpu.vector_load %arg13[%get3A_627, %get3A_628] {strides = array<i32>} : memref<8x1024xf32, #tpu.memory_space<vmem>>, vector<1x16xf32>,
        %get3A_630 = vector.shape_cast %get3A_629 : vector<1x16xf32> to vector<16xf32>
        %swap3A_631 = arith.index_cast %select_n3A_583 : i32 to index
        %swap3A_632 = arith.index_cast %add3A_626 : i32 to index
        %swap3A_633 = tpu.vector_load %arg5[%swap3A_631, %swap3A_632] {strides = array<i32>} : memref<8x1024xf32, #tpu.memory_space<vmem>>, vector<1x16xf32>,
        %swap3A_634 = vector.shape_cast %swap3A_633 : vector<1x16xf32> to vector<16xf32>
        %swap3A_635 = vector.shape_cast %get3A_630 : vector<16xf32> to vector<1x16xf32>
        tpu.vector_store %arg5[%swap3A_631, %swap3A_632], %swap3A_635 {add = true, strides = array<i32>} : memref<8x1024xf32, #tpu.memory_space<vmem>>, vector<1x16xf32>,
        %mul3A_636 = arith.constant 128 : i32
        %mul3A_637 = arith.muli %select_n3A_567, %mul3A_636 : i32
        %add3A_638 = arith.constant 64 : i32
        %add3A_639 = arith.addi %mul3A_637, %add3A_638 : i32
        %get3A_640 = arith.index_cast %select_n3A_583 : i32 to index
        %get3A_641 = arith.index_cast %add3A_639 : i32 to index
        %get3A_642 = tpu.vector_load %arg13[%get3A_640, %get3A_641] {strides = array<i32>} : memref<8x1024xf32, #tpu.memory_space<vmem>>, vector<1x16xf32>,
        %get3A_643 = vector.shape_cast %get3A_642 : vector<1x16xf32> to vector<16xf32>
        %swap3A_644 = arith.index_cast %select_n3A_583 : i32 to index
        %swap3A_645 = arith.index_cast %add3A_639 : i32 to index
        %swap3A_646 = tpu.vector_load %arg5[%swap3A_644, %swap3A_645] {strides = array<i32>} : memref<8x1024xf32, #tpu.memory_space<vmem>>, vector<1x16xf32>,
        %swap3A_647 = vector.shape_cast %swap3A_646 : vector<1x16xf32> to vector<16xf32>
        %swap3A_648 = vector.shape_cast %get3A_643 : vector<16xf32> to vector<1x16xf32>
        tpu.vector_store %arg5[%swap3A_644, %swap3A_645], %swap3A_648 {add = true, strides = array<i32>} : memref<8x1024xf32, #tpu.memory_space<vmem>>, vector<1x16xf32>,
        %mul3A_649 = arith.constant 128 : i32
        %mul3A_650 = arith.muli %select_n3A_567, %mul3A_649 : i32
        %add3A_651 = arith.constant 80 : i32
        %add3A_652 = arith.addi %mul3A_650, %add3A_651 : i32
        %get3A_653 = arith.index_cast %select_n3A_583 : i32 to index
        %get3A_654 = arith.index_cast %add3A_652 : i32 to index
        %get3A_655 = tpu.vector_load %arg13[%get3A_653, %get3A_654] {strides = array<i32>} : memref<8x1024xf32, #tpu.memory_space<vmem>>, vector<1x16xf32>,
        %get3A_656 = vector.shape_cast %get3A_655 : vector<1x16xf32> to vector<16xf32>
        %swap3A_657 = arith.index_cast %select_n3A_583 : i32 to index
        %swap3A_658 = arith.index_cast %add3A_652 : i32 to index
        %swap3A_659 = tpu.vector_load %arg5[%swap3A_657, %swap3A_658] {strides = array<i32>} : memref<8x1024xf32, #tpu.memory_space<vmem>>, vector<1x16xf32>,
        %swap3A_660 = vector.shape_cast %swap3A_659 : vector<1x16xf32> to vector<16xf32>
        %swap3A_661 = vector.shape_cast %get3A_656 : vector<16xf32> to vector<1x16xf32>
        tpu.vector_store %arg5[%swap3A_657, %swap3A_658], %swap3A_661 {add = true, strides = array<i32>} : memref<8x1024xf32, #tpu.memory_space<vmem>>, vector<1x16xf32>,
        %mul3A_662 = arith.constant 128 : i32
        %mul3A_663 = arith.muli %select_n3A_567, %mul3A_662 : i32
        %add3A_664 = arith.constant 96 : i32
        %add3A_665 = arith.addi %mul3A_663, %add3A_664 : i32
        %get3A_666 = arith.index_cast %select_n3A_583 : i32 to index
        %get3A_667 = arith.index_cast %add3A_665 : i32 to index
        %get3A_668 = tpu.vector_load %arg13[%get3A_666, %get3A_667] {strides = array<i32>} : memref<8x1024xf32, #tpu.memory_space<vmem>>, vector<1x16xf32>,
        %get3A_669 = vector.shape_cast %get3A_668 : vector<1x16xf32> to vector<16xf32>
        %swap3A_670 = arith.index_cast %select_n3A_583 : i32 to index
        %swap3A_671 = arith.index_cast %add3A_665 : i32 to index
        %swap3A_672 = tpu.vector_load %arg5[%swap3A_670, %swap3A_671] {strides = array<i32>} : memref<8x1024xf32, #tpu.memory_space<vmem>>, vector<1x16xf32>,
        %swap3A_673 = vector.shape_cast %swap3A_672 : vector<1x16xf32> to vector<16xf32>
        %swap3A_674 = vector.shape_cast %get3A_669 : vector<16xf32> to vector<1x16xf32>
        tpu.vector_store %arg5[%swap3A_670, %swap3A_671], %swap3A_674 {add = true, strides = array<i32>} : memref<8x1024xf32, #tpu.memory_space<vmem>>, vector<1x16xf32>,
        %mul3A_675 = arith.constant 128 : i32
        %mul3A_676 = arith.muli %select_n3A_567, %mul3A_675 : i32
        %add3A_677 = arith.constant 112 : i32
        %add3A_678 = arith.addi %mul3A_676, %add3A_677 : i32
        %get3A_679 = arith.index_cast %select_n3A_583 : i32 to index
        %get3A_680 = arith.index_cast %add3A_678 : i32 to index
        %get3A_681 = tpu.vector_load %arg13[%get3A_679, %get3A_680] {strides = array<i32>} : memref<8x1024xf32, #tpu.memory_space<vmem>>, vector<1x16xf32>,
        %get3A_682 = vector.shape_cast %get3A_681 : vector<1x16xf32> to vector<16xf32>
        %swap3A_683 = arith.index_cast %select_n3A_583 : i32 to index
        %swap3A_684 = arith.index_cast %add3A_678 : i32 to index
        %swap3A_685 = tpu.vector_load %arg5[%swap3A_683, %swap3A_684] {strides = array<i32>} : memref<8x1024xf32, #tpu.memory_space<vmem>>, vector<1x16xf32>,
        %swap3A_686 = vector.shape_cast %swap3A_685 : vector<1x16xf32> to vector<16xf32>
        %swap3A_687 = vector.shape_cast %get3A_682 : vector<16xf32> to vector<1x16xf32>
        tpu.vector_store %arg5[%swap3A_683, %swap3A_684], %swap3A_687 {add = true, strides = array<i32>} : memref<8x1024xf32, #tpu.memory_space<vmem>>, vector<1x16xf32>,
      }
      %scan3A_132 = arith.constant 64 : i32
      %mul3A_133 = arith.constant 8 : i32
      %mul3A_134 = arith.muli %add3A_96, %mul3A_133 : i32
      %add3A_135 = arith.addi %mul3A_2, %mul3A_134 : i32
      %multiple_of3A_136 = tpu.assume_multiple %add3A_135, 8 : i32
      %dma_start3A_137 = arith.constant 0 : i32
      %dma_start3A_138 = arith.constant 0 : i32
      %dma_start3A_139 = tpu.memref_slice %arg4[%dma_start3A_137, %multiple_of3A_136, %dma_start3A_138] : memref<4x8192x1024xf32, #tpu.memory_space<hbm>> -> memref<1x8x1024xf32, #tpu.memory_space<hbm>>
      %dma_start3A_140 = tpu.memref_squeeze %dma_start3A_139 : memref<1x8x1024xf32, #tpu.memory_space<hbm>> -> memref<8x1024xf32, #tpu.memory_space<hbm>>
      %dma_start3A_141 = arith.constant 0 : i32
      %dma_start3A_142 = tpu.memref_slice %arg4[%dma_start3A_137, %multiple_of3A_136, %dma_start3A_141] : memref<4x8192x1024xf32, #tpu.memory_space<hbm>> -> memref<1x8x1024xf32, #tpu.memory_space<hbm>>
      %dma_start3A_143 = tpu.memref_squeeze %dma_start3A_142 : memref<1x8x1024xf32, #tpu.memory_space<hbm>> -> memref<8x1024xf32, #tpu.memory_space<hbm>>
      tpu.enqueue_dma source(%arg5 : memref<8x1024xf32, #tpu.memory_space<vmem>>) target(%dma_start3A_143 : memref<8x1024xf32, #tpu.memory_space<hbm>>) target_semaphore(%arg23 : memref<!tpu.dma_semaphore, #tpu.memory_space<semaphore_mem>>)
      %mul3A_144 = arith.constant 8 : i32
      %mul3A_145 = arith.muli %add3A_96, %mul3A_144 : i32
      %add3A_146 = arith.addi %mul3A_2, %mul3A_145 : i32
      %multiple_of3A_147 = tpu.assume_multiple %add3A_146, 8 : i32
      %dma_wait3A_148 = arith.constant 1 : i32
      %dma_wait3A_149 = arith.constant 0 : i32
      %dma_wait3A_150 = tpu.memref_slice %arg2[%dma_wait3A_148, %multiple_of3A_147, %dma_wait3A_149] : memref<4x8192x1024xf32, #tpu.memory_space<hbm>> -> memref<1x8x1024xf32, #tpu.memory_space<hbm>>
      %dma_wait3A_151 = tpu.memref_squeeze %dma_wait3A_150 : memref<1x8x1024xf32, #tpu.memory_space<hbm>> -> memref<8x1024xf32, #tpu.memory_space<hbm>>
      %dma_wait3A_152 = arith.constant 0 : i32
      %dma_wait3A_153 = tpu.memref_slice %arg2[%dma_wait3A_148, %multiple_of3A_147, %dma_wait3A_152] : memref<4x8192x1024xf32, #tpu.memory_space<hbm>> -> memref<1x8x1024xf32, #tpu.memory_space<hbm>>
      %dma_wait3A_154 = tpu.memref_squeeze %dma_wait3A_153 : memref<1x8x1024xf32, #tpu.memory_space<hbm>> -> memref<8x1024xf32, #tpu.memory_space<hbm>>
      tpu.wait_dma2 semaphore(%arg16 : memref<!tpu.dma_semaphore, #tpu.memory_space<semaphore_mem>>) src(%dma_wait3A_154 : memref<8x1024xf32, #tpu.memory_space<hbm>>) dst(%arg6 : memref<8x1024xf32, #tpu.memory_space<vmem>>)
      %add3A_155 = arith.constant 1 : i32
      %add3A_156 = arith.addi %add3A_96, %add3A_155 : i32
      %lt3A_157 = arith.constant 32 : i32
      %lt3A_158 = arith.cmpi slt, %add3A_156, %lt3A_157 : i32
      %convert_element_type3A_159 = arith.extui %lt3A_158 : i1 to i32
      %cond3A_160 = arith.constant 0 : i32
      %cond3A_161 = arith.cmpi ne, %convert_element_type3A_159, %cond3A_160 : i32
      scf.if %cond3A_161 {
        %ge3A = arith.constant 1 : i32
        %ge3A_408 = arith.cmpi sge, %add3A_96, %ge3A : i32
        %convert_element_type3A_409 = arith.extui %ge3A_408 : i1 to i32
        %cond3A_410 = arith.constant 0 : i32
        %cond3A_411 = arith.cmpi ne, %convert_element_type3A_409, %cond3A_410 : i32
        scf.if %cond3A_411 {
          %sub3A = arith.constant 1 : i32
          %sub3A_425 = arith.subi %add3A_96, %sub3A : i32
          %mul3A_426 = arith.constant 8 : i32
          %mul3A_427 = arith.muli %sub3A_425, %mul3A_426 : i32
          %add3A_428 = arith.addi %mul3A_2, %mul3A_427 : i32
          %multiple_of3A_429 = tpu.assume_multiple %add3A_428, 8 : i32
          %dma_wait3A_430 = arith.constant 1 : i32
          %dma_wait3A_431 = arith.constant 0 : i32
          %dma_wait3A_432 = tpu.memref_slice %arg4[%dma_wait3A_430, %multiple_of3A_429, %dma_wait3A_431] : memref<4x8192x1024xf32, #tpu.memory_space<hbm>> -> memref<1x8x1024xf32, #tpu.memory_space<hbm>>
          %dma_wait3A_433 = tpu.memref_squeeze %dma_wait3A_432 : memref<1x8x1024xf32, #tpu.memory_space<hbm>> -> memref<8x1024xf32, #tpu.memory_space<hbm>>
          %dma_wait3A_434 = arith.constant 0 : i32
          %dma_wait3A_435 = tpu.memref_slice %arg4[%dma_wait3A_430, %multiple_of3A_429, %dma_wait3A_434] : memref<4x8192x1024xf32, #tpu.memory_space<hbm>> -> memref<1x8x1024xf32, #tpu.memory_space<hbm>>
          %dma_wait3A_436 = tpu.memref_squeeze %dma_wait3A_435 : memref<1x8x1024xf32, #tpu.memory_space<hbm>> -> memref<8x1024xf32, #tpu.memory_space<hbm>>
          tpu.wait_dma2 semaphore(%arg28 : memref<!tpu.dma_semaphore, #tpu.memory_space<semaphore_mem>>) src(%arg10 : memref<8x1024xf32, #tpu.memory_space<vmem>>) dst(%dma_wait3A_436 : memref<8x1024xf32, #tpu.memory_space<hbm>>)
        } else {
        }
        %add3A_412 = arith.constant 1 : i32
        %add3A_413 = arith.addi %add3A_96, %add3A_412 : i32
        %mul3A_414 = arith.constant 8 : i32
        %mul3A_415 = arith.muli %add3A_413, %mul3A_414 : i32
        %add3A_416 = arith.addi %mul3A_2, %mul3A_415 : i32
        %multiple_of3A_417 = tpu.assume_multiple %add3A_416, 8 : i32
        %dma_start3A_418 = arith.constant 1 : i32
        %dma_start3A_419 = arith.constant 0 : i32
        %dma_start3A_420 = tpu.memref_slice %arg2[%dma_start3A_418, %multiple_of3A_417, %dma_start3A_419] : memref<4x8192x1024xf32, #tpu.memory_space<hbm>> -> memref<1x8x1024xf32, #tpu.memory_space<hbm>>
        %dma_start3A_421 = tpu.memref_squeeze %dma_start3A_420 : memref<1x8x1024xf32, #tpu.memory_space<hbm>> -> memref<8x1024xf32, #tpu.memory_space<hbm>>
        %dma_start3A_422 = arith.constant 0 : i32
        %dma_start3A_423 = tpu.memref_slice %arg2[%dma_start3A_418, %multiple_of3A_417, %dma_start3A_422] : memref<4x8192x1024xf32, #tpu.memory_space<hbm>> -> memref<1x8x1024xf32, #tpu.memory_space<hbm>>
        %dma_start3A_424 = tpu.memref_squeeze %dma_start3A_423 : memref<1x8x1024xf32, #tpu.memory_space<hbm>> -> memref<8x1024xf32, #tpu.memory_space<hbm>>
        tpu.enqueue_dma source(%dma_start3A_424 : memref<8x1024xf32, #tpu.memory_space<hbm>>) target(%arg10 : memref<8x1024xf32, #tpu.memory_space<vmem>>) target_semaphore(%arg20 : memref<!tpu.dma_semaphore, #tpu.memory_space<semaphore_mem>>)
      } else {
      }
      %scan3A_162 = arith.constant 0 : i32
      %scan3A_163 = arith.constant 0 : i32
      %scan3A_164 = arith.constant 64 : i32
      %scan3A_165 = arith.addi %scan3A_163, %scan3A_164 : i32
      %scan3A_166 = arith.constant 2 : i32
      scf.for %scan3A_408 = %scan3A_163 to %scan3A_165 step %scan3A_166  : i32 {
        %jit3A = arith.constant 8 : i32
        %div3A = arith.divsi %scan3A_408, %jit3A : i32
        %sign3A = arith.constant 0 : i32
        %sign3A_409 = arith.cmpi sgt, %scan3A_408, %sign3A : i32
        %sign3A_410 = arith.extui %sign3A_409 : i1 to i32
        %sign3A_411 = arith.constant 0 : i32
        %sign3A_412 = arith.cmpi slt, %scan3A_408, %sign3A_411 : i32
        %sign3A_413 = arith.extui %sign3A_412 : i1 to i32
        %sign3A_414 = arith.subi %sign3A_410, %sign3A_413 : i32
        %sign3A_415 = arith.constant 0 : i32
        %sign3A_416 = arith.cmpi sgt, %jit3A, %sign3A_415 : i32
        %sign3A_417 = arith.extui %sign3A_416 : i1 to i32
        %sign3A_418 = arith.constant 0 : i32
        %sign3A_419 = arith.cmpi slt, %jit3A, %sign3A_418 : i32
        %sign3A_420 = arith.extui %sign3A_419 : i1 to i32
        %sign3A_421 = arith.subi %sign3A_417, %sign3A_420 : i32
        %ne3A = arith.cmpi ne, %sign3A_414, %sign3A_421 : i32
        %rem3A = arith.remsi %scan3A_408, %jit3A : i32
        %ne3A_422 = arith.constant 0 : i32
        %ne3A_423 = arith.cmpi ne, %rem3A, %ne3A_422 : i32
        %and3A = arith.andi %ne3A, %ne3A_423 : i1
        %sub3A = arith.constant 1 : i32
        %sub3A_424 = arith.subi %div3A, %sub3A : i32
        %select_n3A = arith.select %and3A, %sub3A_424, %div3A : i32
        %jit3A_425 = arith.constant 8 : i32
        %eq3A = arith.constant 0 : i32
        %eq3A_426 = arith.cmpi eq, %jit3A_425, %eq3A : i32
        %jit3A_427 = arith.constant 1 : i32
        %select_n3A_428 = arith.select %eq3A_426, %jit3A_427, %jit3A_425 : i32
        %rem3A_429 = arith.remsi %scan3A_408, %select_n3A_428 : i32
        %ne3A_430 = arith.constant 0 : i32
        %ne3A_431 = arith.cmpi ne, %rem3A_429, %ne3A_430 : i32
        %lt3A_432 = arith.constant 0 : i32
        %lt3A_433 = arith.cmpi slt, %rem3A_429, %lt3A_432 : i32
        %lt3A_434 = arith.constant 0 : i32
        %lt3A_435 = arith.cmpi slt, %select_n3A_428, %lt3A_434 : i32
        %ne3A_436 = arith.xori %lt3A_433, %lt3A_435 : i1
        %and3A_437 = arith.andi %ne3A_436, %ne3A_431 : i1
        %add3A_438 = arith.addi %rem3A_429, %select_n3A_428 : i32
        %select_n3A_439 = arith.select %and3A_437, %add3A_438, %rem3A_429 : i32
        %mul3A_440 = arith.constant 128 : i32
        %mul3A_441 = arith.muli %select_n3A, %mul3A_440 : i32
        %add3A_442 = arith.constant 0 : i32
        %add3A_443 = arith.addi %mul3A_441, %add3A_442 : i32
        %get3A = arith.index_cast %select_n3A_439 : i32 to index
        %get3A_444 = arith.index_cast %add3A_443 : i32 to index
        %get3A_445 = tpu.vector_load %arg13[%get3A, %get3A_444] {strides = array<i32>} : memref<8x1024xf32, #tpu.memory_space<vmem>>, vector<1x16xf32>,
        %get3A_446 = vector.shape_cast %get3A_445 : vector<1x16xf32> to vector<16xf32>
        %swap3A = arith.index_cast %select_n3A_439 : i32 to index
        %swap3A_447 = arith.index_cast %add3A_443 : i32 to index
        %swap3A_448 = tpu.vector_load %arg6[%swap3A, %swap3A_447] {strides = array<i32>} : memref<8x1024xf32, #tpu.memory_space<vmem>>, vector<1x16xf32>,
        %swap3A_449 = vector.shape_cast %swap3A_448 : vector<1x16xf32> to vector<16xf32>
        %swap3A_450 = vector.shape_cast %get3A_446 : vector<16xf32> to vector<1x16xf32>
        tpu.vector_store %arg6[%swap3A, %swap3A_447], %swap3A_450 {add = true, strides = array<i32>} : memref<8x1024xf32, #tpu.memory_space<vmem>>, vector<1x16xf32>,
        %mul3A_451 = arith.constant 128 : i32
        %mul3A_452 = arith.muli %select_n3A, %mul3A_451 : i32
        %add3A_453 = arith.constant 16 : i32
        %add3A_454 = arith.addi %mul3A_452, %add3A_453 : i32
        %get3A_455 = arith.index_cast %select_n3A_439 : i32 to index
        %get3A_456 = arith.index_cast %add3A_454 : i32 to index
        %get3A_457 = tpu.vector_load %arg13[%get3A_455, %get3A_456] {strides = array<i32>} : memref<8x1024xf32, #tpu.memory_space<vmem>>, vector<1x16xf32>,
        %get3A_458 = vector.shape_cast %get3A_457 : vector<1x16xf32> to vector<16xf32>
        %swap3A_459 = arith.index_cast %select_n3A_439 : i32 to index
        %swap3A_460 = arith.index_cast %add3A_454 : i32 to index
        %swap3A_461 = tpu.vector_load %arg6[%swap3A_459, %swap3A_460] {strides = array<i32>} : memref<8x1024xf32, #tpu.memory_space<vmem>>, vector<1x16xf32>,
        %swap3A_462 = vector.shape_cast %swap3A_461 : vector<1x16xf32> to vector<16xf32>
        %swap3A_463 = vector.shape_cast %get3A_458 : vector<16xf32> to vector<1x16xf32>
        tpu.vector_store %arg6[%swap3A_459, %swap3A_460], %swap3A_463 {add = true, strides = array<i32>} : memref<8x1024xf32, #tpu.memory_space<vmem>>, vector<1x16xf32>,
        %mul3A_464 = arith.constant 128 : i32
        %mul3A_465 = arith.muli %select_n3A, %mul3A_464 : i32
        %add3A_466 = arith.constant 32 : i32
        %add3A_467 = arith.addi %mul3A_465, %add3A_466 : i32
        %get3A_468 = arith.index_cast %select_n3A_439 : i32 to index
        %get3A_469 = arith.index_cast %add3A_467 : i32 to index
        %get3A_470 = tpu.vector_load %arg13[%get3A_468, %get3A_469] {strides = array<i32>} : memref<8x1024xf32, #tpu.memory_space<vmem>>, vector<1x16xf32>,
        %get3A_471 = vector.shape_cast %get3A_470 : vector<1x16xf32> to vector<16xf32>
        %swap3A_472 = arith.index_cast %select_n3A_439 : i32 to index
        %swap3A_473 = arith.index_cast %add3A_467 : i32 to index
        %swap3A_474 = tpu.vector_load %arg6[%swap3A_472, %swap3A_473] {strides = array<i32>} : memref<8x1024xf32, #tpu.memory_space<vmem>>, vector<1x16xf32>,
        %swap3A_475 = vector.shape_cast %swap3A_474 : vector<1x16xf32> to vector<16xf32>
        %swap3A_476 = vector.shape_cast %get3A_471 : vector<16xf32> to vector<1x16xf32>
        tpu.vector_store %arg6[%swap3A_472, %swap3A_473], %swap3A_476 {add = true, strides = array<i32>} : memref<8x1024xf32, #tpu.memory_space<vmem>>, vector<1x16xf32>,
        %mul3A_477 = arith.constant 128 : i32
        %mul3A_478 = arith.muli %select_n3A, %mul3A_477 : i32
        %add3A_479 = arith.constant 48 : i32
        %add3A_480 = arith.addi %mul3A_478, %add3A_479 : i32
        %get3A_481 = arith.index_cast %select_n3A_439 : i32 to index
        %get3A_482 = arith.index_cast %add3A_480 : i32 to index
        %get3A_483 = tpu.vector_load %arg13[%get3A_481, %get3A_482] {strides = array<i32>} : memref<8x1024xf32, #tpu.memory_space<vmem>>, vector<1x16xf32>,
        %get3A_484 = vector.shape_cast %get3A_483 : vector<1x16xf32> to vector<16xf32>
        %swap3A_485 = arith.index_cast %select_n3A_439 : i32 to index
        %swap3A_486 = arith.index_cast %add3A_480 : i32 to index
        %swap3A_487 = tpu.vector_load %arg6[%swap3A_485, %swap3A_486] {strides = array<i32>} : memref<8x1024xf32, #tpu.memory_space<vmem>>, vector<1x16xf32>,
        %swap3A_488 = vector.shape_cast %swap3A_487 : vector<1x16xf32> to vector<16xf32>
        %swap3A_489 = vector.shape_cast %get3A_484 : vector<16xf32> to vector<1x16xf32>
        tpu.vector_store %arg6[%swap3A_485, %swap3A_486], %swap3A_489 {add = true, strides = array<i32>} : memref<8x1024xf32, #tpu.memory_space<vmem>>, vector<1x16xf32>,
        %mul3A_490 = arith.constant 128 : i32
        %mul3A_491 = arith.muli %select_n3A, %mul3A_490 : i32
        %add3A_492 = arith.constant 64 : i32
        %add3A_493 = arith.addi %mul3A_491, %add3A_492 : i32
        %get3A_494 = arith.index_cast %select_n3A_439 : i32 to index
        %get3A_495 = arith.index_cast %add3A_493 : i32 to index
        %get3A_496 = tpu.vector_load %arg13[%get3A_494, %get3A_495] {strides = array<i32>} : memref<8x1024xf32, #tpu.memory_space<vmem>>, vector<1x16xf32>,
        %get3A_497 = vector.shape_cast %get3A_496 : vector<1x16xf32> to vector<16xf32>
        %swap3A_498 = arith.index_cast %select_n3A_439 : i32 to index
        %swap3A_499 = arith.index_cast %add3A_493 : i32 to index
        %swap3A_500 = tpu.vector_load %arg6[%swap3A_498, %swap3A_499] {strides = array<i32>} : memref<8x1024xf32, #tpu.memory_space<vmem>>, vector<1x16xf32>,
        %swap3A_501 = vector.shape_cast %swap3A_500 : vector<1x16xf32> to vector<16xf32>
        %swap3A_502 = vector.shape_cast %get3A_497 : vector<16xf32> to vector<1x16xf32>
        tpu.vector_store %arg6[%swap3A_498, %swap3A_499], %swap3A_502 {add = true, strides = array<i32>} : memref<8x1024xf32, #tpu.memory_space<vmem>>, vector<1x16xf32>,
        %mul3A_503 = arith.constant 128 : i32
        %mul3A_504 = arith.muli %select_n3A, %mul3A_503 : i32
        %add3A_505 = arith.constant 80 : i32
        %add3A_506 = arith.addi %mul3A_504, %add3A_505 : i32
        %get3A_507 = arith.index_cast %select_n3A_439 : i32 to index
        %get3A_508 = arith.index_cast %add3A_506 : i32 to index
        %get3A_509 = tpu.vector_load %arg13[%get3A_507, %get3A_508] {strides = array<i32>} : memref<8x1024xf32, #tpu.memory_space<vmem>>, vector<1x16xf32>,
        %get3A_510 = vector.shape_cast %get3A_509 : vector<1x16xf32> to vector<16xf32>
        %swap3A_511 = arith.index_cast %select_n3A_439 : i32 to index
        %swap3A_512 = arith.index_cast %add3A_506 : i32 to index
        %swap3A_513 = tpu.vector_load %arg6[%swap3A_511, %swap3A_512] {strides = array<i32>} : memref<8x1024xf32, #tpu.memory_space<vmem>>, vector<1x16xf32>,
        %swap3A_514 = vector.shape_cast %swap3A_513 : vector<1x16xf32> to vector<16xf32>
        %swap3A_515 = vector.shape_cast %get3A_510 : vector<16xf32> to vector<1x16xf32>
        tpu.vector_store %arg6[%swap3A_511, %swap3A_512], %swap3A_515 {add = true, strides = array<i32>} : memref<8x1024xf32, #tpu.memory_space<vmem>>, vector<1x16xf32>,
        %mul3A_516 = arith.constant 128 : i32
        %mul3A_517 = arith.muli %select_n3A, %mul3A_516 : i32
        %add3A_518 = arith.constant 96 : i32
        %add3A_519 = arith.addi %mul3A_517, %add3A_518 : i32
        %get3A_520 = arith.index_cast %select_n3A_439 : i32 to index
        %get3A_521 = arith.index_cast %add3A_519 : i32 to index
        %get3A_522 = tpu.vector_load %arg13[%get3A_520, %get3A_521] {strides = array<i32>} : memref<8x1024xf32, #tpu.memory_space<vmem>>, vector<1x16xf32>,
        %get3A_523 = vector.shape_cast %get3A_522 : vector<1x16xf32> to vector<16xf32>
        %swap3A_524 = arith.index_cast %select_n3A_439 : i32 to index
        %swap3A_525 = arith.index_cast %add3A_519 : i32 to index
        %swap3A_526 = tpu.vector_load %arg6[%swap3A_524, %swap3A_525] {strides = array<i32>} : memref<8x1024xf32, #tpu.memory_space<vmem>>, vector<1x16xf32>,
        %swap3A_527 = vector.shape_cast %swap3A_526 : vector<1x16xf32> to vector<16xf32>
        %swap3A_528 = vector.shape_cast %get3A_523 : vector<16xf32> to vector<1x16xf32>
        tpu.vector_store %arg6[%swap3A_524, %swap3A_525], %swap3A_528 {add = true, strides = array<i32>} : memref<8x1024xf32, #tpu.memory_space<vmem>>, vector<1x16xf32>,
        %mul3A_529 = arith.constant 128 : i32
        %mul3A_530 = arith.muli %select_n3A, %mul3A_529 : i32
        %add3A_531 = arith.constant 112 : i32
        %add3A_532 = arith.addi %mul3A_530, %add3A_531 : i32
        %get3A_533 = arith.index_cast %select_n3A_439 : i32 to index
        %get3A_534 = arith.index_cast %add3A_532 : i32 to index
        %get3A_535 = tpu.vector_load %arg13[%get3A_533, %get3A_534] {strides = array<i32>} : memref<8x1024xf32, #tpu.memory_space<vmem>>, vector<1x16xf32>,
        %get3A_536 = vector.shape_cast %get3A_535 : vector<1x16xf32> to vector<16xf32>
        %swap3A_537 = arith.index_cast %select_n3A_439 : i32 to index
        %swap3A_538 = arith.index_cast %add3A_532 : i32 to index
        %swap3A_539 = tpu.vector_load %arg6[%swap3A_537, %swap3A_538] {strides = array<i32>} : memref<8x1024xf32, #tpu.memory_space<vmem>>, vector<1x16xf32>,
        %swap3A_540 = vector.shape_cast %swap3A_539 : vector<1x16xf32> to vector<16xf32>
        %swap3A_541 = vector.shape_cast %get3A_536 : vector<16xf32> to vector<1x16xf32>
        tpu.vector_store %arg6[%swap3A_537, %swap3A_538], %swap3A_541 {add = true, strides = array<i32>} : memref<8x1024xf32, #tpu.memory_space<vmem>>, vector<1x16xf32>,
        %scan3A_542 = arith.constant 1 : i32
        %scan3A_543 = arith.addi %scan3A_408, %scan3A_542 : i32
        %jit3A_544 = arith.constant 8 : i32
        %div3A_545 = arith.divsi %scan3A_543, %jit3A_544 : i32
        %sign3A_546 = arith.constant 0 : i32
        %sign3A_547 = arith.cmpi sgt, %scan3A_543, %sign3A_546 : i32
        %sign3A_548 = arith.extui %sign3A_547 : i1 to i32
        %sign3A_549 = arith.constant 0 : i32
        %sign3A_550 = arith.cmpi slt, %scan3A_543, %sign3A_549 : i32
        %sign3A_551 = arith.extui %sign3A_550 : i1 to i32
        %sign3A_552 = arith.subi %sign3A_548, %sign3A_551 : i32
        %sign3A_553 = arith.constant 0 : i32
        %sign3A_554 = arith.cmpi sgt, %jit3A_544, %sign3A_553 : i32
        %sign3A_555 = arith.extui %sign3A_554 : i1 to i32
        %sign3A_556 = arith.constant 0 : i32
        %sign3A_557 = arith.cmpi slt, %jit3A_544, %sign3A_556 : i32
        %sign3A_558 = arith.extui %sign3A_557 : i1 to i32
        %sign3A_559 = arith.subi %sign3A_555, %sign3A_558 : i32
        %ne3A_560 = arith.cmpi ne, %sign3A_552, %sign3A_559 : i32
        %rem3A_561 = arith.remsi %scan3A_543, %jit3A_544 : i32
        %ne3A_562 = arith.constant 0 : i32
        %ne3A_563 = arith.cmpi ne, %rem3A_561, %ne3A_562 : i32
        %and3A_564 = arith.andi %ne3A_560, %ne3A_563 : i1
        %sub3A_565 = arith.constant 1 : i32
        %sub3A_566 = arith.subi %div3A_545, %sub3A_565 : i32
        %select_n3A_567 = arith.select %and3A_564, %sub3A_566, %div3A_545 : i32
        %jit3A_568 = arith.constant 8 : i32
        %eq3A_569 = arith.constant 0 : i32
        %eq3A_570 = arith.cmpi eq, %jit3A_568, %eq3A_569 : i32
        %jit3A_571 = arith.constant 1 : i32
        %select_n3A_572 = arith.select %eq3A_570, %jit3A_571, %jit3A_568 : i32
        %rem3A_573 = arith.remsi %scan3A_543, %select_n3A_572 : i32
        %ne3A_574 = arith.constant 0 : i32
        %ne3A_575 = arith.cmpi ne, %rem3A_573, %ne3A_574 : i32
        %lt3A_576 = arith.constant 0 : i32
        %lt3A_577 = arith.cmpi slt, %rem3A_573, %lt3A_576 : i32
        %lt3A_578 = arith.constant 0 : i32
        %lt3A_579 = arith.cmpi slt, %select_n3A_572, %lt3A_578 : i32
        %ne3A_580 = arith.xori %lt3A_577, %lt3A_579 : i1
        %and3A_581 = arith.andi %ne3A_580, %ne3A_575 : i1
        %add3A_582 = arith.addi %rem3A_573, %select_n3A_572 : i32
        %select_n3A_583 = arith.select %and3A_581, %add3A_582, %rem3A_573 : i32
        %mul3A_584 = arith.constant 128 : i32
        %mul3A_585 = arith.muli %select_n3A_567, %mul3A_584 : i32
        %add3A_586 = arith.constant 0 : i32
        %add3A_587 = arith.addi %mul3A_585, %add3A_586 : i32
        %get3A_588 = arith.index_cast %select_n3A_583 : i32 to index
        %get3A_589 = arith.index_cast %add3A_587 : i32 to index
        %get3A_590 = tpu.vector_load %arg13[%get3A_588, %get3A_589] {strides = array<i32>} : memref<8x1024xf32, #tpu.memory_space<vmem>>, vector<1x16xf32>,
        %get3A_591 = vector.shape_cast %get3A_590 : vector<1x16xf32> to vector<16xf32>
        %swap3A_592 = arith.index_cast %select_n3A_583 : i32 to index
        %swap3A_593 = arith.index_cast %add3A_587 : i32 to index
        %swap3A_594 = tpu.vector_load %arg6[%swap3A_592, %swap3A_593] {strides = array<i32>} : memref<8x1024xf32, #tpu.memory_space<vmem>>, vector<1x16xf32>,
        %swap3A_595 = vector.shape_cast %swap3A_594 : vector<1x16xf32> to vector<16xf32>
        %swap3A_596 = vector.shape_cast %get3A_591 : vector<16xf32> to vector<1x16xf32>
        tpu.vector_store %arg6[%swap3A_592, %swap3A_593], %swap3A_596 {add = true, strides = array<i32>} : memref<8x1024xf32, #tpu.memory_space<vmem>>, vector<1x16xf32>,
        %mul3A_597 = arith.constant 128 : i32
        %mul3A_598 = arith.muli %select_n3A_567, %mul3A_597 : i32
        %add3A_599 = arith.constant 16 : i32
        %add3A_600 = arith.addi %mul3A_598, %add3A_599 : i32
        %get3A_601 = arith.index_cast %select_n3A_583 : i32 to index
        %get3A_602 = arith.index_cast %add3A_600 : i32 to index
        %get3A_603 = tpu.vector_load %arg13[%get3A_601, %get3A_602] {strides = array<i32>} : memref<8x1024xf32, #tpu.memory_space<vmem>>, vector<1x16xf32>,
        %get3A_604 = vector.shape_cast %get3A_603 : vector<1x16xf32> to vector<16xf32>
        %swap3A_605 = arith.index_cast %select_n3A_583 : i32 to index
        %swap3A_606 = arith.index_cast %add3A_600 : i32 to index
        %swap3A_607 = tpu.vector_load %arg6[%swap3A_605, %swap3A_606] {strides = array<i32>} : memref<8x1024xf32, #tpu.memory_space<vmem>>, vector<1x16xf32>,
        %swap3A_608 = vector.shape_cast %swap3A_607 : vector<1x16xf32> to vector<16xf32>
        %swap3A_609 = vector.shape_cast %get3A_604 : vector<16xf32> to vector<1x16xf32>
        tpu.vector_store %arg6[%swap3A_605, %swap3A_606], %swap3A_609 {add = true, strides = array<i32>} : memref<8x1024xf32, #tpu.memory_space<vmem>>, vector<1x16xf32>,
        %mul3A_610 = arith.constant 128 : i32
        %mul3A_611 = arith.muli %select_n3A_567, %mul3A_610 : i32
        %add3A_612 = arith.constant 32 : i32
        %add3A_613 = arith.addi %mul3A_611, %add3A_612 : i32
        %get3A_614 = arith.index_cast %select_n3A_583 : i32 to index
        %get3A_615 = arith.index_cast %add3A_613 : i32 to index
        %get3A_616 = tpu.vector_load %arg13[%get3A_614, %get3A_615] {strides = array<i32>} : memref<8x1024xf32, #tpu.memory_space<vmem>>, vector<1x16xf32>,
        %get3A_617 = vector.shape_cast %get3A_616 : vector<1x16xf32> to vector<16xf32>
        %swap3A_618 = arith.index_cast %select_n3A_583 : i32 to index
        %swap3A_619 = arith.index_cast %add3A_613 : i32 to index
        %swap3A_620 = tpu.vector_load %arg6[%swap3A_618, %swap3A_619] {strides = array<i32>} : memref<8x1024xf32, #tpu.memory_space<vmem>>, vector<1x16xf32>,
        %swap3A_621 = vector.shape_cast %swap3A_620 : vector<1x16xf32> to vector<16xf32>
        %swap3A_622 = vector.shape_cast %get3A_617 : vector<16xf32> to vector<1x16xf32>
        tpu.vector_store %arg6[%swap3A_618, %swap3A_619], %swap3A_622 {add = true, strides = array<i32>} : memref<8x1024xf32, #tpu.memory_space<vmem>>, vector<1x16xf32>,
        %mul3A_623 = arith.constant 128 : i32
        %mul3A_624 = arith.muli %select_n3A_567, %mul3A_623 : i32
        %add3A_625 = arith.constant 48 : i32
        %add3A_626 = arith.addi %mul3A_624, %add3A_625 : i32
        %get3A_627 = arith.index_cast %select_n3A_583 : i32 to index
        %get3A_628 = arith.index_cast %add3A_626 : i32 to index
        %get3A_629 = tpu.vector_load %arg13[%get3A_627, %get3A_628] {strides = array<i32>} : memref<8x1024xf32, #tpu.memory_space<vmem>>, vector<1x16xf32>,
        %get3A_630 = vector.shape_cast %get3A_629 : vector<1x16xf32> to vector<16xf32>
        %swap3A_631 = arith.index_cast %select_n3A_583 : i32 to index
        %swap3A_632 = arith.index_cast %add3A_626 : i32 to index
        %swap3A_633 = tpu.vector_load %arg6[%swap3A_631, %swap3A_632] {strides = array<i32>} : memref<8x1024xf32, #tpu.memory_space<vmem>>, vector<1x16xf32>,
        %swap3A_634 = vector.shape_cast %swap3A_633 : vector<1x16xf32> to vector<16xf32>
        %swap3A_635 = vector.shape_cast %get3A_630 : vector<16xf32> to vector<1x16xf32>
        tpu.vector_store %arg6[%swap3A_631, %swap3A_632], %swap3A_635 {add = true, strides = array<i32>} : memref<8x1024xf32, #tpu.memory_space<vmem>>, vector<1x16xf32>,
        %mul3A_636 = arith.constant 128 : i32
        %mul3A_637 = arith.muli %select_n3A_567, %mul3A_636 : i32
        %add3A_638 = arith.constant 64 : i32
        %add3A_639 = arith.addi %mul3A_637, %add3A_638 : i32
        %get3A_640 = arith.index_cast %select_n3A_583 : i32 to index
        %get3A_641 = arith.index_cast %add3A_639 : i32 to index
        %get3A_642 = tpu.vector_load %arg13[%get3A_640, %get3A_641] {strides = array<i32>} : memref<8x1024xf32, #tpu.memory_space<vmem>>, vector<1x16xf32>,
        %get3A_643 = vector.shape_cast %get3A_642 : vector<1x16xf32> to vector<16xf32>
        %swap3A_644 = arith.index_cast %select_n3A_583 : i32 to index
        %swap3A_645 = arith.index_cast %add3A_639 : i32 to index
        %swap3A_646 = tpu.vector_load %arg6[%swap3A_644, %swap3A_645] {strides = array<i32>} : memref<8x1024xf32, #tpu.memory_space<vmem>>, vector<1x16xf32>,
        %swap3A_647 = vector.shape_cast %swap3A_646 : vector<1x16xf32> to vector<16xf32>
        %swap3A_648 = vector.shape_cast %get3A_643 : vector<16xf32> to vector<1x16xf32>
        tpu.vector_store %arg6[%swap3A_644, %swap3A_645], %swap3A_648 {add = true, strides = array<i32>} : memref<8x1024xf32, #tpu.memory_space<vmem>>, vector<1x16xf32>,
        %mul3A_649 = arith.constant 128 : i32
        %mul3A_650 = arith.muli %select_n3A_567, %mul3A_649 : i32
        %add3A_651 = arith.constant 80 : i32
        %add3A_652 = arith.addi %mul3A_650, %add3A_651 : i32
        %get3A_653 = arith.index_cast %select_n3A_583 : i32 to index
        %get3A_654 = arith.index_cast %add3A_652 : i32 to index
        %get3A_655 = tpu.vector_load %arg13[%get3A_653, %get3A_654] {strides = array<i32>} : memref<8x1024xf32, #tpu.memory_space<vmem>>, vector<1x16xf32>,
        %get3A_656 = vector.shape_cast %get3A_655 : vector<1x16xf32> to vector<16xf32>
        %swap3A_657 = arith.index_cast %select_n3A_583 : i32 to index
        %swap3A_658 = arith.index_cast %add3A_652 : i32 to index
        %swap3A_659 = tpu.vector_load %arg6[%swap3A_657, %swap3A_658] {strides = array<i32>} : memref<8x1024xf32, #tpu.memory_space<vmem>>, vector<1x16xf32>,
        %swap3A_660 = vector.shape_cast %swap3A_659 : vector<1x16xf32> to vector<16xf32>
        %swap3A_661 = vector.shape_cast %get3A_656 : vector<16xf32> to vector<1x16xf32>
        tpu.vector_store %arg6[%swap3A_657, %swap3A_658], %swap3A_661 {add = true, strides = array<i32>} : memref<8x1024xf32, #tpu.memory_space<vmem>>, vector<1x16xf32>,
        %mul3A_662 = arith.constant 128 : i32
        %mul3A_663 = arith.muli %select_n3A_567, %mul3A_662 : i32
        %add3A_664 = arith.constant 96 : i32
        %add3A_665 = arith.addi %mul3A_663, %add3A_664 : i32
        %get3A_666 = arith.index_cast %select_n3A_583 : i32 to index
        %get3A_667 = arith.index_cast %add3A_665 : i32 to index
        %get3A_668 = tpu.vector_load %arg13[%get3A_666, %get3A_667] {strides = array<i32>} : memref<8x1024xf32, #tpu.memory_space<vmem>>, vector<1x16xf32>,
        %get3A_669 = vector.shape_cast %get3A_668 : vector<1x16xf32> to vector<16xf32>
        %swap3A_670 = arith.index_cast %select_n3A_583 : i32 to index
        %swap3A_671 = arith.index_cast %add3A_665 : i32 to index
        %swap3A_672 = tpu.vector_load %arg6[%swap3A_670, %swap3A_671] {strides = array<i32>} : memref<8x1024xf32, #tpu.memory_space<vmem>>, vector<1x16xf32>,
        %swap3A_673 = vector.shape_cast %swap3A_672 : vector<1x16xf32> to vector<16xf32>
        %swap3A_674 = vector.shape_cast %get3A_669 : vector<16xf32> to vector<1x16xf32>
        tpu.vector_store %arg6[%swap3A_670, %swap3A_671], %swap3A_674 {add = true, strides = array<i32>} : memref<8x1024xf32, #tpu.memory_space<vmem>>, vector<1x16xf32>,
        %mul3A_675 = arith.constant 128 : i32
        %mul3A_676 = arith.muli %select_n3A_567, %mul3A_675 : i32
        %add3A_677 = arith.constant 112 : i32
        %add3A_678 = arith.addi %mul3A_676, %add3A_677 : i32
        %get3A_679 = arith.index_cast %select_n3A_583 : i32 to index
        %get3A_680 = arith.index_cast %add3A_678 : i32 to index
        %get3A_681 = tpu.vector_load %arg13[%get3A_679, %get3A_680] {strides = array<i32>} : memref<8x1024xf32, #tpu.memory_space<vmem>>, vector<1x16xf32>,
        %get3A_682 = vector.shape_cast %get3A_681 : vector<1x16xf32> to vector<16xf32>
        %swap3A_683 = arith.index_cast %select_n3A_583 : i32 to index
        %swap3A_684 = arith.index_cast %add3A_678 : i32 to index
        %swap3A_685 = tpu.vector_load %arg6[%swap3A_683, %swap3A_684] {strides = array<i32>} : memref<8x1024xf32, #tpu.memory_space<vmem>>, vector<1x16xf32>,
        %swap3A_686 = vector.shape_cast %swap3A_685 : vector<1x16xf32> to vector<16xf32>
        %swap3A_687 = vector.shape_cast %get3A_682 : vector<16xf32> to vector<1x16xf32>
        tpu.vector_store %arg6[%swap3A_683, %swap3A_684], %swap3A_687 {add = true, strides = array<i32>} : memref<8x1024xf32, #tpu.memory_space<vmem>>, vector<1x16xf32>,
      }
      %scan3A_167 = arith.constant 64 : i32
      %mul3A_168 = arith.constant 8 : i32
      %mul3A_169 = arith.muli %add3A_96, %mul3A_168 : i32
      %add3A_170 = arith.addi %mul3A_2, %mul3A_169 : i32
      %multiple_of3A_171 = tpu.assume_multiple %add3A_170, 8 : i32
      %dma_start3A_172 = arith.constant 1 : i32
      %dma_start3A_173 = arith.constant 0 : i32
      %dma_start3A_174 = tpu.memref_slice %arg4[%dma_start3A_172, %multiple_of3A_171, %dma_start3A_173] : memref<4x8192x1024xf32, #tpu.memory_space<hbm>> -> memref<1x8x1024xf32, #tpu.memory_space<hbm>>
      %dma_start3A_175 = tpu.memref_squeeze %dma_start3A_174 : memref<1x8x1024xf32, #tpu.memory_space<hbm>> -> memref<8x1024xf32, #tpu.memory_space<hbm>>
      %dma_start3A_176 = arith.constant 0 : i32
      %dma_start3A_177 = tpu.memref_slice %arg4[%dma_start3A_172, %multiple_of3A_171, %dma_start3A_176] : memref<4x8192x1024xf32, #tpu.memory_space<hbm>> -> memref<1x8x1024xf32, #tpu.memory_space<hbm>>
      %dma_start3A_178 = tpu.memref_squeeze %dma_start3A_177 : memref<1x8x1024xf32, #tpu.memory_space<hbm>> -> memref<8x1024xf32, #tpu.memory_space<hbm>>
      tpu.enqueue_dma source(%arg6 : memref<8x1024xf32, #tpu.memory_space<vmem>>) target(%dma_start3A_178 : memref<8x1024xf32, #tpu.memory_space<hbm>>) target_semaphore(%arg24 : memref<!tpu.dma_semaphore, #tpu.memory_space<semaphore_mem>>)
      %mul3A_179 = arith.constant 8 : i32
      %mul3A_180 = arith.muli %add3A_96, %mul3A_179 : i32
      %add3A_181 = arith.addi %mul3A_2, %mul3A_180 : i32
      %multiple_of3A_182 = tpu.assume_multiple %add3A_181, 8 : i32
      %dma_wait3A_183 = arith.constant 2 : i32
      %dma_wait3A_184 = arith.constant 0 : i32
      %dma_wait3A_185 = tpu.memref_slice %arg2[%dma_wait3A_183, %multiple_of3A_182, %dma_wait3A_184] : memref<4x8192x1024xf32, #tpu.memory_space<hbm>> -> memref<1x8x1024xf32, #tpu.memory_space<hbm>>
      %dma_wait3A_186 = tpu.memref_squeeze %dma_wait3A_185 : memref<1x8x1024xf32, #tpu.memory_space<hbm>> -> memref<8x1024xf32, #tpu.memory_space<hbm>>
      %dma_wait3A_187 = arith.constant 0 : i32
      %dma_wait3A_188 = tpu.memref_slice %arg2[%dma_wait3A_183, %multiple_of3A_182, %dma_wait3A_187] : memref<4x8192x1024xf32, #tpu.memory_space<hbm>> -> memref<1x8x1024xf32, #tpu.memory_space<hbm>>
      %dma_wait3A_189 = tpu.memref_squeeze %dma_wait3A_188 : memref<1x8x1024xf32, #tpu.memory_space<hbm>> -> memref<8x1024xf32, #tpu.memory_space<hbm>>
      tpu.wait_dma2 semaphore(%arg17 : memref<!tpu.dma_semaphore, #tpu.memory_space<semaphore_mem>>) src(%dma_wait3A_189 : memref<8x1024xf32, #tpu.memory_space<hbm>>) dst(%arg7 : memref<8x1024xf32, #tpu.memory_space<vmem>>)
      %add3A_190 = arith.constant 1 : i32
      %add3A_191 = arith.addi %add3A_96, %add3A_190 : i32
      %lt3A_192 = arith.constant 32 : i32
      %lt3A_193 = arith.cmpi slt, %add3A_191, %lt3A_192 : i32
      %convert_element_type3A_194 = arith.extui %lt3A_193 : i1 to i32
      %cond3A_195 = arith.constant 0 : i32
      %cond3A_196 = arith.cmpi ne, %convert_element_type3A_194, %cond3A_195 : i32
      scf.if %cond3A_196 {
        %ge3A = arith.constant 1 : i32
        %ge3A_408 = arith.cmpi sge, %add3A_96, %ge3A : i32
        %convert_element_type3A_409 = arith.extui %ge3A_408 : i1 to i32
        %cond3A_410 = arith.constant 0 : i32
        %cond3A_411 = arith.cmpi ne, %convert_element_type3A_409, %cond3A_410 : i32
        scf.if %cond3A_411 {
          %sub3A = arith.constant 1 : i32
          %sub3A_425 = arith.subi %add3A_96, %sub3A : i32
          %mul3A_426 = arith.constant 8 : i32
          %mul3A_427 = arith.muli %sub3A_425, %mul3A_426 : i32
          %add3A_428 = arith.addi %mul3A_2, %mul3A_427 : i32
          %multiple_of3A_429 = tpu.assume_multiple %add3A_428, 8 : i32
          %dma_wait3A_430 = arith.constant 2 : i32
          %dma_wait3A_431 = arith.constant 0 : i32
          %dma_wait3A_432 = tpu.memref_slice %arg4[%dma_wait3A_430, %multiple_of3A_429, %dma_wait3A_431] : memref<4x8192x1024xf32, #tpu.memory_space<hbm>> -> memref<1x8x1024xf32, #tpu.memory_space<hbm>>
          %dma_wait3A_433 = tpu.memref_squeeze %dma_wait3A_432 : memref<1x8x1024xf32, #tpu.memory_space<hbm>> -> memref<8x1024xf32, #tpu.memory_space<hbm>>
          %dma_wait3A_434 = arith.constant 0 : i32
          %dma_wait3A_435 = tpu.memref_slice %arg4[%dma_wait3A_430, %multiple_of3A_429, %dma_wait3A_434] : memref<4x8192x1024xf32, #tpu.memory_space<hbm>> -> memref<1x8x1024xf32, #tpu.memory_space<hbm>>
          %dma_wait3A_436 = tpu.memref_squeeze %dma_wait3A_435 : memref<1x8x1024xf32, #tpu.memory_space<hbm>> -> memref<8x1024xf32, #tpu.memory_space<hbm>>
          tpu.wait_dma2 semaphore(%arg29 : memref<!tpu.dma_semaphore, #tpu.memory_space<semaphore_mem>>) src(%arg11 : memref<8x1024xf32, #tpu.memory_space<vmem>>) dst(%dma_wait3A_436 : memref<8x1024xf32, #tpu.memory_space<hbm>>)
        } else {
        }
        %add3A_412 = arith.constant 1 : i32
        %add3A_413 = arith.addi %add3A_96, %add3A_412 : i32
        %mul3A_414 = arith.constant 8 : i32
        %mul3A_415 = arith.muli %add3A_413, %mul3A_414 : i32
        %add3A_416 = arith.addi %mul3A_2, %mul3A_415 : i32
        %multiple_of3A_417 = tpu.assume_multiple %add3A_416, 8 : i32
        %dma_start3A_418 = arith.constant 2 : i32
        %dma_start3A_419 = arith.constant 0 : i32
        %dma_start3A_420 = tpu.memref_slice %arg2[%dma_start3A_418, %multiple_of3A_417, %dma_start3A_419] : memref<4x8192x1024xf32, #tpu.memory_space<hbm>> -> memref<1x8x1024xf32, #tpu.memory_space<hbm>>
        %dma_start3A_421 = tpu.memref_squeeze %dma_start3A_420 : memref<1x8x1024xf32, #tpu.memory_space<hbm>> -> memref<8x1024xf32, #tpu.memory_space<hbm>>
        %dma_start3A_422 = arith.constant 0 : i32
        %dma_start3A_423 = tpu.memref_slice %arg2[%dma_start3A_418, %multiple_of3A_417, %dma_start3A_422] : memref<4x8192x1024xf32, #tpu.memory_space<hbm>> -> memref<1x8x1024xf32, #tpu.memory_space<hbm>>
        %dma_start3A_424 = tpu.memref_squeeze %dma_start3A_423 : memref<1x8x1024xf32, #tpu.memory_space<hbm>> -> memref<8x1024xf32, #tpu.memory_space<hbm>>
        tpu.enqueue_dma source(%dma_start3A_424 : memref<8x1024xf32, #tpu.memory_space<hbm>>) target(%arg11 : memref<8x1024xf32, #tpu.memory_space<vmem>>) target_semaphore(%arg21 : memref<!tpu.dma_semaphore, #tpu.memory_space<semaphore_mem>>)
      } else {
      }
      %scan3A_197 = arith.constant 0 : i32
      %scan3A_198 = arith.constant 0 : i32
      %scan3A_199 = arith.constant 64 : i32
      %scan3A_200 = arith.addi %scan3A_198, %scan3A_199 : i32
      %scan3A_201 = arith.constant 2 : i32
      scf.for %scan3A_408 = %scan3A_198 to %scan3A_200 step %scan3A_201  : i32 {
        %jit3A = arith.constant 8 : i32
        %div3A = arith.divsi %scan3A_408, %jit3A : i32
        %sign3A = arith.constant 0 : i32
        %sign3A_409 = arith.cmpi sgt, %scan3A_408, %sign3A : i32
        %sign3A_410 = arith.extui %sign3A_409 : i1 to i32
        %sign3A_411 = arith.constant 0 : i32
        %sign3A_412 = arith.cmpi slt, %scan3A_408, %sign3A_411 : i32
        %sign3A_413 = arith.extui %sign3A_412 : i1 to i32
        %sign3A_414 = arith.subi %sign3A_410, %sign3A_413 : i32
        %sign3A_415 = arith.constant 0 : i32
        %sign3A_416 = arith.cmpi sgt, %jit3A, %sign3A_415 : i32
        %sign3A_417 = arith.extui %sign3A_416 : i1 to i32
        %sign3A_418 = arith.constant 0 : i32
        %sign3A_419 = arith.cmpi slt, %jit3A, %sign3A_418 : i32
        %sign3A_420 = arith.extui %sign3A_419 : i1 to i32
        %sign3A_421 = arith.subi %sign3A_417, %sign3A_420 : i32
        %ne3A = arith.cmpi ne, %sign3A_414, %sign3A_421 : i32
        %rem3A = arith.remsi %scan3A_408, %jit3A : i32
        %ne3A_422 = arith.constant 0 : i32
        %ne3A_423 = arith.cmpi ne, %rem3A, %ne3A_422 : i32
        %and3A = arith.andi %ne3A, %ne3A_423 : i1
        %sub3A = arith.constant 1 : i32
        %sub3A_424 = arith.subi %div3A, %sub3A : i32
        %select_n3A = arith.select %and3A, %sub3A_424, %div3A : i32
        %jit3A_425 = arith.constant 8 : i32
        %eq3A = arith.constant 0 : i32
        %eq3A_426 = arith.cmpi eq, %jit3A_425, %eq3A : i32
        %jit3A_427 = arith.constant 1 : i32
        %select_n3A_428 = arith.select %eq3A_426, %jit3A_427, %jit3A_425 : i32
        %rem3A_429 = arith.remsi %scan3A_408, %select_n3A_428 : i32
        %ne3A_430 = arith.constant 0 : i32
        %ne3A_431 = arith.cmpi ne, %rem3A_429, %ne3A_430 : i32
        %lt3A_432 = arith.constant 0 : i32
        %lt3A_433 = arith.cmpi slt, %rem3A_429, %lt3A_432 : i32
        %lt3A_434 = arith.constant 0 : i32
        %lt3A_435 = arith.cmpi slt, %select_n3A_428, %lt3A_434 : i32
        %ne3A_436 = arith.xori %lt3A_433, %lt3A_435 : i1
        %and3A_437 = arith.andi %ne3A_436, %ne3A_431 : i1
        %add3A_438 = arith.addi %rem3A_429, %select_n3A_428 : i32
        %select_n3A_439 = arith.select %and3A_437, %add3A_438, %rem3A_429 : i32
        %mul3A_440 = arith.constant 128 : i32
        %mul3A_441 = arith.muli %select_n3A, %mul3A_440 : i32
        %add3A_442 = arith.constant 0 : i32
        %add3A_443 = arith.addi %mul3A_441, %add3A_442 : i32
        %get3A = arith.index_cast %select_n3A_439 : i32 to index
        %get3A_444 = arith.index_cast %add3A_443 : i32 to index
        %get3A_445 = tpu.vector_load %arg13[%get3A, %get3A_444] {strides = array<i32>} : memref<8x1024xf32, #tpu.memory_space<vmem>>, vector<1x16xf32>,
        %get3A_446 = vector.shape_cast %get3A_445 : vector<1x16xf32> to vector<16xf32>
        %swap3A = arith.index_cast %select_n3A_439 : i32 to index
        %swap3A_447 = arith.index_cast %add3A_443 : i32 to index
        %swap3A_448 = tpu.vector_load %arg7[%swap3A, %swap3A_447] {strides = array<i32>} : memref<8x1024xf32, #tpu.memory_space<vmem>>, vector<1x16xf32>,
        %swap3A_449 = vector.shape_cast %swap3A_448 : vector<1x16xf32> to vector<16xf32>
        %swap3A_450 = vector.shape_cast %get3A_446 : vector<16xf32> to vector<1x16xf32>
        tpu.vector_store %arg7[%swap3A, %swap3A_447], %swap3A_450 {add = true, strides = array<i32>} : memref<8x1024xf32, #tpu.memory_space<vmem>>, vector<1x16xf32>,
        %mul3A_451 = arith.constant 128 : i32
        %mul3A_452 = arith.muli %select_n3A, %mul3A_451 : i32
        %add3A_453 = arith.constant 16 : i32
        %add3A_454 = arith.addi %mul3A_452, %add3A_453 : i32
        %get3A_455 = arith.index_cast %select_n3A_439 : i32 to index
        %get3A_456 = arith.index_cast %add3A_454 : i32 to index
        %get3A_457 = tpu.vector_load %arg13[%get3A_455, %get3A_456] {strides = array<i32>} : memref<8x1024xf32, #tpu.memory_space<vmem>>, vector<1x16xf32>,
        %get3A_458 = vector.shape_cast %get3A_457 : vector<1x16xf32> to vector<16xf32>
        %swap3A_459 = arith.index_cast %select_n3A_439 : i32 to index
        %swap3A_460 = arith.index_cast %add3A_454 : i32 to index
        %swap3A_461 = tpu.vector_load %arg7[%swap3A_459, %swap3A_460] {strides = array<i32>} : memref<8x1024xf32, #tpu.memory_space<vmem>>, vector<1x16xf32>,
        %swap3A_462 = vector.shape_cast %swap3A_461 : vector<1x16xf32> to vector<16xf32>
        %swap3A_463 = vector.shape_cast %get3A_458 : vector<16xf32> to vector<1x16xf32>
        tpu.vector_store %arg7[%swap3A_459, %swap3A_460], %swap3A_463 {add = true, strides = array<i32>} : memref<8x1024xf32, #tpu.memory_space<vmem>>, vector<1x16xf32>,
        %mul3A_464 = arith.constant 128 : i32
        %mul3A_465 = arith.muli %select_n3A, %mul3A_464 : i32
        %add3A_466 = arith.constant 32 : i32
        %add3A_467 = arith.addi %mul3A_465, %add3A_466 : i32
        %get3A_468 = arith.index_cast %select_n3A_439 : i32 to index
        %get3A_469 = arith.index_cast %add3A_467 : i32 to index
        %get3A_470 = tpu.vector_load %arg13[%get3A_468, %get3A_469] {strides = array<i32>} : memref<8x1024xf32, #tpu.memory_space<vmem>>, vector<1x16xf32>,
        %get3A_471 = vector.shape_cast %get3A_470 : vector<1x16xf32> to vector<16xf32>
        %swap3A_472 = arith.index_cast %select_n3A_439 : i32 to index
        %swap3A_473 = arith.index_cast %add3A_467 : i32 to index
        %swap3A_474 = tpu.vector_load %arg7[%swap3A_472, %swap3A_473] {strides = array<i32>} : memref<8x1024xf32, #tpu.memory_space<vmem>>, vector<1x16xf32>,
        %swap3A_475 = vector.shape_cast %swap3A_474 : vector<1x16xf32> to vector<16xf32>
        %swap3A_476 = vector.shape_cast %get3A_471 : vector<16xf32> to vector<1x16xf32>
        tpu.vector_store %arg7[%swap3A_472, %swap3A_473], %swap3A_476 {add = true, strides = array<i32>} : memref<8x1024xf32, #tpu.memory_space<vmem>>, vector<1x16xf32>,
        %mul3A_477 = arith.constant 128 : i32
        %mul3A_478 = arith.muli %select_n3A, %mul3A_477 : i32
        %add3A_479 = arith.constant 48 : i32
        %add3A_480 = arith.addi %mul3A_478, %add3A_479 : i32
        %get3A_481 = arith.index_cast %select_n3A_439 : i32 to index
        %get3A_482 = arith.index_cast %add3A_480 : i32 to index
        %get3A_483 = tpu.vector_load %arg13[%get3A_481, %get3A_482] {strides = array<i32>} : memref<8x1024xf32, #tpu.memory_space<vmem>>, vector<1x16xf32>,
        %get3A_484 = vector.shape_cast %get3A_483 : vector<1x16xf32> to vector<16xf32>
        %swap3A_485 = arith.index_cast %select_n3A_439 : i32 to index
        %swap3A_486 = arith.index_cast %add3A_480 : i32 to index
        %swap3A_487 = tpu.vector_load %arg7[%swap3A_485, %swap3A_486] {strides = array<i32>} : memref<8x1024xf32, #tpu.memory_space<vmem>>, vector<1x16xf32>,
        %swap3A_488 = vector.shape_cast %swap3A_487 : vector<1x16xf32> to vector<16xf32>
        %swap3A_489 = vector.shape_cast %get3A_484 : vector<16xf32> to vector<1x16xf32>
        tpu.vector_store %arg7[%swap3A_485, %swap3A_486], %swap3A_489 {add = true, strides = array<i32>} : memref<8x1024xf32, #tpu.memory_space<vmem>>, vector<1x16xf32>,
        %mul3A_490 = arith.constant 128 : i32
        %mul3A_491 = arith.muli %select_n3A, %mul3A_490 : i32
        %add3A_492 = arith.constant 64 : i32
        %add3A_493 = arith.addi %mul3A_491, %add3A_492 : i32
        %get3A_494 = arith.index_cast %select_n3A_439 : i32 to index
        %get3A_495 = arith.index_cast %add3A_493 : i32 to index
        %get3A_496 = tpu.vector_load %arg13[%get3A_494, %get3A_495] {strides = array<i32>} : memref<8x1024xf32, #tpu.memory_space<vmem>>, vector<1x16xf32>,
        %get3A_497 = vector.shape_cast %get3A_496 : vector<1x16xf32> to vector<16xf32>
        %swap3A_498 = arith.index_cast %select_n3A_439 : i32 to index
        %swap3A_499 = arith.index_cast %add3A_493 : i32 to index
        %swap3A_500 = tpu.vector_load %arg7[%swap3A_498, %swap3A_499] {strides = array<i32>} : memref<8x1024xf32, #tpu.memory_space<vmem>>, vector<1x16xf32>,
        %swap3A_501 = vector.shape_cast %swap3A_500 : vector<1x16xf32> to vector<16xf32>
        %swap3A_502 = vector.shape_cast %get3A_497 : vector<16xf32> to vector<1x16xf32>
        tpu.vector_store %arg7[%swap3A_498, %swap3A_499], %swap3A_502 {add = true, strides = array<i32>} : memref<8x1024xf32, #tpu.memory_space<vmem>>, vector<1x16xf32>,
        %mul3A_503 = arith.constant 128 : i32
        %mul3A_504 = arith.muli %select_n3A, %mul3A_503 : i32
        %add3A_505 = arith.constant 80 : i32
        %add3A_506 = arith.addi %mul3A_504, %add3A_505 : i32
        %get3A_507 = arith.index_cast %select_n3A_439 : i32 to index
        %get3A_508 = arith.index_cast %add3A_506 : i32 to index
        %get3A_509 = tpu.vector_load %arg13[%get3A_507, %get3A_508] {strides = array<i32>} : memref<8x1024xf32, #tpu.memory_space<vmem>>, vector<1x16xf32>,
        %get3A_510 = vector.shape_cast %get3A_509 : vector<1x16xf32> to vector<16xf32>
        %swap3A_511 = arith.index_cast %select_n3A_439 : i32 to index
        %swap3A_512 = arith.index_cast %add3A_506 : i32 to index
        %swap3A_513 = tpu.vector_load %arg7[%swap3A_511, %swap3A_512] {strides = array<i32>} : memref<8x1024xf32, #tpu.memory_space<vmem>>, vector<1x16xf32>,
        %swap3A_514 = vector.shape_cast %swap3A_513 : vector<1x16xf32> to vector<16xf32>
        %swap3A_515 = vector.shape_cast %get3A_510 : vector<16xf32> to vector<1x16xf32>
        tpu.vector_store %arg7[%swap3A_511, %swap3A_512], %swap3A_515 {add = true, strides = array<i32>} : memref<8x1024xf32, #tpu.memory_space<vmem>>, vector<1x16xf32>,
        %mul3A_516 = arith.constant 128 : i32
        %mul3A_517 = arith.muli %select_n3A, %mul3A_516 : i32
        %add3A_518 = arith.constant 96 : i32
        %add3A_519 = arith.addi %mul3A_517, %add3A_518 : i32
        %get3A_520 = arith.index_cast %select_n3A_439 : i32 to index
        %get3A_521 = arith.index_cast %add3A_519 : i32 to index
        %get3A_522 = tpu.vector_load %arg13[%get3A_520, %get3A_521] {strides = array<i32>} : memref<8x1024xf32, #tpu.memory_space<vmem>>, vector<1x16xf32>,
        %get3A_523 = vector.shape_cast %get3A_522 : vector<1x16xf32> to vector<16xf32>
        %swap3A_524 = arith.index_cast %select_n3A_439 : i32 to index
        %swap3A_525 = arith.index_cast %add3A_519 : i32 to index
        %swap3A_526 = tpu.vector_load %arg7[%swap3A_524, %swap3A_525] {strides = array<i32>} : memref<8x1024xf32, #tpu.memory_space<vmem>>, vector<1x16xf32>,
        %swap3A_527 = vector.shape_cast %swap3A_526 : vector<1x16xf32> to vector<16xf32>
        %swap3A_528 = vector.shape_cast %get3A_523 : vector<16xf32> to vector<1x16xf32>
        tpu.vector_store %arg7[%swap3A_524, %swap3A_525], %swap3A_528 {add = true, strides = array<i32>} : memref<8x1024xf32, #tpu.memory_space<vmem>>, vector<1x16xf32>,
        %mul3A_529 = arith.constant 128 : i32
        %mul3A_530 = arith.muli %select_n3A, %mul3A_529 : i32
        %add3A_531 = arith.constant 112 : i32
        %add3A_532 = arith.addi %mul3A_530, %add3A_531 : i32
        %get3A_533 = arith.index_cast %select_n3A_439 : i32 to index
        %get3A_534 = arith.index_cast %add3A_532 : i32 to index
        %get3A_535 = tpu.vector_load %arg13[%get3A_533, %get3A_534] {strides = array<i32>} : memref<8x1024xf32, #tpu.memory_space<vmem>>, vector<1x16xf32>,
        %get3A_536 = vector.shape_cast %get3A_535 : vector<1x16xf32> to vector<16xf32>
        %swap3A_537 = arith.index_cast %select_n3A_439 : i32 to index
        %swap3A_538 = arith.index_cast %add3A_532 : i32 to index
        %swap3A_539 = tpu.vector_load %arg7[%swap3A_537, %swap3A_538] {strides = array<i32>} : memref<8x1024xf32, #tpu.memory_space<vmem>>, vector<1x16xf32>,
        %swap3A_540 = vector.shape_cast %swap3A_539 : vector<1x16xf32> to vector<16xf32>
        %swap3A_541 = vector.shape_cast %get3A_536 : vector<16xf32> to vector<1x16xf32>
        tpu.vector_store %arg7[%swap3A_537, %swap3A_538], %swap3A_541 {add = true, strides = array<i32>} : memref<8x1024xf32, #tpu.memory_space<vmem>>, vector<1x16xf32>,
        %scan3A_542 = arith.constant 1 : i32
        %scan3A_543 = arith.addi %scan3A_408, %scan3A_542 : i32
        %jit3A_544 = arith.constant 8 : i32
        %div3A_545 = arith.divsi %scan3A_543, %jit3A_544 : i32
        %sign3A_546 = arith.constant 0 : i32
        %sign3A_547 = arith.cmpi sgt, %scan3A_543, %sign3A_546 : i32
        %sign3A_548 = arith.extui %sign3A_547 : i1 to i32
        %sign3A_549 = arith.constant 0 : i32
        %sign3A_550 = arith.cmpi slt, %scan3A_543, %sign3A_549 : i32
        %sign3A_551 = arith.extui %sign3A_550 : i1 to i32
        %sign3A_552 = arith.subi %sign3A_548, %sign3A_551 : i32
        %sign3A_553 = arith.constant 0 : i32
        %sign3A_554 = arith.cmpi sgt, %jit3A_544, %sign3A_553 : i32
        %sign3A_555 = arith.extui %sign3A_554 : i1 to i32
        %sign3A_556 = arith.constant 0 : i32
        %sign3A_557 = arith.cmpi slt, %jit3A_544, %sign3A_556 : i32
        %sign3A_558 = arith.extui %sign3A_557 : i1 to i32
        %sign3A_559 = arith.subi %sign3A_555, %sign3A_558 : i32
        %ne3A_560 = arith.cmpi ne, %sign3A_552, %sign3A_559 : i32
        %rem3A_561 = arith.remsi %scan3A_543, %jit3A_544 : i32
        %ne3A_562 = arith.constant 0 : i32
        %ne3A_563 = arith.cmpi ne, %rem3A_561, %ne3A_562 : i32
        %and3A_564 = arith.andi %ne3A_560, %ne3A_563 : i1
        %sub3A_565 = arith.constant 1 : i32
        %sub3A_566 = arith.subi %div3A_545, %sub3A_565 : i32
        %select_n3A_567 = arith.select %and3A_564, %sub3A_566, %div3A_545 : i32
        %jit3A_568 = arith.constant 8 : i32
        %eq3A_569 = arith.constant 0 : i32
        %eq3A_570 = arith.cmpi eq, %jit3A_568, %eq3A_569 : i32
        %jit3A_571 = arith.constant 1 : i32
        %select_n3A_572 = arith.select %eq3A_570, %jit3A_571, %jit3A_568 : i32
        %rem3A_573 = arith.remsi %scan3A_543, %select_n3A_572 : i32
        %ne3A_574 = arith.constant 0 : i32
        %ne3A_575 = arith.cmpi ne, %rem3A_573, %ne3A_574 : i32
        %lt3A_576 = arith.constant 0 : i32
        %lt3A_577 = arith.cmpi slt, %rem3A_573, %lt3A_576 : i32
        %lt3A_578 = arith.constant 0 : i32
        %lt3A_579 = arith.cmpi slt, %select_n3A_572, %lt3A_578 : i32
        %ne3A_580 = arith.xori %lt3A_577, %lt3A_579 : i1
        %and3A_581 = arith.andi %ne3A_580, %ne3A_575 : i1
        %add3A_582 = arith.addi %rem3A_573, %select_n3A_572 : i32
        %select_n3A_583 = arith.select %and3A_581, %add3A_582, %rem3A_573 : i32
        %mul3A_584 = arith.constant 128 : i32
        %mul3A_585 = arith.muli %select_n3A_567, %mul3A_584 : i32
        %add3A_586 = arith.constant 0 : i32
        %add3A_587 = arith.addi %mul3A_585, %add3A_586 : i32
        %get3A_588 = arith.index_cast %select_n3A_583 : i32 to index
        %get3A_589 = arith.index_cast %add3A_587 : i32 to index
        %get3A_590 = tpu.vector_load %arg13[%get3A_588, %get3A_589] {strides = array<i32>} : memref<8x1024xf32, #tpu.memory_space<vmem>>, vector<1x16xf32>,
        %get3A_591 = vector.shape_cast %get3A_590 : vector<1x16xf32> to vector<16xf32>
        %swap3A_592 = arith.index_cast %select_n3A_583 : i32 to index
        %swap3A_593 = arith.index_cast %add3A_587 : i32 to index
        %swap3A_594 = tpu.vector_load %arg7[%swap3A_592, %swap3A_593] {strides = array<i32>} : memref<8x1024xf32, #tpu.memory_space<vmem>>, vector<1x16xf32>,
        %swap3A_595 = vector.shape_cast %swap3A_594 : vector<1x16xf32> to vector<16xf32>
        %swap3A_596 = vector.shape_cast %get3A_591 : vector<16xf32> to vector<1x16xf32>
        tpu.vector_store %arg7[%swap3A_592, %swap3A_593], %swap3A_596 {add = true, strides = array<i32>} : memref<8x1024xf32, #tpu.memory_space<vmem>>, vector<1x16xf32>,
        %mul3A_597 = arith.constant 128 : i32
        %mul3A_598 = arith.muli %select_n3A_567, %mul3A_597 : i32
        %add3A_599 = arith.constant 16 : i32
        %add3A_600 = arith.addi %mul3A_598, %add3A_599 : i32
        %get3A_601 = arith.index_cast %select_n3A_583 : i32 to index
        %get3A_602 = arith.index_cast %add3A_600 : i32 to index
        %get3A_603 = tpu.vector_load %arg13[%get3A_601, %get3A_602] {strides = array<i32>} : memref<8x1024xf32, #tpu.memory_space<vmem>>, vector<1x16xf32>,
        %get3A_604 = vector.shape_cast %get3A_603 : vector<1x16xf32> to vector<16xf32>
        %swap3A_605 = arith.index_cast %select_n3A_583 : i32 to index
        %swap3A_606 = arith.index_cast %add3A_600 : i32 to index
        %swap3A_607 = tpu.vector_load %arg7[%swap3A_605, %swap3A_606] {strides = array<i32>} : memref<8x1024xf32, #tpu.memory_space<vmem>>, vector<1x16xf32>,
        %swap3A_608 = vector.shape_cast %swap3A_607 : vector<1x16xf32> to vector<16xf32>
        %swap3A_609 = vector.shape_cast %get3A_604 : vector<16xf32> to vector<1x16xf32>
        tpu.vector_store %arg7[%swap3A_605, %swap3A_606], %swap3A_609 {add = true, strides = array<i32>} : memref<8x1024xf32, #tpu.memory_space<vmem>>, vector<1x16xf32>,
        %mul3A_610 = arith.constant 128 : i32
        %mul3A_611 = arith.muli %select_n3A_567, %mul3A_610 : i32
        %add3A_612 = arith.constant 32 : i32
        %add3A_613 = arith.addi %mul3A_611, %add3A_612 : i32
        %get3A_614 = arith.index_cast %select_n3A_583 : i32 to index
        %get3A_615 = arith.index_cast %add3A_613 : i32 to index
        %get3A_616 = tpu.vector_load %arg13[%get3A_614, %get3A_615] {strides = array<i32>} : memref<8x1024xf32, #tpu.memory_space<vmem>>, vector<1x16xf32>,
        %get3A_617 = vector.shape_cast %get3A_616 : vector<1x16xf32> to vector<16xf32>
        %swap3A_618 = arith.index_cast %select_n3A_583 : i32 to index
        %swap3A_619 = arith.index_cast %add3A_613 : i32 to index
        %swap3A_620 = tpu.vector_load %arg7[%swap3A_618, %swap3A_619] {strides = array<i32>} : memref<8x1024xf32, #tpu.memory_space<vmem>>, vector<1x16xf32>,
        %swap3A_621 = vector.shape_cast %swap3A_620 : vector<1x16xf32> to vector<16xf32>
        %swap3A_622 = vector.shape_cast %get3A_617 : vector<16xf32> to vector<1x16xf32>
        tpu.vector_store %arg7[%swap3A_618, %swap3A_619], %swap3A_622 {add = true, strides = array<i32>} : memref<8x1024xf32, #tpu.memory_space<vmem>>, vector<1x16xf32>,
        %mul3A_623 = arith.constant 128 : i32
        %mul3A_624 = arith.muli %select_n3A_567, %mul3A_623 : i32
        %add3A_625 = arith.constant 48 : i32
        %add3A_626 = arith.addi %mul3A_624, %add3A_625 : i32
        %get3A_627 = arith.index_cast %select_n3A_583 : i32 to index
        %get3A_628 = arith.index_cast %add3A_626 : i32 to index
        %get3A_629 = tpu.vector_load %arg13[%get3A_627, %get3A_628] {strides = array<i32>} : memref<8x1024xf32, #tpu.memory_space<vmem>>, vector<1x16xf32>,
        %get3A_630 = vector.shape_cast %get3A_629 : vector<1x16xf32> to vector<16xf32>
        %swap3A_631 = arith.index_cast %select_n3A_583 : i32 to index
        %swap3A_632 = arith.index_cast %add3A_626 : i32 to index
        %swap3A_633 = tpu.vector_load %arg7[%swap3A_631, %swap3A_632] {strides = array<i32>} : memref<8x1024xf32, #tpu.memory_space<vmem>>, vector<1x16xf32>,
        %swap3A_634 = vector.shape_cast %swap3A_633 : vector<1x16xf32> to vector<16xf32>
        %swap3A_635 = vector.shape_cast %get3A_630 : vector<16xf32> to vector<1x16xf32>
        tpu.vector_store %arg7[%swap3A_631, %swap3A_632], %swap3A_635 {add = true, strides = array<i32>} : memref<8x1024xf32, #tpu.memory_space<vmem>>, vector<1x16xf32>,
        %mul3A_636 = arith.constant 128 : i32
        %mul3A_637 = arith.muli %select_n3A_567, %mul3A_636 : i32
        %add3A_638 = arith.constant 64 : i32
        %add3A_639 = arith.addi %mul3A_637, %add3A_638 : i32
        %get3A_640 = arith.index_cast %select_n3A_583 : i32 to index
        %get3A_641 = arith.index_cast %add3A_639 : i32 to index
        %get3A_642 = tpu.vector_load %arg13[%get3A_640, %get3A_641] {strides = array<i32>} : memref<8x1024xf32, #tpu.memory_space<vmem>>, vector<1x16xf32>,
        %get3A_643 = vector.shape_cast %get3A_642 : vector<1x16xf32> to vector<16xf32>
        %swap3A_644 = arith.index_cast %select_n3A_583 : i32 to index
        %swap3A_645 = arith.index_cast %add3A_639 : i32 to index
        %swap3A_646 = tpu.vector_load %arg7[%swap3A_644, %swap3A_645] {strides = array<i32>} : memref<8x1024xf32, #tpu.memory_space<vmem>>, vector<1x16xf32>,
        %swap3A_647 = vector.shape_cast %swap3A_646 : vector<1x16xf32> to vector<16xf32>
        %swap3A_648 = vector.shape_cast %get3A_643 : vector<16xf32> to vector<1x16xf32>
        tpu.vector_store %arg7[%swap3A_644, %swap3A_645], %swap3A_648 {add = true, strides = array<i32>} : memref<8x1024xf32, #tpu.memory_space<vmem>>, vector<1x16xf32>,
        %mul3A_649 = arith.constant 128 : i32
        %mul3A_650 = arith.muli %select_n3A_567, %mul3A_649 : i32
        %add3A_651 = arith.constant 80 : i32
        %add3A_652 = arith.addi %mul3A_650, %add3A_651 : i32
        %get3A_653 = arith.index_cast %select_n3A_583 : i32 to index
        %get3A_654 = arith.index_cast %add3A_652 : i32 to index
        %get3A_655 = tpu.vector_load %arg13[%get3A_653, %get3A_654] {strides = array<i32>} : memref<8x1024xf32, #tpu.memory_space<vmem>>, vector<1x16xf32>,
        %get3A_656 = vector.shape_cast %get3A_655 : vector<1x16xf32> to vector<16xf32>
        %swap3A_657 = arith.index_cast %select_n3A_583 : i32 to index
        %swap3A_658 = arith.index_cast %add3A_652 : i32 to index
        %swap3A_659 = tpu.vector_load %arg7[%swap3A_657, %swap3A_658] {strides = array<i32>} : memref<8x1024xf32, #tpu.memory_space<vmem>>, vector<1x16xf32>,
        %swap3A_660 = vector.shape_cast %swap3A_659 : vector<1x16xf32> to vector<16xf32>
        %swap3A_661 = vector.shape_cast %get3A_656 : vector<16xf32> to vector<1x16xf32>
        tpu.vector_store %arg7[%swap3A_657, %swap3A_658], %swap3A_661 {add = true, strides = array<i32>} : memref<8x1024xf32, #tpu.memory_space<vmem>>, vector<1x16xf32>,
        %mul3A_662 = arith.constant 128 : i32
        %mul3A_663 = arith.muli %select_n3A_567, %mul3A_662 : i32
        %add3A_664 = arith.constant 96 : i32
        %add3A_665 = arith.addi %mul3A_663, %add3A_664 : i32
        %get3A_666 = arith.index_cast %select_n3A_583 : i32 to index
        %get3A_667 = arith.index_cast %add3A_665 : i32 to index
        %get3A_668 = tpu.vector_load %arg13[%get3A_666, %get3A_667] {strides = array<i32>} : memref<8x1024xf32, #tpu.memory_space<vmem>>, vector<1x16xf32>,
        %get3A_669 = vector.shape_cast %get3A_668 : vector<1x16xf32> to vector<16xf32>
        %swap3A_670 = arith.index_cast %select_n3A_583 : i32 to index
        %swap3A_671 = arith.index_cast %add3A_665 : i32 to index
        %swap3A_672 = tpu.vector_load %arg7[%swap3A_670, %swap3A_671] {strides = array<i32>} : memref<8x1024xf32, #tpu.memory_space<vmem>>, vector<1x16xf32>,
        %swap3A_673 = vector.shape_cast %swap3A_672 : vector<1x16xf32> to vector<16xf32>
        %swap3A_674 = vector.shape_cast %get3A_669 : vector<16xf32> to vector<1x16xf32>
        tpu.vector_store %arg7[%swap3A_670, %swap3A_671], %swap3A_674 {add = true, strides = array<i32>} : memref<8x1024xf32, #tpu.memory_space<vmem>>, vector<1x16xf32>,
        %mul3A_675 = arith.constant 128 : i32
        %mul3A_676 = arith.muli %select_n3A_567, %mul3A_675 : i32
        %add3A_677 = arith.constant 112 : i32
        %add3A_678 = arith.addi %mul3A_676, %add3A_677 : i32
        %get3A_679 = arith.index_cast %select_n3A_583 : i32 to index
        %get3A_680 = arith.index_cast %add3A_678 : i32 to index
        %get3A_681 = tpu.vector_load %arg13[%get3A_679, %get3A_680] {strides = array<i32>} : memref<8x1024xf32, #tpu.memory_space<vmem>>, vector<1x16xf32>,
        %get3A_682 = vector.shape_cast %get3A_681 : vector<1x16xf32> to vector<16xf32>
        %swap3A_683 = arith.index_cast %select_n3A_583 : i32 to index
        %swap3A_684 = arith.index_cast %add3A_678 : i32 to index
        %swap3A_685 = tpu.vector_load %arg7[%swap3A_683, %swap3A_684] {strides = array<i32>} : memref<8x1024xf32, #tpu.memory_space<vmem>>, vector<1x16xf32>,
        %swap3A_686 = vector.shape_cast %swap3A_685 : vector<1x16xf32> to vector<16xf32>
        %swap3A_687 = vector.shape_cast %get3A_682 : vector<16xf32> to vector<1x16xf32>
        tpu.vector_store %arg7[%swap3A_683, %swap3A_684], %swap3A_687 {add = true, strides = array<i32>} : memref<8x1024xf32, #tpu.memory_space<vmem>>, vector<1x16xf32>,
      }
      %scan3A_202 = arith.constant 64 : i32
      %mul3A_203 = arith.constant 8 : i32
      %mul3A_204 = arith.muli %add3A_96, %mul3A_203 : i32
      %add3A_205 = arith.addi %mul3A_2, %mul3A_204 : i32
      %multiple_of3A_206 = tpu.assume_multiple %add3A_205, 8 : i32
      %dma_start3A_207 = arith.constant 2 : i32
      %dma_start3A_208 = arith.constant 0 : i32
      %dma_start3A_209 = tpu.memref_slice %arg4[%dma_start3A_207, %multiple_of3A_206, %dma_start3A_208] : memref<4x8192x1024xf32, #tpu.memory_space<hbm>> -> memref<1x8x1024xf32, #tpu.memory_space<hbm>>
      %dma_start3A_210 = tpu.memref_squeeze %dma_start3A_209 : memref<1x8x1024xf32, #tpu.memory_space<hbm>> -> memref<8x1024xf32, #tpu.memory_space<hbm>>
      %dma_start3A_211 = arith.constant 0 : i32
      %dma_start3A_212 = tpu.memref_slice %arg4[%dma_start3A_207, %multiple_of3A_206, %dma_start3A_211] : memref<4x8192x1024xf32, #tpu.memory_space<hbm>> -> memref<1x8x1024xf32, #tpu.memory_space<hbm>>
      %dma_start3A_213 = tpu.memref_squeeze %dma_start3A_212 : memref<1x8x1024xf32, #tpu.memory_space<hbm>> -> memref<8x1024xf32, #tpu.memory_space<hbm>>
      tpu.enqueue_dma source(%arg7 : memref<8x1024xf32, #tpu.memory_space<vmem>>) target(%dma_start3A_213 : memref<8x1024xf32, #tpu.memory_space<hbm>>) target_semaphore(%arg25 : memref<!tpu.dma_semaphore, #tpu.memory_space<semaphore_mem>>)
      %mul3A_214 = arith.constant 8 : i32
      %mul3A_215 = arith.muli %add3A_96, %mul3A_214 : i32
      %add3A_216 = arith.addi %mul3A_2, %mul3A_215 : i32
      %multiple_of3A_217 = tpu.assume_multiple %add3A_216, 8 : i32
      %dma_wait3A_218 = arith.constant 3 : i32
      %dma_wait3A_219 = arith.constant 0 : i32
      %dma_wait3A_220 = tpu.memref_slice %arg2[%dma_wait3A_218, %multiple_of3A_217, %dma_wait3A_219] : memref<4x8192x1024xf32, #tpu.memory_space<hbm>> -> memref<1x8x1024xf32, #tpu.memory_space<hbm>>
      %dma_wait3A_221 = tpu.memref_squeeze %dma_wait3A_220 : memref<1x8x1024xf32, #tpu.memory_space<hbm>> -> memref<8x1024xf32, #tpu.memory_space<hbm>>
      %dma_wait3A_222 = arith.constant 0 : i32
      %dma_wait3A_223 = tpu.memref_slice %arg2[%dma_wait3A_218, %multiple_of3A_217, %dma_wait3A_222] : memref<4x8192x1024xf32, #tpu.memory_space<hbm>> -> memref<1x8x1024xf32, #tpu.memory_space<hbm>>
      %dma_wait3A_224 = tpu.memref_squeeze %dma_wait3A_223 : memref<1x8x1024xf32, #tpu.memory_space<hbm>> -> memref<8x1024xf32, #tpu.memory_space<hbm>>
      tpu.wait_dma2 semaphore(%arg18 : memref<!tpu.dma_semaphore, #tpu.memory_space<semaphore_mem>>) src(%dma_wait3A_224 : memref<8x1024xf32, #tpu.memory_space<hbm>>) dst(%arg8 : memref<8x1024xf32, #tpu.memory_space<vmem>>)
      %add3A_225 = arith.constant 1 : i32
      %add3A_226 = arith.addi %add3A_96, %add3A_225 : i32
      %lt3A_227 = arith.constant 32 : i32
      %lt3A_228 = arith.cmpi slt, %add3A_226, %lt3A_227 : i32
      %convert_element_type3A_229 = arith.extui %lt3A_228 : i1 to i32
      %cond3A_230 = arith.constant 0 : i32
      %cond3A_231 = arith.cmpi ne, %convert_element_type3A_229, %cond3A_230 : i32
      scf.if %cond3A_231 {
        %ge3A = arith.constant 1 : i32
        %ge3A_408 = arith.cmpi sge, %add3A_96, %ge3A : i32
        %convert_element_type3A_409 = arith.extui %ge3A_408 : i1 to i32
        %cond3A_410 = arith.constant 0 : i32
        %cond3A_411 = arith.cmpi ne, %convert_element_type3A_409, %cond3A_410 : i32
        scf.if %cond3A_411 {
          %sub3A = arith.constant 1 : i32
          %sub3A_425 = arith.subi %add3A_96, %sub3A : i32
          %mul3A_426 = arith.constant 8 : i32
          %mul3A_427 = arith.muli %sub3A_425, %mul3A_426 : i32
          %add3A_428 = arith.addi %mul3A_2, %mul3A_427 : i32
          %multiple_of3A_429 = tpu.assume_multiple %add3A_428, 8 : i32
          %dma_wait3A_430 = arith.constant 3 : i32
          %dma_wait3A_431 = arith.constant 0 : i32
          %dma_wait3A_432 = tpu.memref_slice %arg4[%dma_wait3A_430, %multiple_of3A_429, %dma_wait3A_431] : memref<4x8192x1024xf32, #tpu.memory_space<hbm>> -> memref<1x8x1024xf32, #tpu.memory_space<hbm>>
          %dma_wait3A_433 = tpu.memref_squeeze %dma_wait3A_432 : memref<1x8x1024xf32, #tpu.memory_space<hbm>> -> memref<8x1024xf32, #tpu.memory_space<hbm>>
          %dma_wait3A_434 = arith.constant 0 : i32
          %dma_wait3A_435 = tpu.memref_slice %arg4[%dma_wait3A_430, %multiple_of3A_429, %dma_wait3A_434] : memref<4x8192x1024xf32, #tpu.memory_space<hbm>> -> memref<1x8x1024xf32, #tpu.memory_space<hbm>>
          %dma_wait3A_436 = tpu.memref_squeeze %dma_wait3A_435 : memref<1x8x1024xf32, #tpu.memory_space<hbm>> -> memref<8x1024xf32, #tpu.memory_space<hbm>>
          tpu.wait_dma2 semaphore(%arg30 : memref<!tpu.dma_semaphore, #tpu.memory_space<semaphore_mem>>) src(%arg12 : memref<8x1024xf32, #tpu.memory_space<vmem>>) dst(%dma_wait3A_436 : memref<8x1024xf32, #tpu.memory_space<hbm>>)
        } else {
        }
        %add3A_412 = arith.constant 1 : i32
        %add3A_413 = arith.addi %add3A_96, %add3A_412 : i32
        %mul3A_414 = arith.constant 8 : i32
        %mul3A_415 = arith.muli %add3A_413, %mul3A_414 : i32
        %add3A_416 = arith.addi %mul3A_2, %mul3A_415 : i32
        %multiple_of3A_417 = tpu.assume_multiple %add3A_416, 8 : i32
        %dma_start3A_418 = arith.constant 3 : i32
        %dma_start3A_419 = arith.constant 0 : i32
        %dma_start3A_420 = tpu.memref_slice %arg2[%dma_start3A_418, %multiple_of3A_417, %dma_start3A_419] : memref<4x8192x1024xf32, #tpu.memory_space<hbm>> -> memref<1x8x1024xf32, #tpu.memory_space<hbm>>
        %dma_start3A_421 = tpu.memref_squeeze %dma_start3A_420 : memref<1x8x1024xf32, #tpu.memory_space<hbm>> -> memref<8x1024xf32, #tpu.memory_space<hbm>>
        %dma_start3A_422 = arith.constant 0 : i32
        %dma_start3A_423 = tpu.memref_slice %arg2[%dma_start3A_418, %multiple_of3A_417, %dma_start3A_422] : memref<4x8192x1024xf32, #tpu.memory_space<hbm>> -> memref<1x8x1024xf32, #tpu.memory_space<hbm>>
        %dma_start3A_424 = tpu.memref_squeeze %dma_start3A_423 : memref<1x8x1024xf32, #tpu.memory_space<hbm>> -> memref<8x1024xf32, #tpu.memory_space<hbm>>
        tpu.enqueue_dma source(%dma_start3A_424 : memref<8x1024xf32, #tpu.memory_space<hbm>>) target(%arg12 : memref<8x1024xf32, #tpu.memory_space<vmem>>) target_semaphore(%arg22 : memref<!tpu.dma_semaphore, #tpu.memory_space<semaphore_mem>>)
      } else {
      }
      %scan3A_232 = arith.constant 0 : i32
      %scan3A_233 = arith.constant 0 : i32
      %scan3A_234 = arith.constant 64 : i32
      %scan3A_235 = arith.addi %scan3A_233, %scan3A_234 : i32
      %scan3A_236 = arith.constant 2 : i32
      scf.for %scan3A_408 = %scan3A_233 to %scan3A_235 step %scan3A_236  : i32 {
        %jit3A = arith.constant 8 : i32
        %div3A = arith.divsi %scan3A_408, %jit3A : i32
        %sign3A = arith.constant 0 : i32
        %sign3A_409 = arith.cmpi sgt, %scan3A_408, %sign3A : i32
        %sign3A_410 = arith.extui %sign3A_409 : i1 to i32
        %sign3A_411 = arith.constant 0 : i32
        %sign3A_412 = arith.cmpi slt, %scan3A_408, %sign3A_411 : i32
        %sign3A_413 = arith.extui %sign3A_412 : i1 to i32
        %sign3A_414 = arith.subi %sign3A_410, %sign3A_413 : i32
        %sign3A_415 = arith.constant 0 : i32
        %sign3A_416 = arith.cmpi sgt, %jit3A, %sign3A_415 : i32
        %sign3A_417 = arith.extui %sign3A_416 : i1 to i32
        %sign3A_418 = arith.constant 0 : i32
        %sign3A_419 = arith.cmpi slt, %jit3A, %sign3A_418 : i32
        %sign3A_420 = arith.extui %sign3A_419 : i1 to i32
        %sign3A_421 = arith.subi %sign3A_417, %sign3A_420 : i32
        %ne3A = arith.cmpi ne, %sign3A_414, %sign3A_421 : i32
        %rem3A = arith.remsi %scan3A_408, %jit3A : i32
        %ne3A_422 = arith.constant 0 : i32
        %ne3A_423 = arith.cmpi ne, %rem3A, %ne3A_422 : i32
        %and3A = arith.andi %ne3A, %ne3A_423 : i1
        %sub3A = arith.constant 1 : i32
        %sub3A_424 = arith.subi %div3A, %sub3A : i32
        %select_n3A = arith.select %and3A, %sub3A_424, %div3A : i32
        %jit3A_425 = arith.constant 8 : i32
        %eq3A = arith.constant 0 : i32
        %eq3A_426 = arith.cmpi eq, %jit3A_425, %eq3A : i32
        %jit3A_427 = arith.constant 1 : i32
        %select_n3A_428 = arith.select %eq3A_426, %jit3A_427, %jit3A_425 : i32
        %rem3A_429 = arith.remsi %scan3A_408, %select_n3A_428 : i32
        %ne3A_430 = arith.constant 0 : i32
        %ne3A_431 = arith.cmpi ne, %rem3A_429, %ne3A_430 : i32
        %lt3A_432 = arith.constant 0 : i32
        %lt3A_433 = arith.cmpi slt, %rem3A_429, %lt3A_432 : i32
        %lt3A_434 = arith.constant 0 : i32
        %lt3A_435 = arith.cmpi slt, %select_n3A_428, %lt3A_434 : i32
        %ne3A_436 = arith.xori %lt3A_433, %lt3A_435 : i1
        %and3A_437 = arith.andi %ne3A_436, %ne3A_431 : i1
        %add3A_438 = arith.addi %rem3A_429, %select_n3A_428 : i32
        %select_n3A_439 = arith.select %and3A_437, %add3A_438, %rem3A_429 : i32
        %mul3A_440 = arith.constant 128 : i32
        %mul3A_441 = arith.muli %select_n3A, %mul3A_440 : i32
        %add3A_442 = arith.constant 0 : i32
        %add3A_443 = arith.addi %mul3A_441, %add3A_442 : i32
        %get3A = arith.index_cast %select_n3A_439 : i32 to index
        %get3A_444 = arith.index_cast %add3A_443 : i32 to index
        %get3A_445 = tpu.vector_load %arg13[%get3A, %get3A_444] {strides = array<i32>} : memref<8x1024xf32, #tpu.memory_space<vmem>>, vector<1x16xf32>,
        %get3A_446 = vector.shape_cast %get3A_445 : vector<1x16xf32> to vector<16xf32>
        %swap3A = arith.index_cast %select_n3A_439 : i32 to index
        %swap3A_447 = arith.index_cast %add3A_443 : i32 to index
        %swap3A_448 = tpu.vector_load %arg8[%swap3A, %swap3A_447] {strides = array<i32>} : memref<8x1024xf32, #tpu.memory_space<vmem>>, vector<1x16xf32>,
        %swap3A_449 = vector.shape_cast %swap3A_448 : vector<1x16xf32> to vector<16xf32>
        %swap3A_450 = vector.shape_cast %get3A_446 : vector<16xf32> to vector<1x16xf32>
        tpu.vector_store %arg8[%swap3A, %swap3A_447], %swap3A_450 {add = true, strides = array<i32>} : memref<8x1024xf32, #tpu.memory_space<vmem>>, vector<1x16xf32>,
        %mul3A_451 = arith.constant 128 : i32
        %mul3A_452 = arith.muli %select_n3A, %mul3A_451 : i32
        %add3A_453 = arith.constant 16 : i32
        %add3A_454 = arith.addi %mul3A_452, %add3A_453 : i32
        %get3A_455 = arith.index_cast %select_n3A_439 : i32 to index
        %get3A_456 = arith.index_cast %add3A_454 : i32 to index
        %get3A_457 = tpu.vector_load %arg13[%get3A_455, %get3A_456] {strides = array<i32>} : memref<8x1024xf32, #tpu.memory_space<vmem>>, vector<1x16xf32>,
        %get3A_458 = vector.shape_cast %get3A_457 : vector<1x16xf32> to vector<16xf32>
        %swap3A_459 = arith.index_cast %select_n3A_439 : i32 to index
        %swap3A_460 = arith.index_cast %add3A_454 : i32 to index
        %swap3A_461 = tpu.vector_load %arg8[%swap3A_459, %swap3A_460] {strides = array<i32>} : memref<8x1024xf32, #tpu.memory_space<vmem>>, vector<1x16xf32>,
        %swap3A_462 = vector.shape_cast %swap3A_461 : vector<1x16xf32> to vector<16xf32>
        %swap3A_463 = vector.shape_cast %get3A_458 : vector<16xf32> to vector<1x16xf32>
        tpu.vector_store %arg8[%swap3A_459, %swap3A_460], %swap3A_463 {add = true, strides = array<i32>} : memref<8x1024xf32, #tpu.memory_space<vmem>>, vector<1x16xf32>,
        %mul3A_464 = arith.constant 128 : i32
        %mul3A_465 = arith.muli %select_n3A, %mul3A_464 : i32
        %add3A_466 = arith.constant 32 : i32
        %add3A_467 = arith.addi %mul3A_465, %add3A_466 : i32
        %get3A_468 = arith.index_cast %select_n3A_439 : i32 to index
        %get3A_469 = arith.index_cast %add3A_467 : i32 to index
        %get3A_470 = tpu.vector_load %arg13[%get3A_468, %get3A_469] {strides = array<i32>} : memref<8x1024xf32, #tpu.memory_space<vmem>>, vector<1x16xf32>,
        %get3A_471 = vector.shape_cast %get3A_470 : vector<1x16xf32> to vector<16xf32>
        %swap3A_472 = arith.index_cast %select_n3A_439 : i32 to index
        %swap3A_473 = arith.index_cast %add3A_467 : i32 to index
        %swap3A_474 = tpu.vector_load %arg8[%swap3A_472, %swap3A_473] {strides = array<i32>} : memref<8x1024xf32, #tpu.memory_space<vmem>>, vector<1x16xf32>,
        %swap3A_475 = vector.shape_cast %swap3A_474 : vector<1x16xf32> to vector<16xf32>
        %swap3A_476 = vector.shape_cast %get3A_471 : vector<16xf32> to vector<1x16xf32>
        tpu.vector_store %arg8[%swap3A_472, %swap3A_473], %swap3A_476 {add = true, strides = array<i32>} : memref<8x1024xf32, #tpu.memory_space<vmem>>, vector<1x16xf32>,
        %mul3A_477 = arith.constant 128 : i32
        %mul3A_478 = arith.muli %select_n3A, %mul3A_477 : i32
        %add3A_479 = arith.constant 48 : i32
        %add3A_480 = arith.addi %mul3A_478, %add3A_479 : i32
        %get3A_481 = arith.index_cast %select_n3A_439 : i32 to index
        %get3A_482 = arith.index_cast %add3A_480 : i32 to index
        %get3A_483 = tpu.vector_load %arg13[%get3A_481, %get3A_482] {strides = array<i32>} : memref<8x1024xf32, #tpu.memory_space<vmem>>, vector<1x16xf32>,
        %get3A_484 = vector.shape_cast %get3A_483 : vector<1x16xf32> to vector<16xf32>
        %swap3A_485 = arith.index_cast %select_n3A_439 : i32 to index
        %swap3A_486 = arith.index_cast %add3A_480 : i32 to index
        %swap3A_487 = tpu.vector_load %arg8[%swap3A_485, %swap3A_486] {strides = array<i32>} : memref<8x1024xf32, #tpu.memory_space<vmem>>, vector<1x16xf32>,
        %swap3A_488 = vector.shape_cast %swap3A_487 : vector<1x16xf32> to vector<16xf32>
        %swap3A_489 = vector.shape_cast %get3A_484 : vector<16xf32> to vector<1x16xf32>
        tpu.vector_store %arg8[%swap3A_485, %swap3A_486], %swap3A_489 {add = true, strides = array<i32>} : memref<8x1024xf32, #tpu.memory_space<vmem>>, vector<1x16xf32>,
        %mul3A_490 = arith.constant 128 : i32
        %mul3A_491 = arith.muli %select_n3A, %mul3A_490 : i32
        %add3A_492 = arith.constant 64 : i32
        %add3A_493 = arith.addi %mul3A_491, %add3A_492 : i32
        %get3A_494 = arith.index_cast %select_n3A_439 : i32 to index
        %get3A_495 = arith.index_cast %add3A_493 : i32 to index
        %get3A_496 = tpu.vector_load %arg13[%get3A_494, %get3A_495] {strides = array<i32>} : memref<8x1024xf32, #tpu.memory_space<vmem>>, vector<1x16xf32>,
        %get3A_497 = vector.shape_cast %get3A_496 : vector<1x16xf32> to vector<16xf32>
        %swap3A_498 = arith.index_cast %select_n3A_439 : i32 to index
        %swap3A_499 = arith.index_cast %add3A_493 : i32 to index
        %swap3A_500 = tpu.vector_load %arg8[%swap3A_498, %swap3A_499] {strides = array<i32>} : memref<8x1024xf32, #tpu.memory_space<vmem>>, vector<1x16xf32>,
        %swap3A_501 = vector.shape_cast %swap3A_500 : vector<1x16xf32> to vector<16xf32>
        %swap3A_502 = vector.shape_cast %get3A_497 : vector<16xf32> to vector<1x16xf32>
        tpu.vector_store %arg8[%swap3A_498, %swap3A_499], %swap3A_502 {add = true, strides = array<i32>} : memref<8x1024xf32, #tpu.memory_space<vmem>>, vector<1x16xf32>,
        %mul3A_503 = arith.constant 128 : i32
        %mul3A_504 = arith.muli %select_n3A, %mul3A_503 : i32
        %add3A_505 = arith.constant 80 : i32
        %add3A_506 = arith.addi %mul3A_504, %add3A_505 : i32
        %get3A_507 = arith.index_cast %select_n3A_439 : i32 to index
        %get3A_508 = arith.index_cast %add3A_506 : i32 to index
        %get3A_509 = tpu.vector_load %arg13[%get3A_507, %get3A_508] {strides = array<i32>} : memref<8x1024xf32, #tpu.memory_space<vmem>>, vector<1x16xf32>,
        %get3A_510 = vector.shape_cast %get3A_509 : vector<1x16xf32> to vector<16xf32>
        %swap3A_511 = arith.index_cast %select_n3A_439 : i32 to index
        %swap3A_512 = arith.index_cast %add3A_506 : i32 to index
        %swap3A_513 = tpu.vector_load %arg8[%swap3A_511, %swap3A_512] {strides = array<i32>} : memref<8x1024xf32, #tpu.memory_space<vmem>>, vector<1x16xf32>,
        %swap3A_514 = vector.shape_cast %swap3A_513 : vector<1x16xf32> to vector<16xf32>
        %swap3A_515 = vector.shape_cast %get3A_510 : vector<16xf32> to vector<1x16xf32>
        tpu.vector_store %arg8[%swap3A_511, %swap3A_512], %swap3A_515 {add = true, strides = array<i32>} : memref<8x1024xf32, #tpu.memory_space<vmem>>, vector<1x16xf32>,
        %mul3A_516 = arith.constant 128 : i32
        %mul3A_517 = arith.muli %select_n3A, %mul3A_516 : i32
        %add3A_518 = arith.constant 96 : i32
        %add3A_519 = arith.addi %mul3A_517, %add3A_518 : i32
        %get3A_520 = arith.index_cast %select_n3A_439 : i32 to index
        %get3A_521 = arith.index_cast %add3A_519 : i32 to index
        %get3A_522 = tpu.vector_load %arg13[%get3A_520, %get3A_521] {strides = array<i32>} : memref<8x1024xf32, #tpu.memory_space<vmem>>, vector<1x16xf32>,
        %get3A_523 = vector.shape_cast %get3A_522 : vector<1x16xf32> to vector<16xf32>
        %swap3A_524 = arith.index_cast %select_n3A_439 : i32 to index
        %swap3A_525 = arith.index_cast %add3A_519 : i32 to index
        %swap3A_526 = tpu.vector_load %arg8[%swap3A_524, %swap3A_525] {strides = array<i32>} : memref<8x1024xf32, #tpu.memory_space<vmem>>, vector<1x16xf32>,
        %swap3A_527 = vector.shape_cast %swap3A_526 : vector<1x16xf32> to vector<16xf32>
        %swap3A_528 = vector.shape_cast %get3A_523 : vector<16xf32> to vector<1x16xf32>
        tpu.vector_store %arg8[%swap3A_524, %swap3A_525], %swap3A_528 {add = true, strides = array<i32>} : memref<8x1024xf32, #tpu.memory_space<vmem>>, vector<1x16xf32>,
        %mul3A_529 = arith.constant 128 : i32
        %mul3A_530 = arith.muli %select_n3A, %mul3A_529 : i32
        %add3A_531 = arith.constant 112 : i32
        %add3A_532 = arith.addi %mul3A_530, %add3A_531 : i32
        %get3A_533 = arith.index_cast %select_n3A_439 : i32 to index
        %get3A_534 = arith.index_cast %add3A_532 : i32 to index
        %get3A_535 = tpu.vector_load %arg13[%get3A_533, %get3A_534] {strides = array<i32>} : memref<8x1024xf32, #tpu.memory_space<vmem>>, vector<1x16xf32>,
        %get3A_536 = vector.shape_cast %get3A_535 : vector<1x16xf32> to vector<16xf32>
        %swap3A_537 = arith.index_cast %select_n3A_439 : i32 to index
        %swap3A_538 = arith.index_cast %add3A_532 : i32 to index
        %swap3A_539 = tpu.vector_load %arg8[%swap3A_537, %swap3A_538] {strides = array<i32>} : memref<8x1024xf32, #tpu.memory_space<vmem>>, vector<1x16xf32>,
        %swap3A_540 = vector.shape_cast %swap3A_539 : vector<1x16xf32> to vector<16xf32>
        %swap3A_541 = vector.shape_cast %get3A_536 : vector<16xf32> to vector<1x16xf32>
        tpu.vector_store %arg8[%swap3A_537, %swap3A_538], %swap3A_541 {add = true, strides = array<i32>} : memref<8x1024xf32, #tpu.memory_space<vmem>>, vector<1x16xf32>,
        %scan3A_542 = arith.constant 1 : i32
        %scan3A_543 = arith.addi %scan3A_408, %scan3A_542 : i32
        %jit3A_544 = arith.constant 8 : i32
        %div3A_545 = arith.divsi %scan3A_543, %jit3A_544 : i32
        %sign3A_546 = arith.constant 0 : i32
        %sign3A_547 = arith.cmpi sgt, %scan3A_543, %sign3A_546 : i32
        %sign3A_548 = arith.extui %sign3A_547 : i1 to i32
        %sign3A_549 = arith.constant 0 : i32
        %sign3A_550 = arith.cmpi slt, %scan3A_543, %sign3A_549 : i32
        %sign3A_551 = arith.extui %sign3A_550 : i1 to i32
        %sign3A_552 = arith.subi %sign3A_548, %sign3A_551 : i32
        %sign3A_553 = arith.constant 0 : i32
        %sign3A_554 = arith.cmpi sgt, %jit3A_544, %sign3A_553 : i32
        %sign3A_555 = arith.extui %sign3A_554 : i1 to i32
        %sign3A_556 = arith.constant 0 : i32
        %sign3A_557 = arith.cmpi slt, %jit3A_544, %sign3A_556 : i32
        %sign3A_558 = arith.extui %sign3A_557 : i1 to i32
        %sign3A_559 = arith.subi %sign3A_555, %sign3A_558 : i32
        %ne3A_560 = arith.cmpi ne, %sign3A_552, %sign3A_559 : i32
        %rem3A_561 = arith.remsi %scan3A_543, %jit3A_544 : i32
        %ne3A_562 = arith.constant 0 : i32
        %ne3A_563 = arith.cmpi ne, %rem3A_561, %ne3A_562 : i32
        %and3A_564 = arith.andi %ne3A_560, %ne3A_563 : i1
        %sub3A_565 = arith.constant 1 : i32
        %sub3A_566 = arith.subi %div3A_545, %sub3A_565 : i32
        %select_n3A_567 = arith.select %and3A_564, %sub3A_566, %div3A_545 : i32
        %jit3A_568 = arith.constant 8 : i32
        %eq3A_569 = arith.constant 0 : i32
        %eq3A_570 = arith.cmpi eq, %jit3A_568, %eq3A_569 : i32
        %jit3A_571 = arith.constant 1 : i32
        %select_n3A_572 = arith.select %eq3A_570, %jit3A_571, %jit3A_568 : i32
        %rem3A_573 = arith.remsi %scan3A_543, %select_n3A_572 : i32
        %ne3A_574 = arith.constant 0 : i32
        %ne3A_575 = arith.cmpi ne, %rem3A_573, %ne3A_574 : i32
        %lt3A_576 = arith.constant 0 : i32
        %lt3A_577 = arith.cmpi slt, %rem3A_573, %lt3A_576 : i32
        %lt3A_578 = arith.constant 0 : i32
        %lt3A_579 = arith.cmpi slt, %select_n3A_572, %lt3A_578 : i32
        %ne3A_580 = arith.xori %lt3A_577, %lt3A_579 : i1
        %and3A_581 = arith.andi %ne3A_580, %ne3A_575 : i1
        %add3A_582 = arith.addi %rem3A_573, %select_n3A_572 : i32
        %select_n3A_583 = arith.select %and3A_581, %add3A_582, %rem3A_573 : i32
        %mul3A_584 = arith.constant 128 : i32
        %mul3A_585 = arith.muli %select_n3A_567, %mul3A_584 : i32
        %add3A_586 = arith.constant 0 : i32
        %add3A_587 = arith.addi %mul3A_585, %add3A_586 : i32
        %get3A_588 = arith.index_cast %select_n3A_583 : i32 to index
        %get3A_589 = arith.index_cast %add3A_587 : i32 to index
        %get3A_590 = tpu.vector_load %arg13[%get3A_588, %get3A_589] {strides = array<i32>} : memref<8x1024xf32, #tpu.memory_space<vmem>>, vector<1x16xf32>,
        %get3A_591 = vector.shape_cast %get3A_590 : vector<1x16xf32> to vector<16xf32>
        %swap3A_592 = arith.index_cast %select_n3A_583 : i32 to index
        %swap3A_593 = arith.index_cast %add3A_587 : i32 to index
        %swap3A_594 = tpu.vector_load %arg8[%swap3A_592, %swap3A_593] {strides = array<i32>} : memref<8x1024xf32, #tpu.memory_space<vmem>>, vector<1x16xf32>,
        %swap3A_595 = vector.shape_cast %swap3A_594 : vector<1x16xf32> to vector<16xf32>
        %swap3A_596 = vector.shape_cast %get3A_591 : vector<16xf32> to vector<1x16xf32>
        tpu.vector_store %arg8[%swap3A_592, %swap3A_593], %swap3A_596 {add = true, strides = array<i32>} : memref<8x1024xf32, #tpu.memory_space<vmem>>, vector<1x16xf32>,
        %mul3A_597 = arith.constant 128 : i32
        %mul3A_598 = arith.muli %select_n3A_567, %mul3A_597 : i32
        %add3A_599 = arith.constant 16 : i32
        %add3A_600 = arith.addi %mul3A_598, %add3A_599 : i32
        %get3A_601 = arith.index_cast %select_n3A_583 : i32 to index
        %get3A_602 = arith.index_cast %add3A_600 : i32 to index
        %get3A_603 = tpu.vector_load %arg13[%get3A_601, %get3A_602] {strides = array<i32>} : memref<8x1024xf32, #tpu.memory_space<vmem>>, vector<1x16xf32>,
        %get3A_604 = vector.shape_cast %get3A_603 : vector<1x16xf32> to vector<16xf32>
        %swap3A_605 = arith.index_cast %select_n3A_583 : i32 to index
        %swap3A_606 = arith.index_cast %add3A_600 : i32 to index
        %swap3A_607 = tpu.vector_load %arg8[%swap3A_605, %swap3A_606] {strides = array<i32>} : memref<8x1024xf32, #tpu.memory_space<vmem>>, vector<1x16xf32>,
        %swap3A_608 = vector.shape_cast %swap3A_607 : vector<1x16xf32> to vector<16xf32>
        %swap3A_609 = vector.shape_cast %get3A_604 : vector<16xf32> to vector<1x16xf32>
        tpu.vector_store %arg8[%swap3A_605, %swap3A_606], %swap3A_609 {add = true, strides = array<i32>} : memref<8x1024xf32, #tpu.memory_space<vmem>>, vector<1x16xf32>,
        %mul3A_610 = arith.constant 128 : i32
        %mul3A_611 = arith.muli %select_n3A_567, %mul3A_610 : i32
        %add3A_612 = arith.constant 32 : i32
        %add3A_613 = arith.addi %mul3A_611, %add3A_612 : i32
        %get3A_614 = arith.index_cast %select_n3A_583 : i32 to index
        %get3A_615 = arith.index_cast %add3A_613 : i32 to index
        %get3A_616 = tpu.vector_load %arg13[%get3A_614, %get3A_615] {strides = array<i32>} : memref<8x1024xf32, #tpu.memory_space<vmem>>, vector<1x16xf32>,
        %get3A_617 = vector.shape_cast %get3A_616 : vector<1x16xf32> to vector<16xf32>
        %swap3A_618 = arith.index_cast %select_n3A_583 : i32 to index
        %swap3A_619 = arith.index_cast %add3A_613 : i32 to index
        %swap3A_620 = tpu.vector_load %arg8[%swap3A_618, %swap3A_619] {strides = array<i32>} : memref<8x1024xf32, #tpu.memory_space<vmem>>, vector<1x16xf32>,
        %swap3A_621 = vector.shape_cast %swap3A_620 : vector<1x16xf32> to vector<16xf32>
        %swap3A_622 = vector.shape_cast %get3A_617 : vector<16xf32> to vector<1x16xf32>
        tpu.vector_store %arg8[%swap3A_618, %swap3A_619], %swap3A_622 {add = true, strides = array<i32>} : memref<8x1024xf32, #tpu.memory_space<vmem>>, vector<1x16xf32>,
        %mul3A_623 = arith.constant 128 : i32
        %mul3A_624 = arith.muli %select_n3A_567, %mul3A_623 : i32
        %add3A_625 = arith.constant 48 : i32
        %add3A_626 = arith.addi %mul3A_624, %add3A_625 : i32
        %get3A_627 = arith.index_cast %select_n3A_583 : i32 to index
        %get3A_628 = arith.index_cast %add3A_626 : i32 to index
        %get3A_629 = tpu.vector_load %arg13[%get3A_627, %get3A_628] {strides = array<i32>} : memref<8x1024xf32, #tpu.memory_space<vmem>>, vector<1x16xf32>,
        %get3A_630 = vector.shape_cast %get3A_629 : vector<1x16xf32> to vector<16xf32>
        %swap3A_631 = arith.index_cast %select_n3A_583 : i32 to index
        %swap3A_632 = arith.index_cast %add3A_626 : i32 to index
        %swap3A_633 = tpu.vector_load %arg8[%swap3A_631, %swap3A_632] {strides = array<i32>} : memref<8x1024xf32, #tpu.memory_space<vmem>>, vector<1x16xf32>,
        %swap3A_634 = vector.shape_cast %swap3A_633 : vector<1x16xf32> to vector<16xf32>
        %swap3A_635 = vector.shape_cast %get3A_630 : vector<16xf32> to vector<1x16xf32>
        tpu.vector_store %arg8[%swap3A_631, %swap3A_632], %swap3A_635 {add = true, strides = array<i32>} : memref<8x1024xf32, #tpu.memory_space<vmem>>, vector<1x16xf32>,
        %mul3A_636 = arith.constant 128 : i32
        %mul3A_637 = arith.muli %select_n3A_567, %mul3A_636 : i32
        %add3A_638 = arith.constant 64 : i32
        %add3A_639 = arith.addi %mul3A_637, %add3A_638 : i32
        %get3A_640 = arith.index_cast %select_n3A_583 : i32 to index
        %get3A_641 = arith.index_cast %add3A_639 : i32 to index
        %get3A_642 = tpu.vector_load %arg13[%get3A_640, %get3A_641] {strides = array<i32>} : memref<8x1024xf32, #tpu.memory_space<vmem>>, vector<1x16xf32>,
        %get3A_643 = vector.shape_cast %get3A_642 : vector<1x16xf32> to vector<16xf32>
        %swap3A_644 = arith.index_cast %select_n3A_583 : i32 to index
        %swap3A_645 = arith.index_cast %add3A_639 : i32 to index
        %swap3A_646 = tpu.vector_load %arg8[%swap3A_644, %swap3A_645] {strides = array<i32>} : memref<8x1024xf32, #tpu.memory_space<vmem>>, vector<1x16xf32>,
        %swap3A_647 = vector.shape_cast %swap3A_646 : vector<1x16xf32> to vector<16xf32>
        %swap3A_648 = vector.shape_cast %get3A_643 : vector<16xf32> to vector<1x16xf32>
        tpu.vector_store %arg8[%swap3A_644, %swap3A_645], %swap3A_648 {add = true, strides = array<i32>} : memref<8x1024xf32, #tpu.memory_space<vmem>>, vector<1x16xf32>,
        %mul3A_649 = arith.constant 128 : i32
        %mul3A_650 = arith.muli %select_n3A_567, %mul3A_649 : i32
        %add3A_651 = arith.constant 80 : i32
        %add3A_652 = arith.addi %mul3A_650, %add3A_651 : i32
        %get3A_653 = arith.index_cast %select_n3A_583 : i32 to index
        %get3A_654 = arith.index_cast %add3A_652 : i32 to index
        %get3A_655 = tpu.vector_load %arg13[%get3A_653, %get3A_654] {strides = array<i32>} : memref<8x1024xf32, #tpu.memory_space<vmem>>, vector<1x16xf32>,
        %get3A_656 = vector.shape_cast %get3A_655 : vector<1x16xf32> to vector<16xf32>
        %swap3A_657 = arith.index_cast %select_n3A_583 : i32 to index
        %swap3A_658 = arith.index_cast %add3A_652 : i32 to index
        %swap3A_659 = tpu.vector_load %arg8[%swap3A_657, %swap3A_658] {strides = array<i32>} : memref<8x1024xf32, #tpu.memory_space<vmem>>, vector<1x16xf32>,
        %swap3A_660 = vector.shape_cast %swap3A_659 : vector<1x16xf32> to vector<16xf32>
        %swap3A_661 = vector.shape_cast %get3A_656 : vector<16xf32> to vector<1x16xf32>
        tpu.vector_store %arg8[%swap3A_657, %swap3A_658], %swap3A_661 {add = true, strides = array<i32>} : memref<8x1024xf32, #tpu.memory_space<vmem>>, vector<1x16xf32>,
        %mul3A_662 = arith.constant 128 : i32
        %mul3A_663 = arith.muli %select_n3A_567, %mul3A_662 : i32
        %add3A_664 = arith.constant 96 : i32
        %add3A_665 = arith.addi %mul3A_663, %add3A_664 : i32
        %get3A_666 = arith.index_cast %select_n3A_583 : i32 to index
        %get3A_667 = arith.index_cast %add3A_665 : i32 to index
        %get3A_668 = tpu.vector_load %arg13[%get3A_666, %get3A_667] {strides = array<i32>} : memref<8x1024xf32, #tpu.memory_space<vmem>>, vector<1x16xf32>,
        %get3A_669 = vector.shape_cast %get3A_668 : vector<1x16xf32> to vector<16xf32>
        %swap3A_670 = arith.index_cast %select_n3A_583 : i32 to index
        %swap3A_671 = arith.index_cast %add3A_665 : i32 to index
        %swap3A_672 = tpu.vector_load %arg8[%swap3A_670, %swap3A_671] {strides = array<i32>} : memref<8x1024xf32, #tpu.memory_space<vmem>>, vector<1x16xf32>,
        %swap3A_673 = vector.shape_cast %swap3A_672 : vector<1x16xf32> to vector<16xf32>
        %swap3A_674 = vector.shape_cast %get3A_669 : vector<16xf32> to vector<1x16xf32>
        tpu.vector_store %arg8[%swap3A_670, %swap3A_671], %swap3A_674 {add = true, strides = array<i32>} : memref<8x1024xf32, #tpu.memory_space<vmem>>, vector<1x16xf32>,
        %mul3A_675 = arith.constant 128 : i32
        %mul3A_676 = arith.muli %select_n3A_567, %mul3A_675 : i32
        %add3A_677 = arith.constant 112 : i32
        %add3A_678 = arith.addi %mul3A_676, %add3A_677 : i32
        %get3A_679 = arith.index_cast %select_n3A_583 : i32 to index
        %get3A_680 = arith.index_cast %add3A_678 : i32 to index
        %get3A_681 = tpu.vector_load %arg13[%get3A_679, %get3A_680] {strides = array<i32>} : memref<8x1024xf32, #tpu.memory_space<vmem>>, vector<1x16xf32>,
        %get3A_682 = vector.shape_cast %get3A_681 : vector<1x16xf32> to vector<16xf32>
        %swap3A_683 = arith.index_cast %select_n3A_583 : i32 to index
        %swap3A_684 = arith.index_cast %add3A_678 : i32 to index
        %swap3A_685 = tpu.vector_load %arg8[%swap3A_683, %swap3A_684] {strides = array<i32>} : memref<8x1024xf32, #tpu.memory_space<vmem>>, vector<1x16xf32>,
        %swap3A_686 = vector.shape_cast %swap3A_685 : vector<1x16xf32> to vector<16xf32>
        %swap3A_687 = vector.shape_cast %get3A_682 : vector<16xf32> to vector<1x16xf32>
        tpu.vector_store %arg8[%swap3A_683, %swap3A_684], %swap3A_687 {add = true, strides = array<i32>} : memref<8x1024xf32, #tpu.memory_space<vmem>>, vector<1x16xf32>,
      }
      %scan3A_237 = arith.constant 64 : i32
      %mul3A_238 = arith.constant 8 : i32
      %mul3A_239 = arith.muli %add3A_96, %mul3A_238 : i32
      %add3A_240 = arith.addi %mul3A_2, %mul3A_239 : i32
      %multiple_of3A_241 = tpu.assume_multiple %add3A_240, 8 : i32
      %dma_start3A_242 = arith.constant 3 : i32
      %dma_start3A_243 = arith.constant 0 : i32
      %dma_start3A_244 = tpu.memref_slice %arg4[%dma_start3A_242, %multiple_of3A_241, %dma_start3A_243] : memref<4x8192x1024xf32, #tpu.memory_space<hbm>> -> memref<1x8x1024xf32, #tpu.memory_space<hbm>>
      %dma_start3A_245 = tpu.memref_squeeze %dma_start3A_244 : memref<1x8x1024xf32, #tpu.memory_space<hbm>> -> memref<8x1024xf32, #tpu.memory_space<hbm>>
      %dma_start3A_246 = arith.constant 0 : i32
      %dma_start3A_247 = tpu.memref_slice %arg4[%dma_start3A_242, %multiple_of3A_241, %dma_start3A_246] : memref<4x8192x1024xf32, #tpu.memory_space<hbm>> -> memref<1x8x1024xf32, #tpu.memory_space<hbm>>
      %dma_start3A_248 = tpu.memref_squeeze %dma_start3A_247 : memref<1x8x1024xf32, #tpu.memory_space<hbm>> -> memref<8x1024xf32, #tpu.memory_space<hbm>>
      tpu.enqueue_dma source(%arg8 : memref<8x1024xf32, #tpu.memory_space<vmem>>) target(%dma_start3A_248 : memref<8x1024xf32, #tpu.memory_space<hbm>>) target_semaphore(%arg26 : memref<!tpu.dma_semaphore, #tpu.memory_space<semaphore_mem>>)
      %mul3A_249 = arith.constant 2 : i32
      %mul3A_250 = arith.muli %scan3A_92, %mul3A_249 : i32
      %add3A_251 = arith.constant 1 : i32
      %add3A_252 = arith.addi %mul3A_250, %add3A_251 : i32
      %add3A_253 = arith.constant 1 : i32
      %add3A_254 = arith.addi %add3A_252, %add3A_253 : i32
      %lt3A_255 = arith.constant 32 : i32
      %lt3A_256 = arith.cmpi slt, %add3A_254, %lt3A_255 : i32
      %convert_element_type3A_257 = arith.extui %lt3A_256 : i1 to i32
      %cond3A_258 = arith.constant 0 : i32
      %cond3A_259 = arith.cmpi ne, %convert_element_type3A_257, %cond3A_258 : i32
      scf.if %cond3A_259 {
        %add3A_408 = arith.constant 1 : i32
        %add3A_409 = arith.addi %add3A_252, %add3A_408 : i32
        %mul3A_410 = arith.constant 8 : i32
        %mul3A_411 = arith.muli %add3A_409, %mul3A_410 : i32
        %add3A_412 = arith.addi %mul3A_2, %mul3A_411 : i32
        %multiple_of3A_413 = tpu.assume_multiple %add3A_412, 8 : i32
        %dma_start3A_414 = arith.constant 0 : i32
        %dma_start3A_415 = tpu.memref_slice %arg3[%multiple_of3A_413, %dma_start3A_414] : memref<8192x1024xf32, #tpu.memory_space<hbm>> -> memref<8x1024xf32, #tpu.memory_space<hbm>>
        %dma_start3A_416 = arith.constant 0 : i32
        %dma_start3A_417 = tpu.memref_slice %arg3[%multiple_of3A_413, %dma_start3A_416] : memref<8192x1024xf32, #tpu.memory_space<hbm>> -> memref<8x1024xf32, #tpu.memory_space<hbm>>
        tpu.enqueue_dma source(%dma_start3A_417 : memref<8x1024xf32, #tpu.memory_space<hbm>>) target(%arg13 : memref<8x1024xf32, #tpu.memory_space<vmem>>) target_semaphore(%arg31 : memref<!tpu.dma_semaphore, #tpu.memory_space<semaphore_mem>>)
      } else {
      }
      %mul3A_260 = arith.constant 8 : i32
      %mul3A_261 = arith.muli %add3A_252, %mul3A_260 : i32
      %add3A_262 = arith.addi %mul3A_2, %mul3A_261 : i32
      %multiple_of3A_263 = tpu.assume_multiple %add3A_262, 8 : i32
      %dma_wait3A_264 = arith.constant 0 : i32
      %dma_wait3A_265 = tpu.memref_slice %arg3[%multiple_of3A_263, %dma_wait3A_264] : memref<8192x1024xf32, #tpu.memory_space<hbm>> -> memref<8x1024xf32, #tpu.memory_space<hbm>>
      %dma_wait3A_266 = arith.constant 0 : i32
      %dma_wait3A_267 = tpu.memref_slice %arg3[%multiple_of3A_263, %dma_wait3A_266] : memref<8192x1024xf32, #tpu.memory_space<hbm>> -> memref<8x1024xf32, #tpu.memory_space<hbm>>
      tpu.wait_dma2 semaphore(%arg32 : memref<!tpu.dma_semaphore, #tpu.memory_space<semaphore_mem>>) src(%dma_wait3A_267 : memref<8x1024xf32, #tpu.memory_space<hbm>>) dst(%arg14 : memref<8x1024xf32, #tpu.memory_space<vmem>>)
      %mul3A_268 = arith.constant 8 : i32
      %mul3A_269 = arith.muli %add3A_252, %mul3A_268 : i32
      %add3A_270 = arith.addi %mul3A_2, %mul3A_269 : i32
      %multiple_of3A_271 = tpu.assume_multiple %add3A_270, 8 : i32
      %dma_wait3A_272 = arith.constant 0 : i32
      %dma_wait3A_273 = arith.constant 0 : i32
      %dma_wait3A_274 = tpu.memref_slice %arg2[%dma_wait3A_272, %multiple_of3A_271, %dma_wait3A_273] : memref<4x8192x1024xf32, #tpu.memory_space<hbm>> -> memref<1x8x1024xf32, #tpu.memory_space<hbm>>
      %dma_wait3A_275 = tpu.memref_squeeze %dma_wait3A_274 : memref<1x8x1024xf32, #tpu.memory_space<hbm>> -> memref<8x1024xf32, #tpu.memory_space<hbm>>
      %dma_wait3A_276 = arith.constant 0 : i32
      %dma_wait3A_277 = tpu.memref_slice %arg2[%dma_wait3A_272, %multiple_of3A_271, %dma_wait3A_276] : memref<4x8192x1024xf32, #tpu.memory_space<hbm>> -> memref<1x8x1024xf32, #tpu.memory_space<hbm>>
      %dma_wait3A_278 = tpu.memref_squeeze %dma_wait3A_277 : memref<1x8x1024xf32, #tpu.memory_space<hbm>> -> memref<8x1024xf32, #tpu.memory_space<hbm>>
      tpu.wait_dma2 semaphore(%arg19 : memref<!tpu.dma_semaphore, #tpu.memory_space<semaphore_mem>>) src(%dma_wait3A_278 : memref<8x1024xf32, #tpu.memory_space<hbm>>) dst(%arg9 : memref<8x1024xf32, #tpu.memory_space<vmem>>)
      %add3A_279 = arith.constant 1 : i32
      %add3A_280 = arith.addi %add3A_252, %add3A_279 : i32
      %lt3A_281 = arith.constant 32 : i32
      %lt3A_282 = arith.cmpi slt, %add3A_280, %lt3A_281 : i32
      %convert_element_type3A_283 = arith.extui %lt3A_282 : i1 to i32
      %cond3A_284 = arith.constant 0 : i32
      %cond3A_285 = arith.cmpi ne, %convert_element_type3A_283, %cond3A_284 : i32
      scf.if %cond3A_285 {
        %ge3A = arith.constant 1 : i32
        %ge3A_408 = arith.cmpi sge, %add3A_252, %ge3A : i32
        %convert_element_type3A_409 = arith.extui %ge3A_408 : i1 to i32
        %cond3A_410 = arith.constant 0 : i32
        %cond3A_411 = arith.cmpi ne, %convert_element_type3A_409, %cond3A_410 : i32
        scf.if %cond3A_411 {
          %sub3A = arith.constant 1 : i32
          %sub3A_425 = arith.subi %add3A_252, %sub3A : i32
          %mul3A_426 = arith.constant 8 : i32
          %mul3A_427 = arith.muli %sub3A_425, %mul3A_426 : i32
          %add3A_428 = arith.addi %mul3A_2, %mul3A_427 : i32
          %multiple_of3A_429 = tpu.assume_multiple %add3A_428, 8 : i32
          %dma_wait3A_430 = arith.constant 0 : i32
          %dma_wait3A_431 = arith.constant 0 : i32
          %dma_wait3A_432 = tpu.memref_slice %arg4[%dma_wait3A_430, %multiple_of3A_429, %dma_wait3A_431] : memref<4x8192x1024xf32, #tpu.memory_space<hbm>> -> memref<1x8x1024xf32, #tpu.memory_space<hbm>>
          %dma_wait3A_433 = tpu.memref_squeeze %dma_wait3A_432 : memref<1x8x1024xf32, #tpu.memory_space<hbm>> -> memref<8x1024xf32, #tpu.memory_space<hbm>>
          %dma_wait3A_434 = arith.constant 0 : i32
          %dma_wait3A_435 = tpu.memref_slice %arg4[%dma_wait3A_430, %multiple_of3A_429, %dma_wait3A_434] : memref<4x8192x1024xf32, #tpu.memory_space<hbm>> -> memref<1x8x1024xf32, #tpu.memory_space<hbm>>
          %dma_wait3A_436 = tpu.memref_squeeze %dma_wait3A_435 : memref<1x8x1024xf32, #tpu.memory_space<hbm>> -> memref<8x1024xf32, #tpu.memory_space<hbm>>
          tpu.wait_dma2 semaphore(%arg23 : memref<!tpu.dma_semaphore, #tpu.memory_space<semaphore_mem>>) src(%arg5 : memref<8x1024xf32, #tpu.memory_space<vmem>>) dst(%dma_wait3A_436 : memref<8x1024xf32, #tpu.memory_space<hbm>>)
        } else {
        }
        %add3A_412 = arith.constant 1 : i32
        %add3A_413 = arith.addi %add3A_252, %add3A_412 : i32
        %mul3A_414 = arith.constant 8 : i32
        %mul3A_415 = arith.muli %add3A_413, %mul3A_414 : i32
        %add3A_416 = arith.addi %mul3A_2, %mul3A_415 : i32
        %multiple_of3A_417 = tpu.assume_multiple %add3A_416, 8 : i32
        %dma_start3A_418 = arith.constant 0 : i32
        %dma_start3A_419 = arith.constant 0 : i32
        %dma_start3A_420 = tpu.memref_slice %arg2[%dma_start3A_418, %multiple_of3A_417, %dma_start3A_419] : memref<4x8192x1024xf32, #tpu.memory_space<hbm>> -> memref<1x8x1024xf32, #tpu.memory_space<hbm>>
        %dma_start3A_421 = tpu.memref_squeeze %dma_start3A_420 : memref<1x8x1024xf32, #tpu.memory_space<hbm>> -> memref<8x1024xf32, #tpu.memory_space<hbm>>
        %dma_start3A_422 = arith.constant 0 : i32
        %dma_start3A_423 = tpu.memref_slice %arg2[%dma_start3A_418, %multiple_of3A_417, %dma_start3A_422] : memref<4x8192x1024xf32, #tpu.memory_space<hbm>> -> memref<1x8x1024xf32, #tpu.memory_space<hbm>>
        %dma_start3A_424 = tpu.memref_squeeze %dma_start3A_423 : memref<1x8x1024xf32, #tpu.memory_space<hbm>> -> memref<8x1024xf32, #tpu.memory_space<hbm>>
        tpu.enqueue_dma source(%dma_start3A_424 : memref<8x1024xf32, #tpu.memory_space<hbm>>) target(%arg5 : memref<8x1024xf32, #tpu.memory_space<vmem>>) target_semaphore(%arg15 : memref<!tpu.dma_semaphore, #tpu.memory_space<semaphore_mem>>)
      } else {
      }
      %scan3A_286 = arith.constant 0 : i32
      %scan3A_287 = arith.constant 0 : i32
      %scan3A_288 = arith.constant 64 : i32
      %scan3A_289 = arith.addi %scan3A_287, %scan3A_288 : i32
      %scan3A_290 = arith.constant 2 : i32
      scf.for %scan3A_408 = %scan3A_287 to %scan3A_289 step %scan3A_290  : i32 {
        %jit3A = arith.constant 8 : i32
        %div3A = arith.divsi %scan3A_408, %jit3A : i32
        %sign3A = arith.constant 0 : i32
        %sign3A_409 = arith.cmpi sgt, %scan3A_408, %sign3A : i32
        %sign3A_410 = arith.extui %sign3A_409 : i1 to i32
        %sign3A_411 = arith.constant 0 : i32
        %sign3A_412 = arith.cmpi slt, %scan3A_408, %sign3A_411 : i32
        %sign3A_413 = arith.extui %sign3A_412 : i1 to i32
        %sign3A_414 = arith.subi %sign3A_410, %sign3A_413 : i32
        %sign3A_415 = arith.constant 0 : i32
        %sign3A_416 = arith.cmpi sgt, %jit3A, %sign3A_415 : i32
        %sign3A_417 = arith.extui %sign3A_416 : i1 to i32
        %sign3A_418 = arith.constant 0 : i32
        %sign3A_419 = arith.cmpi slt, %jit3A, %sign3A_418 : i32
        %sign3A_420 = arith.extui %sign3A_419 : i1 to i32
        %sign3A_421 = arith.subi %sign3A_417, %sign3A_420 : i32
        %ne3A = arith.cmpi ne, %sign3A_414, %sign3A_421 : i32
        %rem3A = arith.remsi %scan3A_408, %jit3A : i32
        %ne3A_422 = arith.constant 0 : i32
        %ne3A_423 = arith.cmpi ne, %rem3A, %ne3A_422 : i32
        %and3A = arith.andi %ne3A, %ne3A_423 : i1
        %sub3A = arith.constant 1 : i32
        %sub3A_424 = arith.subi %div3A, %sub3A : i32
        %select_n3A = arith.select %and3A, %sub3A_424, %div3A : i32
        %jit3A_425 = arith.constant 8 : i32
        %eq3A = arith.constant 0 : i32
        %eq3A_426 = arith.cmpi eq, %jit3A_425, %eq3A : i32
        %jit3A_427 = arith.constant 1 : i32
        %select_n3A_428 = arith.select %eq3A_426, %jit3A_427, %jit3A_425 : i32
        %rem3A_429 = arith.remsi %scan3A_408, %select_n3A_428 : i32
        %ne3A_430 = arith.constant 0 : i32
        %ne3A_431 = arith.cmpi ne, %rem3A_429, %ne3A_430 : i32
        %lt3A_432 = arith.constant 0 : i32
        %lt3A_433 = arith.cmpi slt, %rem3A_429, %lt3A_432 : i32
        %lt3A_434 = arith.constant 0 : i32
        %lt3A_435 = arith.cmpi slt, %select_n3A_428, %lt3A_434 : i32
        %ne3A_436 = arith.xori %lt3A_433, %lt3A_435 : i1
        %and3A_437 = arith.andi %ne3A_436, %ne3A_431 : i1
        %add3A_438 = arith.addi %rem3A_429, %select_n3A_428 : i32
        %select_n3A_439 = arith.select %and3A_437, %add3A_438, %rem3A_429 : i32
        %mul3A_440 = arith.constant 128 : i32
        %mul3A_441 = arith.muli %select_n3A, %mul3A_440 : i32
        %add3A_442 = arith.constant 0 : i32
        %add3A_443 = arith.addi %mul3A_441, %add3A_442 : i32
        %get3A = arith.index_cast %select_n3A_439 : i32 to index
        %get3A_444 = arith.index_cast %add3A_443 : i32 to index
        %get3A_445 = tpu.vector_load %arg14[%get3A, %get3A_444] {strides = array<i32>} : memref<8x1024xf32, #tpu.memory_space<vmem>>, vector<1x16xf32>,
        %get3A_446 = vector.shape_cast %get3A_445 : vector<1x16xf32> to vector<16xf32>
        %swap3A = arith.index_cast %select_n3A_439 : i32 to index
        %swap3A_447 = arith.index_cast %add3A_443 : i32 to index
        %swap3A_448 = tpu.vector_load %arg9[%swap3A, %swap3A_447] {strides = array<i32>} : memref<8x1024xf32, #tpu.memory_space<vmem>>, vector<1x16xf32>,
        %swap3A_449 = vector.shape_cast %swap3A_448 : vector<1x16xf32> to vector<16xf32>
        %swap3A_450 = vector.shape_cast %get3A_446 : vector<16xf32> to vector<1x16xf32>
        tpu.vector_store %arg9[%swap3A, %swap3A_447], %swap3A_450 {add = true, strides = array<i32>} : memref<8x1024xf32, #tpu.memory_space<vmem>>, vector<1x16xf32>,
        %mul3A_451 = arith.constant 128 : i32
        %mul3A_452 = arith.muli %select_n3A, %mul3A_451 : i32
        %add3A_453 = arith.constant 16 : i32
        %add3A_454 = arith.addi %mul3A_452, %add3A_453 : i32
        %get3A_455 = arith.index_cast %select_n3A_439 : i32 to index
        %get3A_456 = arith.index_cast %add3A_454 : i32 to index
        %get3A_457 = tpu.vector_load %arg14[%get3A_455, %get3A_456] {strides = array<i32>} : memref<8x1024xf32, #tpu.memory_space<vmem>>, vector<1x16xf32>,
        %get3A_458 = vector.shape_cast %get3A_457 : vector<1x16xf32> to vector<16xf32>
        %swap3A_459 = arith.index_cast %select_n3A_439 : i32 to index
        %swap3A_460 = arith.index_cast %add3A_454 : i32 to index
        %swap3A_461 = tpu.vector_load %arg9[%swap3A_459, %swap3A_460] {strides = array<i32>} : memref<8x1024xf32, #tpu.memory_space<vmem>>, vector<1x16xf32>,
        %swap3A_462 = vector.shape_cast %swap3A_461 : vector<1x16xf32> to vector<16xf32>
        %swap3A_463 = vector.shape_cast %get3A_458 : vector<16xf32> to vector<1x16xf32>
        tpu.vector_store %arg9[%swap3A_459, %swap3A_460], %swap3A_463 {add = true, strides = array<i32>} : memref<8x1024xf32, #tpu.memory_space<vmem>>, vector<1x16xf32>,
        %mul3A_464 = arith.constant 128 : i32
        %mul3A_465 = arith.muli %select_n3A, %mul3A_464 : i32
        %add3A_466 = arith.constant 32 : i32
        %add3A_467 = arith.addi %mul3A_465, %add3A_466 : i32
        %get3A_468 = arith.index_cast %select_n3A_439 : i32 to index
        %get3A_469 = arith.index_cast %add3A_467 : i32 to index
        %get3A_470 = tpu.vector_load %arg14[%get3A_468, %get3A_469] {strides = array<i32>} : memref<8x1024xf32, #tpu.memory_space<vmem>>, vector<1x16xf32>,
        %get3A_471 = vector.shape_cast %get3A_470 : vector<1x16xf32> to vector<16xf32>
        %swap3A_472 = arith.index_cast %select_n3A_439 : i32 to index
        %swap3A_473 = arith.index_cast %add3A_467 : i32 to index
        %swap3A_474 = tpu.vector_load %arg9[%swap3A_472, %swap3A_473] {strides = array<i32>} : memref<8x1024xf32, #tpu.memory_space<vmem>>, vector<1x16xf32>,
        %swap3A_475 = vector.shape_cast %swap3A_474 : vector<1x16xf32> to vector<16xf32>
        %swap3A_476 = vector.shape_cast %get3A_471 : vector<16xf32> to vector<1x16xf32>
        tpu.vector_store %arg9[%swap3A_472, %swap3A_473], %swap3A_476 {add = true, strides = array<i32>} : memref<8x1024xf32, #tpu.memory_space<vmem>>, vector<1x16xf32>,
        %mul3A_477 = arith.constant 128 : i32
        %mul3A_478 = arith.muli %select_n3A, %mul3A_477 : i32
        %add3A_479 = arith.constant 48 : i32
        %add3A_480 = arith.addi %mul3A_478, %add3A_479 : i32
        %get3A_481 = arith.index_cast %select_n3A_439 : i32 to index
        %get3A_482 = arith.index_cast %add3A_480 : i32 to index
        %get3A_483 = tpu.vector_load %arg14[%get3A_481, %get3A_482] {strides = array<i32>} : memref<8x1024xf32, #tpu.memory_space<vmem>>, vector<1x16xf32>,
        %get3A_484 = vector.shape_cast %get3A_483 : vector<1x16xf32> to vector<16xf32>
        %swap3A_485 = arith.index_cast %select_n3A_439 : i32 to index
        %swap3A_486 = arith.index_cast %add3A_480 : i32 to index
        %swap3A_487 = tpu.vector_load %arg9[%swap3A_485, %swap3A_486] {strides = array<i32>} : memref<8x1024xf32, #tpu.memory_space<vmem>>, vector<1x16xf32>,
        %swap3A_488 = vector.shape_cast %swap3A_487 : vector<1x16xf32> to vector<16xf32>
        %swap3A_489 = vector.shape_cast %get3A_484 : vector<16xf32> to vector<1x16xf32>
        tpu.vector_store %arg9[%swap3A_485, %swap3A_486], %swap3A_489 {add = true, strides = array<i32>} : memref<8x1024xf32, #tpu.memory_space<vmem>>, vector<1x16xf32>,
        %mul3A_490 = arith.constant 128 : i32
        %mul3A_491 = arith.muli %select_n3A, %mul3A_490 : i32
        %add3A_492 = arith.constant 64 : i32
        %add3A_493 = arith.addi %mul3A_491, %add3A_492 : i32
        %get3A_494 = arith.index_cast %select_n3A_439 : i32 to index
        %get3A_495 = arith.index_cast %add3A_493 : i32 to index
        %get3A_496 = tpu.vector_load %arg14[%get3A_494, %get3A_495] {strides = array<i32>} : memref<8x1024xf32, #tpu.memory_space<vmem>>, vector<1x16xf32>,
        %get3A_497 = vector.shape_cast %get3A_496 : vector<1x16xf32> to vector<16xf32>
        %swap3A_498 = arith.index_cast %select_n3A_439 : i32 to index
        %swap3A_499 = arith.index_cast %add3A_493 : i32 to index
        %swap3A_500 = tpu.vector_load %arg9[%swap3A_498, %swap3A_499] {strides = array<i32>} : memref<8x1024xf32, #tpu.memory_space<vmem>>, vector<1x16xf32>,
        %swap3A_501 = vector.shape_cast %swap3A_500 : vector<1x16xf32> to vector<16xf32>
        %swap3A_502 = vector.shape_cast %get3A_497 : vector<16xf32> to vector<1x16xf32>
        tpu.vector_store %arg9[%swap3A_498, %swap3A_499], %swap3A_502 {add = true, strides = array<i32>} : memref<8x1024xf32, #tpu.memory_space<vmem>>, vector<1x16xf32>,
        %mul3A_503 = arith.constant 128 : i32
        %mul3A_504 = arith.muli %select_n3A, %mul3A_503 : i32
        %add3A_505 = arith.constant 80 : i32
        %add3A_506 = arith.addi %mul3A_504, %add3A_505 : i32
        %get3A_507 = arith.index_cast %select_n3A_439 : i32 to index
        %get3A_508 = arith.index_cast %add3A_506 : i32 to index
        %get3A_509 = tpu.vector_load %arg14[%get3A_507, %get3A_508] {strides = array<i32>} : memref<8x1024xf32, #tpu.memory_space<vmem>>, vector<1x16xf32>,
        %get3A_510 = vector.shape_cast %get3A_509 : vector<1x16xf32> to vector<16xf32>
        %swap3A_511 = arith.index_cast %select_n3A_439 : i32 to index
        %swap3A_512 = arith.index_cast %add3A_506 : i32 to index
        %swap3A_513 = tpu.vector_load %arg9[%swap3A_511, %swap3A_512] {strides = array<i32>} : memref<8x1024xf32, #tpu.memory_space<vmem>>, vector<1x16xf32>,
        %swap3A_514 = vector.shape_cast %swap3A_513 : vector<1x16xf32> to vector<16xf32>
        %swap3A_515 = vector.shape_cast %get3A_510 : vector<16xf32> to vector<1x16xf32>
        tpu.vector_store %arg9[%swap3A_511, %swap3A_512], %swap3A_515 {add = true, strides = array<i32>} : memref<8x1024xf32, #tpu.memory_space<vmem>>, vector<1x16xf32>,
        %mul3A_516 = arith.constant 128 : i32
        %mul3A_517 = arith.muli %select_n3A, %mul3A_516 : i32
        %add3A_518 = arith.constant 96 : i32
        %add3A_519 = arith.addi %mul3A_517, %add3A_518 : i32
        %get3A_520 = arith.index_cast %select_n3A_439 : i32 to index
        %get3A_521 = arith.index_cast %add3A_519 : i32 to index
        %get3A_522 = tpu.vector_load %arg14[%get3A_520, %get3A_521] {strides = array<i32>} : memref<8x1024xf32, #tpu.memory_space<vmem>>, vector<1x16xf32>,
        %get3A_523 = vector.shape_cast %get3A_522 : vector<1x16xf32> to vector<16xf32>
        %swap3A_524 = arith.index_cast %select_n3A_439 : i32 to index
        %swap3A_525 = arith.index_cast %add3A_519 : i32 to index
        %swap3A_526 = tpu.vector_load %arg9[%swap3A_524, %swap3A_525] {strides = array<i32>} : memref<8x1024xf32, #tpu.memory_space<vmem>>, vector<1x16xf32>,
        %swap3A_527 = vector.shape_cast %swap3A_526 : vector<1x16xf32> to vector<16xf32>
        %swap3A_528 = vector.shape_cast %get3A_523 : vector<16xf32> to vector<1x16xf32>
        tpu.vector_store %arg9[%swap3A_524, %swap3A_525], %swap3A_528 {add = true, strides = array<i32>} : memref<8x1024xf32, #tpu.memory_space<vmem>>, vector<1x16xf32>,
        %mul3A_529 = arith.constant 128 : i32
        %mul3A_530 = arith.muli %select_n3A, %mul3A_529 : i32
        %add3A_531 = arith.constant 112 : i32
        %add3A_532 = arith.addi %mul3A_530, %add3A_531 : i32
        %get3A_533 = arith.index_cast %select_n3A_439 : i32 to index
        %get3A_534 = arith.index_cast %add3A_532 : i32 to index
        %get3A_535 = tpu.vector_load %arg14[%get3A_533, %get3A_534] {strides = array<i32>} : memref<8x1024xf32, #tpu.memory_space<vmem>>, vector<1x16xf32>,
        %get3A_536 = vector.shape_cast %get3A_535 : vector<1x16xf32> to vector<16xf32>
        %swap3A_537 = arith.index_cast %select_n3A_439 : i32 to index
        %swap3A_538 = arith.index_cast %add3A_532 : i32 to index
        %swap3A_539 = tpu.vector_load %arg9[%swap3A_537, %swap3A_538] {strides = array<i32>} : memref<8x1024xf32, #tpu.memory_space<vmem>>, vector<1x16xf32>,
        %swap3A_540 = vector.shape_cast %swap3A_539 : vector<1x16xf32> to vector<16xf32>
        %swap3A_541 = vector.shape_cast %get3A_536 : vector<16xf32> to vector<1x16xf32>
        tpu.vector_store %arg9[%swap3A_537, %swap3A_538], %swap3A_541 {add = true, strides = array<i32>} : memref<8x1024xf32, #tpu.memory_space<vmem>>, vector<1x16xf32>,
        %scan3A_542 = arith.constant 1 : i32
        %scan3A_543 = arith.addi %scan3A_408, %scan3A_542 : i32
        %jit3A_544 = arith.constant 8 : i32
        %div3A_545 = arith.divsi %scan3A_543, %jit3A_544 : i32
        %sign3A_546 = arith.constant 0 : i32
        %sign3A_547 = arith.cmpi sgt, %scan3A_543, %sign3A_546 : i32
        %sign3A_548 = arith.extui %sign3A_547 : i1 to i32
        %sign3A_549 = arith.constant 0 : i32
        %sign3A_550 = arith.cmpi slt, %scan3A_543, %sign3A_549 : i32
        %sign3A_551 = arith.extui %sign3A_550 : i1 to i32
        %sign3A_552 = arith.subi %sign3A_548, %sign3A_551 : i32
        %sign3A_553 = arith.constant 0 : i32
        %sign3A_554 = arith.cmpi sgt, %jit3A_544, %sign3A_553 : i32
        %sign3A_555 = arith.extui %sign3A_554 : i1 to i32
        %sign3A_556 = arith.constant 0 : i32
        %sign3A_557 = arith.cmpi slt, %jit3A_544, %sign3A_556 : i32
        %sign3A_558 = arith.extui %sign3A_557 : i1 to i32
        %sign3A_559 = arith.subi %sign3A_555, %sign3A_558 : i32
        %ne3A_560 = arith.cmpi ne, %sign3A_552, %sign3A_559 : i32
        %rem3A_561 = arith.remsi %scan3A_543, %jit3A_544 : i32
        %ne3A_562 = arith.constant 0 : i32
        %ne3A_563 = arith.cmpi ne, %rem3A_561, %ne3A_562 : i32
        %and3A_564 = arith.andi %ne3A_560, %ne3A_563 : i1
        %sub3A_565 = arith.constant 1 : i32
        %sub3A_566 = arith.subi %div3A_545, %sub3A_565 : i32
        %select_n3A_567 = arith.select %and3A_564, %sub3A_566, %div3A_545 : i32
        %jit3A_568 = arith.constant 8 : i32
        %eq3A_569 = arith.constant 0 : i32
        %eq3A_570 = arith.cmpi eq, %jit3A_568, %eq3A_569 : i32
        %jit3A_571 = arith.constant 1 : i32
        %select_n3A_572 = arith.select %eq3A_570, %jit3A_571, %jit3A_568 : i32
        %rem3A_573 = arith.remsi %scan3A_543, %select_n3A_572 : i32
        %ne3A_574 = arith.constant 0 : i32
        %ne3A_575 = arith.cmpi ne, %rem3A_573, %ne3A_574 : i32
        %lt3A_576 = arith.constant 0 : i32
        %lt3A_577 = arith.cmpi slt, %rem3A_573, %lt3A_576 : i32
        %lt3A_578 = arith.constant 0 : i32
        %lt3A_579 = arith.cmpi slt, %select_n3A_572, %lt3A_578 : i32
        %ne3A_580 = arith.xori %lt3A_577, %lt3A_579 : i1
        %and3A_581 = arith.andi %ne3A_580, %ne3A_575 : i1
        %add3A_582 = arith.addi %rem3A_573, %select_n3A_572 : i32
        %select_n3A_583 = arith.select %and3A_581, %add3A_582, %rem3A_573 : i32
        %mul3A_584 = arith.constant 128 : i32
        %mul3A_585 = arith.muli %select_n3A_567, %mul3A_584 : i32
        %add3A_586 = arith.constant 0 : i32
        %add3A_587 = arith.addi %mul3A_585, %add3A_586 : i32
        %get3A_588 = arith.index_cast %select_n3A_583 : i32 to index
        %get3A_589 = arith.index_cast %add3A_587 : i32 to index
        %get3A_590 = tpu.vector_load %arg14[%get3A_588, %get3A_589] {strides = array<i32>} : memref<8x1024xf32, #tpu.memory_space<vmem>>, vector<1x16xf32>,
        %get3A_591 = vector.shape_cast %get3A_590 : vector<1x16xf32> to vector<16xf32>
        %swap3A_592 = arith.index_cast %select_n3A_583 : i32 to index
        %swap3A_593 = arith.index_cast %add3A_587 : i32 to index
        %swap3A_594 = tpu.vector_load %arg9[%swap3A_592, %swap3A_593] {strides = array<i32>} : memref<8x1024xf32, #tpu.memory_space<vmem>>, vector<1x16xf32>,
        %swap3A_595 = vector.shape_cast %swap3A_594 : vector<1x16xf32> to vector<16xf32>
        %swap3A_596 = vector.shape_cast %get3A_591 : vector<16xf32> to vector<1x16xf32>
        tpu.vector_store %arg9[%swap3A_592, %swap3A_593], %swap3A_596 {add = true, strides = array<i32>} : memref<8x1024xf32, #tpu.memory_space<vmem>>, vector<1x16xf32>,
        %mul3A_597 = arith.constant 128 : i32
        %mul3A_598 = arith.muli %select_n3A_567, %mul3A_597 : i32
        %add3A_599 = arith.constant 16 : i32
        %add3A_600 = arith.addi %mul3A_598, %add3A_599 : i32
        %get3A_601 = arith.index_cast %select_n3A_583 : i32 to index
        %get3A_602 = arith.index_cast %add3A_600 : i32 to index
        %get3A_603 = tpu.vector_load %arg14[%get3A_601, %get3A_602] {strides = array<i32>} : memref<8x1024xf32, #tpu.memory_space<vmem>>, vector<1x16xf32>,
        %get3A_604 = vector.shape_cast %get3A_603 : vector<1x16xf32> to vector<16xf32>
        %swap3A_605 = arith.index_cast %select_n3A_583 : i32 to index
        %swap3A_606 = arith.index_cast %add3A_600 : i32 to index
        %swap3A_607 = tpu.vector_load %arg9[%swap3A_605, %swap3A_606] {strides = array<i32>} : memref<8x1024xf32, #tpu.memory_space<vmem>>, vector<1x16xf32>,
        %swap3A_608 = vector.shape_cast %swap3A_607 : vector<1x16xf32> to vector<16xf32>
        %swap3A_609 = vector.shape_cast %get3A_604 : vector<16xf32> to vector<1x16xf32>
        tpu.vector_store %arg9[%swap3A_605, %swap3A_606], %swap3A_609 {add = true, strides = array<i32>} : memref<8x1024xf32, #tpu.memory_space<vmem>>, vector<1x16xf32>,
        %mul3A_610 = arith.constant 128 : i32
        %mul3A_611 = arith.muli %select_n3A_567, %mul3A_610 : i32
        %add3A_612 = arith.constant 32 : i32
        %add3A_613 = arith.addi %mul3A_611, %add3A_612 : i32
        %get3A_614 = arith.index_cast %select_n3A_583 : i32 to index
        %get3A_615 = arith.index_cast %add3A_613 : i32 to index
        %get3A_616 = tpu.vector_load %arg14[%get3A_614, %get3A_615] {strides = array<i32>} : memref<8x1024xf32, #tpu.memory_space<vmem>>, vector<1x16xf32>,
        %get3A_617 = vector.shape_cast %get3A_616 : vector<1x16xf32> to vector<16xf32>
        %swap3A_618 = arith.index_cast %select_n3A_583 : i32 to index
        %swap3A_619 = arith.index_cast %add3A_613 : i32 to index
        %swap3A_620 = tpu.vector_load %arg9[%swap3A_618, %swap3A_619] {strides = array<i32>} : memref<8x1024xf32, #tpu.memory_space<vmem>>, vector<1x16xf32>,
        %swap3A_621 = vector.shape_cast %swap3A_620 : vector<1x16xf32> to vector<16xf32>
        %swap3A_622 = vector.shape_cast %get3A_617 : vector<16xf32> to vector<1x16xf32>
        tpu.vector_store %arg9[%swap3A_618, %swap3A_619], %swap3A_622 {add = true, strides = array<i32>} : memref<8x1024xf32, #tpu.memory_space<vmem>>, vector<1x16xf32>,
        %mul3A_623 = arith.constant 128 : i32
        %mul3A_624 = arith.muli %select_n3A_567, %mul3A_623 : i32
        %add3A_625 = arith.constant 48 : i32
        %add3A_626 = arith.addi %mul3A_624, %add3A_625 : i32
        %get3A_627 = arith.index_cast %select_n3A_583 : i32 to index
        %get3A_628 = arith.index_cast %add3A_626 : i32 to index
        %get3A_629 = tpu.vector_load %arg14[%get3A_627, %get3A_628] {strides = array<i32>} : memref<8x1024xf32, #tpu.memory_space<vmem>>, vector<1x16xf32>,
        %get3A_630 = vector.shape_cast %get3A_629 : vector<1x16xf32> to vector<16xf32>
        %swap3A_631 = arith.index_cast %select_n3A_583 : i32 to index
        %swap3A_632 = arith.index_cast %add3A_626 : i32 to index
        %swap3A_633 = tpu.vector_load %arg9[%swap3A_631, %swap3A_632] {strides = array<i32>} : memref<8x1024xf32, #tpu.memory_space<vmem>>, vector<1x16xf32>,
        %swap3A_634 = vector.shape_cast %swap3A_633 : vector<1x16xf32> to vector<16xf32>
        %swap3A_635 = vector.shape_cast %get3A_630 : vector<16xf32> to vector<1x16xf32>
        tpu.vector_store %arg9[%swap3A_631, %swap3A_632], %swap3A_635 {add = true, strides = array<i32>} : memref<8x1024xf32, #tpu.memory_space<vmem>>, vector<1x16xf32>,
        %mul3A_636 = arith.constant 128 : i32
        %mul3A_637 = arith.muli %select_n3A_567, %mul3A_636 : i32
        %add3A_638 = arith.constant 64 : i32
        %add3A_639 = arith.addi %mul3A_637, %add3A_638 : i32
        %get3A_640 = arith.index_cast %select_n3A_583 : i32 to index
        %get3A_641 = arith.index_cast %add3A_639 : i32 to index
        %get3A_642 = tpu.vector_load %arg14[%get3A_640, %get3A_641] {strides = array<i32>} : memref<8x1024xf32, #tpu.memory_space<vmem>>, vector<1x16xf32>,
        %get3A_643 = vector.shape_cast %get3A_642 : vector<1x16xf32> to vector<16xf32>
        %swap3A_644 = arith.index_cast %select_n3A_583 : i32 to index
        %swap3A_645 = arith.index_cast %add3A_639 : i32 to index
        %swap3A_646 = tpu.vector_load %arg9[%swap3A_644, %swap3A_645] {strides = array<i32>} : memref<8x1024xf32, #tpu.memory_space<vmem>>, vector<1x16xf32>,
        %swap3A_647 = vector.shape_cast %swap3A_646 : vector<1x16xf32> to vector<16xf32>
        %swap3A_648 = vector.shape_cast %get3A_643 : vector<16xf32> to vector<1x16xf32>
        tpu.vector_store %arg9[%swap3A_644, %swap3A_645], %swap3A_648 {add = true, strides = array<i32>} : memref<8x1024xf32, #tpu.memory_space<vmem>>, vector<1x16xf32>,
        %mul3A_649 = arith.constant 128 : i32
        %mul3A_650 = arith.muli %select_n3A_567, %mul3A_649 : i32
        %add3A_651 = arith.constant 80 : i32
        %add3A_652 = arith.addi %mul3A_650, %add3A_651 : i32
        %get3A_653 = arith.index_cast %select_n3A_583 : i32 to index
        %get3A_654 = arith.index_cast %add3A_652 : i32 to index
        %get3A_655 = tpu.vector_load %arg14[%get3A_653, %get3A_654] {strides = array<i32>} : memref<8x1024xf32, #tpu.memory_space<vmem>>, vector<1x16xf32>,
        %get3A_656 = vector.shape_cast %get3A_655 : vector<1x16xf32> to vector<16xf32>
        %swap3A_657 = arith.index_cast %select_n3A_583 : i32 to index
        %swap3A_658 = arith.index_cast %add3A_652 : i32 to index
        %swap3A_659 = tpu.vector_load %arg9[%swap3A_657, %swap3A_658] {strides = array<i32>} : memref<8x1024xf32, #tpu.memory_space<vmem>>, vector<1x16xf32>,
        %swap3A_660 = vector.shape_cast %swap3A_659 : vector<1x16xf32> to vector<16xf32>
        %swap3A_661 = vector.shape_cast %get3A_656 : vector<16xf32> to vector<1x16xf32>
        tpu.vector_store %arg9[%swap3A_657, %swap3A_658], %swap3A_661 {add = true, strides = array<i32>} : memref<8x1024xf32, #tpu.memory_space<vmem>>, vector<1x16xf32>,
        %mul3A_662 = arith.constant 128 : i32
        %mul3A_663 = arith.muli %select_n3A_567, %mul3A_662 : i32
        %add3A_664 = arith.constant 96 : i32
        %add3A_665 = arith.addi %mul3A_663, %add3A_664 : i32
        %get3A_666 = arith.index_cast %select_n3A_583 : i32 to index
        %get3A_667 = arith.index_cast %add3A_665 : i32 to index
        %get3A_668 = tpu.vector_load %arg14[%get3A_666, %get3A_667] {strides = array<i32>} : memref<8x1024xf32, #tpu.memory_space<vmem>>, vector<1x16xf32>,
        %get3A_669 = vector.shape_cast %get3A_668 : vector<1x16xf32> to vector<16xf32>
        %swap3A_670 = arith.index_cast %select_n3A_583 : i32 to index
        %swap3A_671 = arith.index_cast %add3A_665 : i32 to index
        %swap3A_672 = tpu.vector_load %arg9[%swap3A_670, %swap3A_671] {strides = array<i32>} : memref<8x1024xf32, #tpu.memory_space<vmem>>, vector<1x16xf32>,
        %swap3A_673 = vector.shape_cast %swap3A_672 : vector<1x16xf32> to vector<16xf32>
        %swap3A_674 = vector.shape_cast %get3A_669 : vector<16xf32> to vector<1x16xf32>
        tpu.vector_store %arg9[%swap3A_670, %swap3A_671], %swap3A_674 {add = true, strides = array<i32>} : memref<8x1024xf32, #tpu.memory_space<vmem>>, vector<1x16xf32>,
        %mul3A_675 = arith.constant 128 : i32
        %mul3A_676 = arith.muli %select_n3A_567, %mul3A_675 : i32
        %add3A_677 = arith.constant 112 : i32
        %add3A_678 = arith.addi %mul3A_676, %add3A_677 : i32
        %get3A_679 = arith.index_cast %select_n3A_583 : i32 to index
        %get3A_680 = arith.index_cast %add3A_678 : i32 to index
        %get3A_681 = tpu.vector_load %arg14[%get3A_679, %get3A_680] {strides = array<i32>} : memref<8x1024xf32, #tpu.memory_space<vmem>>, vector<1x16xf32>,
        %get3A_682 = vector.shape_cast %get3A_681 : vector<1x16xf32> to vector<16xf32>
        %swap3A_683 = arith.index_cast %select_n3A_583 : i32 to index
        %swap3A_684 = arith.index_cast %add3A_678 : i32 to index
        %swap3A_685 = tpu.vector_load %arg9[%swap3A_683, %swap3A_684] {strides = array<i32>} : memref<8x1024xf32, #tpu.memory_space<vmem>>, vector<1x16xf32>,
        %swap3A_686 = vector.shape_cast %swap3A_685 : vector<1x16xf32> to vector<16xf32>
        %swap3A_687 = vector.shape_cast %get3A_682 : vector<16xf32> to vector<1x16xf32>
        tpu.vector_store %arg9[%swap3A_683, %swap3A_684], %swap3A_687 {add = true, strides = array<i32>} : memref<8x1024xf32, #tpu.memory_space<vmem>>, vector<1x16xf32>,
      }
      %scan3A_291 = arith.constant 64 : i32
      %mul3A_292 = arith.constant 8 : i32
      %mul3A_293 = arith.muli %add3A_252, %mul3A_292 : i32
      %add3A_294 = arith.addi %mul3A_2, %mul3A_293 : i32
      %multiple_of3A_295 = tpu.assume_multiple %add3A_294, 8 : i32
      %dma_start3A_296 = arith.constant 0 : i32
      %dma_start3A_297 = arith.constant 0 : i32
      %dma_start3A_298 = tpu.memref_slice %arg4[%dma_start3A_296, %multiple_of3A_295, %dma_start3A_297] : memref<4x8192x1024xf32, #tpu.memory_space<hbm>> -> memref<1x8x1024xf32, #tpu.memory_space<hbm>>
      %dma_start3A_299 = tpu.memref_squeeze %dma_start3A_298 : memref<1x8x1024xf32, #tpu.memory_space<hbm>> -> memref<8x1024xf32, #tpu.memory_space<hbm>>
      %dma_start3A_300 = arith.constant 0 : i32
      %dma_start3A_301 = tpu.memref_slice %arg4[%dma_start3A_296, %multiple_of3A_295, %dma_start3A_300] : memref<4x8192x1024xf32, #tpu.memory_space<hbm>> -> memref<1x8x1024xf32, #tpu.memory_space<hbm>>
      %dma_start3A_302 = tpu.memref_squeeze %dma_start3A_301 : memref<1x8x1024xf32, #tpu.memory_space<hbm>> -> memref<8x1024xf32, #tpu.memory_space<hbm>>
      tpu.enqueue_dma source(%arg9 : memref<8x1024xf32, #tpu.memory_space<vmem>>) target(%dma_start3A_302 : memref<8x1024xf32, #tpu.memory_space<hbm>>) target_semaphore(%arg27 : memref<!tpu.dma_semaphore, #tpu.memory_space<semaphore_mem>>)
      %mul3A_303 = arith.constant 8 : i32
      %mul3A_304 = arith.muli %add3A_252, %mul3A_303 : i32
      %add3A_305 = arith.addi %mul3A_2, %mul3A_304 : i32
      %multiple_of3A_306 = tpu.assume_multiple %add3A_305, 8 : i32
      %dma_wait3A_307 = arith.constant 1 : i32
      %dma_wait3A_308 = arith.constant 0 : i32
      %dma_wait3A_309 = tpu.memref_slice %arg2[%dma_wait3A_307, %multiple_of3A_306, %dma_wait3A_308] : memref<4x8192x1024xf32, #tpu.memory_space<hbm>> -> memref<1x8x1024xf32, #tpu.memory_space<hbm>>
      %dma_wait3A_310 = tpu.memref_squeeze %dma_wait3A_309 : memref<1x8x1024xf32, #tpu.memory_space<hbm>> -> memref<8x1024xf32, #tpu.memory_space<hbm>>
      %dma_wait3A_311 = arith.constant 0 : i32
      %dma_wait3A_312 = tpu.memref_slice %arg2[%dma_wait3A_307, %multiple_of3A_306, %dma_wait3A_311] : memref<4x8192x1024xf32, #tpu.memory_space<hbm>> -> memref<1x8x1024xf32, #tpu.memory_space<hbm>>
      %dma_wait3A_313 = tpu.memref_squeeze %dma_wait3A_312 : memref<1x8x1024xf32, #tpu.memory_space<hbm>> -> memref<8x1024xf32, #tpu.memory_space<hbm>>
      tpu.wait_dma2 semaphore(%arg20 : memref<!tpu.dma_semaphore, #tpu.memory_space<semaphore_mem>>) src(%dma_wait3A_313 : memref<8x1024xf32, #tpu.memory_space<hbm>>) dst(%arg10 : memref<8x1024xf32, #tpu.memory_space<vmem>>)
      %add3A_314 = arith.constant 1 : i32
      %add3A_315 = arith.addi %add3A_252, %add3A_314 : i32
      %lt3A_316 = arith.constant 32 : i32
      %lt3A_317 = arith.cmpi slt, %add3A_315, %lt3A_316 : i32
      %convert_element_type3A_318 = arith.extui %lt3A_317 : i1 to i32
      %cond3A_319 = arith.constant 0 : i32
      %cond3A_320 = arith.cmpi ne, %convert_element_type3A_318, %cond3A_319 : i32
      scf.if %cond3A_320 {
        %ge3A = arith.constant 1 : i32
        %ge3A_408 = arith.cmpi sge, %add3A_252, %ge3A : i32
        %convert_element_type3A_409 = arith.extui %ge3A_408 : i1 to i32
        %cond3A_410 = arith.constant 0 : i32
        %cond3A_411 = arith.cmpi ne, %convert_element_type3A_409, %cond3A_410 : i32
        scf.if %cond3A_411 {
          %sub3A = arith.constant 1 : i32
          %sub3A_425 = arith.subi %add3A_252, %sub3A : i32
          %mul3A_426 = arith.constant 8 : i32
          %mul3A_427 = arith.muli %sub3A_425, %mul3A_426 : i32
          %add3A_428 = arith.addi %mul3A_2, %mul3A_427 : i32
          %multiple_of3A_429 = tpu.assume_multiple %add3A_428, 8 : i32
          %dma_wait3A_430 = arith.constant 1 : i32
          %dma_wait3A_431 = arith.constant 0 : i32
          %dma_wait3A_432 = tpu.memref_slice %arg4[%dma_wait3A_430, %multiple_of3A_429, %dma_wait3A_431] : memref<4x8192x1024xf32, #tpu.memory_space<hbm>> -> memref<1x8x1024xf32, #tpu.memory_space<hbm>>
          %dma_wait3A_433 = tpu.memref_squeeze %dma_wait3A_432 : memref<1x8x1024xf32, #tpu.memory_space<hbm>> -> memref<8x1024xf32, #tpu.memory_space<hbm>>
          %dma_wait3A_434 = arith.constant 0 : i32
          %dma_wait3A_435 = tpu.memref_slice %arg4[%dma_wait3A_430, %multiple_of3A_429, %dma_wait3A_434] : memref<4x8192x1024xf32, #tpu.memory_space<hbm>> -> memref<1x8x1024xf32, #tpu.memory_space<hbm>>
          %dma_wait3A_436 = tpu.memref_squeeze %dma_wait3A_435 : memref<1x8x1024xf32, #tpu.memory_space<hbm>> -> memref<8x1024xf32, #tpu.memory_space<hbm>>
          tpu.wait_dma2 semaphore(%arg24 : memref<!tpu.dma_semaphore, #tpu.memory_space<semaphore_mem>>) src(%arg6 : memref<8x1024xf32, #tpu.memory_space<vmem>>) dst(%dma_wait3A_436 : memref<8x1024xf32, #tpu.memory_space<hbm>>)
        } else {
        }
        %add3A_412 = arith.constant 1 : i32
        %add3A_413 = arith.addi %add3A_252, %add3A_412 : i32
        %mul3A_414 = arith.constant 8 : i32
        %mul3A_415 = arith.muli %add3A_413, %mul3A_414 : i32
        %add3A_416 = arith.addi %mul3A_2, %mul3A_415 : i32
        %multiple_of3A_417 = tpu.assume_multiple %add3A_416, 8 : i32
        %dma_start3A_418 = arith.constant 1 : i32
        %dma_start3A_419 = arith.constant 0 : i32
        %dma_start3A_420 = tpu.memref_slice %arg2[%dma_start3A_418, %multiple_of3A_417, %dma_start3A_419] : memref<4x8192x1024xf32, #tpu.memory_space<hbm>> -> memref<1x8x1024xf32, #tpu.memory_space<hbm>>
        %dma_start3A_421 = tpu.memref_squeeze %dma_start3A_420 : memref<1x8x1024xf32, #tpu.memory_space<hbm>> -> memref<8x1024xf32, #tpu.memory_space<hbm>>
        %dma_start3A_422 = arith.constant 0 : i32
        %dma_start3A_423 = tpu.memref_slice %arg2[%dma_start3A_418, %multiple_of3A_417, %dma_start3A_422] : memref<4x8192x1024xf32, #tpu.memory_space<hbm>> -> memref<1x8x1024xf32, #tpu.memory_space<hbm>>
        %dma_start3A_424 = tpu.memref_squeeze %dma_start3A_423 : memref<1x8x1024xf32, #tpu.memory_space<hbm>> -> memref<8x1024xf32, #tpu.memory_space<hbm>>
        tpu.enqueue_dma source(%dma_start3A_424 : memref<8x1024xf32, #tpu.memory_space<hbm>>) target(%arg6 : memref<8x1024xf32, #tpu.memory_space<vmem>>) target_semaphore(%arg16 : memref<!tpu.dma_semaphore, #tpu.memory_space<semaphore_mem>>)
      } else {
      }
      %scan3A_321 = arith.constant 0 : i32
      %scan3A_322 = arith.constant 0 : i32
      %scan3A_323 = arith.constant 64 : i32
      %scan3A_324 = arith.addi %scan3A_322, %scan3A_323 : i32
      %scan3A_325 = arith.constant 2 : i32
      scf.for %scan3A_408 = %scan3A_322 to %scan3A_324 step %scan3A_325  : i32 {
        %jit3A = arith.constant 8 : i32
        %div3A = arith.divsi %scan3A_408, %jit3A : i32
        %sign3A = arith.constant 0 : i32
        %sign3A_409 = arith.cmpi sgt, %scan3A_408, %sign3A : i32
        %sign3A_410 = arith.extui %sign3A_409 : i1 to i32
        %sign3A_411 = arith.constant 0 : i32
        %sign3A_412 = arith.cmpi slt, %scan3A_408, %sign3A_411 : i32
        %sign3A_413 = arith.extui %sign3A_412 : i1 to i32
        %sign3A_414 = arith.subi %sign3A_410, %sign3A_413 : i32
        %sign3A_415 = arith.constant 0 : i32
        %sign3A_416 = arith.cmpi sgt, %jit3A, %sign3A_415 : i32
        %sign3A_417 = arith.extui %sign3A_416 : i1 to i32
        %sign3A_418 = arith.constant 0 : i32
        %sign3A_419 = arith.cmpi slt, %jit3A, %sign3A_418 : i32
        %sign3A_420 = arith.extui %sign3A_419 : i1 to i32
        %sign3A_421 = arith.subi %sign3A_417, %sign3A_420 : i32
        %ne3A = arith.cmpi ne, %sign3A_414, %sign3A_421 : i32
        %rem3A = arith.remsi %scan3A_408, %jit3A : i32
        %ne3A_422 = arith.constant 0 : i32
        %ne3A_423 = arith.cmpi ne, %rem3A, %ne3A_422 : i32
        %and3A = arith.andi %ne3A, %ne3A_423 : i1
        %sub3A = arith.constant 1 : i32
        %sub3A_424 = arith.subi %div3A, %sub3A : i32
        %select_n3A = arith.select %and3A, %sub3A_424, %div3A : i32
        %jit3A_425 = arith.constant 8 : i32
        %eq3A = arith.constant 0 : i32
        %eq3A_426 = arith.cmpi eq, %jit3A_425, %eq3A : i32
        %jit3A_427 = arith.constant 1 : i32
        %select_n3A_428 = arith.select %eq3A_426, %jit3A_427, %jit3A_425 : i32
        %rem3A_429 = arith.remsi %scan3A_408, %select_n3A_428 : i32
        %ne3A_430 = arith.constant 0 : i32
        %ne3A_431 = arith.cmpi ne, %rem3A_429, %ne3A_430 : i32
        %lt3A_432 = arith.constant 0 : i32
        %lt3A_433 = arith.cmpi slt, %rem3A_429, %lt3A_432 : i32
        %lt3A_434 = arith.constant 0 : i32
        %lt3A_435 = arith.cmpi slt, %select_n3A_428, %lt3A_434 : i32
        %ne3A_436 = arith.xori %lt3A_433, %lt3A_435 : i1
        %and3A_437 = arith.andi %ne3A_436, %ne3A_431 : i1
        %add3A_438 = arith.addi %rem3A_429, %select_n3A_428 : i32
        %select_n3A_439 = arith.select %and3A_437, %add3A_438, %rem3A_429 : i32
        %mul3A_440 = arith.constant 128 : i32
        %mul3A_441 = arith.muli %select_n3A, %mul3A_440 : i32
        %add3A_442 = arith.constant 0 : i32
        %add3A_443 = arith.addi %mul3A_441, %add3A_442 : i32
        %get3A = arith.index_cast %select_n3A_439 : i32 to index
        %get3A_444 = arith.index_cast %add3A_443 : i32 to index
        %get3A_445 = tpu.vector_load %arg14[%get3A, %get3A_444] {strides = array<i32>} : memref<8x1024xf32, #tpu.memory_space<vmem>>, vector<1x16xf32>,
        %get3A_446 = vector.shape_cast %get3A_445 : vector<1x16xf32> to vector<16xf32>
        %swap3A = arith.index_cast %select_n3A_439 : i32 to index
        %swap3A_447 = arith.index_cast %add3A_443 : i32 to index
        %swap3A_448 = tpu.vector_load %arg10[%swap3A, %swap3A_447] {strides = array<i32>} : memref<8x1024xf32, #tpu.memory_space<vmem>>, vector<1x16xf32>,
        %swap3A_449 = vector.shape_cast %swap3A_448 : vector<1x16xf32> to vector<16xf32>
        %swap3A_450 = vector.shape_cast %get3A_446 : vector<16xf32> to vector<1x16xf32>
        tpu.vector_store %arg10[%swap3A, %swap3A_447], %swap3A_450 {add = true, strides = array<i32>} : memref<8x1024xf32, #tpu.memory_space<vmem>>, vector<1x16xf32>,
        %mul3A_451 = arith.constant 128 : i32
        %mul3A_452 = arith.muli %select_n3A, %mul3A_451 : i32
        %add3A_453 = arith.constant 16 : i32
        %add3A_454 = arith.addi %mul3A_452, %add3A_453 : i32
        %get3A_455 = arith.index_cast %select_n3A_439 : i32 to index
        %get3A_456 = arith.index_cast %add3A_454 : i32 to index
        %get3A_457 = tpu.vector_load %arg14[%get3A_455, %get3A_456] {strides = array<i32>} : memref<8x1024xf32, #tpu.memory_space<vmem>>, vector<1x16xf32>,
        %get3A_458 = vector.shape_cast %get3A_457 : vector<1x16xf32> to vector<16xf32>
        %swap3A_459 = arith.index_cast %select_n3A_439 : i32 to index
        %swap3A_460 = arith.index_cast %add3A_454 : i32 to index
        %swap3A_461 = tpu.vector_load %arg10[%swap3A_459, %swap3A_460] {strides = array<i32>} : memref<8x1024xf32, #tpu.memory_space<vmem>>, vector<1x16xf32>,
        %swap3A_462 = vector.shape_cast %swap3A_461 : vector<1x16xf32> to vector<16xf32>
        %swap3A_463 = vector.shape_cast %get3A_458 : vector<16xf32> to vector<1x16xf32>
        tpu.vector_store %arg10[%swap3A_459, %swap3A_460], %swap3A_463 {add = true, strides = array<i32>} : memref<8x1024xf32, #tpu.memory_space<vmem>>, vector<1x16xf32>,
        %mul3A_464 = arith.constant 128 : i32
        %mul3A_465 = arith.muli %select_n3A, %mul3A_464 : i32
        %add3A_466 = arith.constant 32 : i32
        %add3A_467 = arith.addi %mul3A_465, %add3A_466 : i32
        %get3A_468 = arith.index_cast %select_n3A_439 : i32 to index
        %get3A_469 = arith.index_cast %add3A_467 : i32 to index
        %get3A_470 = tpu.vector_load %arg14[%get3A_468, %get3A_469] {strides = array<i32>} : memref<8x1024xf32, #tpu.memory_space<vmem>>, vector<1x16xf32>,
        %get3A_471 = vector.shape_cast %get3A_470 : vector<1x16xf32> to vector<16xf32>
        %swap3A_472 = arith.index_cast %select_n3A_439 : i32 to index
        %swap3A_473 = arith.index_cast %add3A_467 : i32 to index
        %swap3A_474 = tpu.vector_load %arg10[%swap3A_472, %swap3A_473] {strides = array<i32>} : memref<8x1024xf32, #tpu.memory_space<vmem>>, vector<1x16xf32>,
        %swap3A_475 = vector.shape_cast %swap3A_474 : vector<1x16xf32> to vector<16xf32>
        %swap3A_476 = vector.shape_cast %get3A_471 : vector<16xf32> to vector<1x16xf32>
        tpu.vector_store %arg10[%swap3A_472, %swap3A_473], %swap3A_476 {add = true, strides = array<i32>} : memref<8x1024xf32, #tpu.memory_space<vmem>>, vector<1x16xf32>,
        %mul3A_477 = arith.constant 128 : i32
        %mul3A_478 = arith.muli %select_n3A, %mul3A_477 : i32
        %add3A_479 = arith.constant 48 : i32
        %add3A_480 = arith.addi %mul3A_478, %add3A_479 : i32
        %get3A_481 = arith.index_cast %select_n3A_439 : i32 to index
        %get3A_482 = arith.index_cast %add3A_480 : i32 to index
        %get3A_483 = tpu.vector_load %arg14[%get3A_481, %get3A_482] {strides = array<i32>} : memref<8x1024xf32, #tpu.memory_space<vmem>>, vector<1x16xf32>,
        %get3A_484 = vector.shape_cast %get3A_483 : vector<1x16xf32> to vector<16xf32>
        %swap3A_485 = arith.index_cast %select_n3A_439 : i32 to index
        %swap3A_486 = arith.index_cast %add3A_480 : i32 to index
        %swap3A_487 = tpu.vector_load %arg10[%swap3A_485, %swap3A_486] {strides = array<i32>} : memref<8x1024xf32, #tpu.memory_space<vmem>>, vector<1x16xf32>,
        %swap3A_488 = vector.shape_cast %swap3A_487 : vector<1x16xf32> to vector<16xf32>
        %swap3A_489 = vector.shape_cast %get3A_484 : vector<16xf32> to vector<1x16xf32>
        tpu.vector_store %arg10[%swap3A_485, %swap3A_486], %swap3A_489 {add = true, strides = array<i32>} : memref<8x1024xf32, #tpu.memory_space<vmem>>, vector<1x16xf32>,
        %mul3A_490 = arith.constant 128 : i32
        %mul3A_491 = arith.muli %select_n3A, %mul3A_490 : i32
        %add3A_492 = arith.constant 64 : i32
        %add3A_493 = arith.addi %mul3A_491, %add3A_492 : i32
        %get3A_494 = arith.index_cast %select_n3A_439 : i32 to index
        %get3A_495 = arith.index_cast %add3A_493 : i32 to index
        %get3A_496 = tpu.vector_load %arg14[%get3A_494, %get3A_495] {strides = array<i32>} : memref<8x1024xf32, #tpu.memory_space<vmem>>, vector<1x16xf32>,
        %get3A_497 = vector.shape_cast %get3A_496 : vector<1x16xf32> to vector<16xf32>
        %swap3A_498 = arith.index_cast %select_n3A_439 : i32 to index
        %swap3A_499 = arith.index_cast %add3A_493 : i32 to index
        %swap3A_500 = tpu.vector_load %arg10[%swap3A_498, %swap3A_499] {strides = array<i32>} : memref<8x1024xf32, #tpu.memory_space<vmem>>, vector<1x16xf32>,
        %swap3A_501 = vector.shape_cast %swap3A_500 : vector<1x16xf32> to vector<16xf32>
        %swap3A_502 = vector.shape_cast %get3A_497 : vector<16xf32> to vector<1x16xf32>
        tpu.vector_store %arg10[%swap3A_498, %swap3A_499], %swap3A_502 {add = true, strides = array<i32>} : memref<8x1024xf32, #tpu.memory_space<vmem>>, vector<1x16xf32>,
        %mul3A_503 = arith.constant 128 : i32
        %mul3A_504 = arith.muli %select_n3A, %mul3A_503 : i32
        %add3A_505 = arith.constant 80 : i32
        %add3A_506 = arith.addi %mul3A_504, %add3A_505 : i32
        %get3A_507 = arith.index_cast %select_n3A_439 : i32 to index
        %get3A_508 = arith.index_cast %add3A_506 : i32 to index
        %get3A_509 = tpu.vector_load %arg14[%get3A_507, %get3A_508] {strides = array<i32>} : memref<8x1024xf32, #tpu.memory_space<vmem>>, vector<1x16xf32>,
        %get3A_510 = vector.shape_cast %get3A_509 : vector<1x16xf32> to vector<16xf32>
        %swap3A_511 = arith.index_cast %select_n3A_439 : i32 to index
        %swap3A_512 = arith.index_cast %add3A_506 : i32 to index
        %swap3A_513 = tpu.vector_load %arg10[%swap3A_511, %swap3A_512] {strides = array<i32>} : memref<8x1024xf32, #tpu.memory_space<vmem>>, vector<1x16xf32>,
        %swap3A_514 = vector.shape_cast %swap3A_513 : vector<1x16xf32> to vector<16xf32>
        %swap3A_515 = vector.shape_cast %get3A_510 : vector<16xf32> to vector<1x16xf32>
        tpu.vector_store %arg10[%swap3A_511, %swap3A_512], %swap3A_515 {add = true, strides = array<i32>} : memref<8x1024xf32, #tpu.memory_space<vmem>>, vector<1x16xf32>,
        %mul3A_516 = arith.constant 128 : i32
        %mul3A_517 = arith.muli %select_n3A, %mul3A_516 : i32
        %add3A_518 = arith.constant 96 : i32
        %add3A_519 = arith.addi %mul3A_517, %add3A_518 : i32
        %get3A_520 = arith.index_cast %select_n3A_439 : i32 to index
        %get3A_521 = arith.index_cast %add3A_519 : i32 to index
        %get3A_522 = tpu.vector_load %arg14[%get3A_520, %get3A_521] {strides = array<i32>} : memref<8x1024xf32, #tpu.memory_space<vmem>>, vector<1x16xf32>,
        %get3A_523 = vector.shape_cast %get3A_522 : vector<1x16xf32> to vector<16xf32>
        %swap3A_524 = arith.index_cast %select_n3A_439 : i32 to index
        %swap3A_525 = arith.index_cast %add3A_519 : i32 to index
        %swap3A_526 = tpu.vector_load %arg10[%swap3A_524, %swap3A_525] {strides = array<i32>} : memref<8x1024xf32, #tpu.memory_space<vmem>>, vector<1x16xf32>,
        %swap3A_527 = vector.shape_cast %swap3A_526 : vector<1x16xf32> to vector<16xf32>
        %swap3A_528 = vector.shape_cast %get3A_523 : vector<16xf32> to vector<1x16xf32>
        tpu.vector_store %arg10[%swap3A_524, %swap3A_525], %swap3A_528 {add = true, strides = array<i32>} : memref<8x1024xf32, #tpu.memory_space<vmem>>, vector<1x16xf32>,
        %mul3A_529 = arith.constant 128 : i32
        %mul3A_530 = arith.muli %select_n3A, %mul3A_529 : i32
        %add3A_531 = arith.constant 112 : i32
        %add3A_532 = arith.addi %mul3A_530, %add3A_531 : i32
        %get3A_533 = arith.index_cast %select_n3A_439 : i32 to index
        %get3A_534 = arith.index_cast %add3A_532 : i32 to index
        %get3A_535 = tpu.vector_load %arg14[%get3A_533, %get3A_534] {strides = array<i32>} : memref<8x1024xf32, #tpu.memory_space<vmem>>, vector<1x16xf32>,
        %get3A_536 = vector.shape_cast %get3A_535 : vector<1x16xf32> to vector<16xf32>
        %swap3A_537 = arith.index_cast %select_n3A_439 : i32 to index
        %swap3A_538 = arith.index_cast %add3A_532 : i32 to index
        %swap3A_539 = tpu.vector_load %arg10[%swap3A_537, %swap3A_538] {strides = array<i32>} : memref<8x1024xf32, #tpu.memory_space<vmem>>, vector<1x16xf32>,
        %swap3A_540 = vector.shape_cast %swap3A_539 : vector<1x16xf32> to vector<16xf32>
        %swap3A_541 = vector.shape_cast %get3A_536 : vector<16xf32> to vector<1x16xf32>
        tpu.vector_store %arg10[%swap3A_537, %swap3A_538], %swap3A_541 {add = true, strides = array<i32>} : memref<8x1024xf32, #tpu.memory_space<vmem>>, vector<1x16xf32>,
        %scan3A_542 = arith.constant 1 : i32
        %scan3A_543 = arith.addi %scan3A_408, %scan3A_542 : i32
        %jit3A_544 = arith.constant 8 : i32
        %div3A_545 = arith.divsi %scan3A_543, %jit3A_544 : i32
        %sign3A_546 = arith.constant 0 : i32
        %sign3A_547 = arith.cmpi sgt, %scan3A_543, %sign3A_546 : i32
        %sign3A_548 = arith.extui %sign3A_547 : i1 to i32
        %sign3A_549 = arith.constant 0 : i32
        %sign3A_550 = arith.cmpi slt, %scan3A_543, %sign3A_549 : i32
        %sign3A_551 = arith.extui %sign3A_550 : i1 to i32
        %sign3A_552 = arith.subi %sign3A_548, %sign3A_551 : i32
        %sign3A_553 = arith.constant 0 : i32
        %sign3A_554 = arith.cmpi sgt, %jit3A_544, %sign3A_553 : i32
        %sign3A_555 = arith.extui %sign3A_554 : i1 to i32
        %sign3A_556 = arith.constant 0 : i32
        %sign3A_557 = arith.cmpi slt, %jit3A_544, %sign3A_556 : i32
        %sign3A_558 = arith.extui %sign3A_557 : i1 to i32
        %sign3A_559 = arith.subi %sign3A_555, %sign3A_558 : i32
        %ne3A_560 = arith.cmpi ne, %sign3A_552, %sign3A_559 : i32
        %rem3A_561 = arith.remsi %scan3A_543, %jit3A_544 : i32
        %ne3A_562 = arith.constant 0 : i32
        %ne3A_563 = arith.cmpi ne, %rem3A_561, %ne3A_562 : i32
        %and3A_564 = arith.andi %ne3A_560, %ne3A_563 : i1
        %sub3A_565 = arith.constant 1 : i32
        %sub3A_566 = arith.subi %div3A_545, %sub3A_565 : i32
        %select_n3A_567 = arith.select %and3A_564, %sub3A_566, %div3A_545 : i32
        %jit3A_568 = arith.constant 8 : i32
        %eq3A_569 = arith.constant 0 : i32
        %eq3A_570 = arith.cmpi eq, %jit3A_568, %eq3A_569 : i32
        %jit3A_571 = arith.constant 1 : i32
        %select_n3A_572 = arith.select %eq3A_570, %jit3A_571, %jit3A_568 : i32
        %rem3A_573 = arith.remsi %scan3A_543, %select_n3A_572 : i32
        %ne3A_574 = arith.constant 0 : i32
        %ne3A_575 = arith.cmpi ne, %rem3A_573, %ne3A_574 : i32
        %lt3A_576 = arith.constant 0 : i32
        %lt3A_577 = arith.cmpi slt, %rem3A_573, %lt3A_576 : i32
        %lt3A_578 = arith.constant 0 : i32
        %lt3A_579 = arith.cmpi slt, %select_n3A_572, %lt3A_578 : i32
        %ne3A_580 = arith.xori %lt3A_577, %lt3A_579 : i1
        %and3A_581 = arith.andi %ne3A_580, %ne3A_575 : i1
        %add3A_582 = arith.addi %rem3A_573, %select_n3A_572 : i32
        %select_n3A_583 = arith.select %and3A_581, %add3A_582, %rem3A_573 : i32
        %mul3A_584 = arith.constant 128 : i32
        %mul3A_585 = arith.muli %select_n3A_567, %mul3A_584 : i32
        %add3A_586 = arith.constant 0 : i32
        %add3A_587 = arith.addi %mul3A_585, %add3A_586 : i32
        %get3A_588 = arith.index_cast %select_n3A_583 : i32 to index
        %get3A_589 = arith.index_cast %add3A_587 : i32 to index
        %get3A_590 = tpu.vector_load %arg14[%get3A_588, %get3A_589] {strides = array<i32>} : memref<8x1024xf32, #tpu.memory_space<vmem>>, vector<1x16xf32>,
        %get3A_591 = vector.shape_cast %get3A_590 : vector<1x16xf32> to vector<16xf32>
        %swap3A_592 = arith.index_cast %select_n3A_583 : i32 to index
        %swap3A_593 = arith.index_cast %add3A_587 : i32 to index
        %swap3A_594 = tpu.vector_load %arg10[%swap3A_592, %swap3A_593] {strides = array<i32>} : memref<8x1024xf32, #tpu.memory_space<vmem>>, vector<1x16xf32>,
        %swap3A_595 = vector.shape_cast %swap3A_594 : vector<1x16xf32> to vector<16xf32>
        %swap3A_596 = vector.shape_cast %get3A_591 : vector<16xf32> to vector<1x16xf32>
        tpu.vector_store %arg10[%swap3A_592, %swap3A_593], %swap3A_596 {add = true, strides = array<i32>} : memref<8x1024xf32, #tpu.memory_space<vmem>>, vector<1x16xf32>,
        %mul3A_597 = arith.constant 128 : i32
        %mul3A_598 = arith.muli %select_n3A_567, %mul3A_597 : i32
        %add3A_599 = arith.constant 16 : i32
        %add3A_600 = arith.addi %mul3A_598, %add3A_599 : i32
        %get3A_601 = arith.index_cast %select_n3A_583 : i32 to index
        %get3A_602 = arith.index_cast %add3A_600 : i32 to index
        %get3A_603 = tpu.vector_load %arg14[%get3A_601, %get3A_602] {strides = array<i32>} : memref<8x1024xf32, #tpu.memory_space<vmem>>, vector<1x16xf32>,
        %get3A_604 = vector.shape_cast %get3A_603 : vector<1x16xf32> to vector<16xf32>
        %swap3A_605 = arith.index_cast %select_n3A_583 : i32 to index
        %swap3A_606 = arith.index_cast %add3A_600 : i32 to index
        %swap3A_607 = tpu.vector_load %arg10[%swap3A_605, %swap3A_606] {strides = array<i32>} : memref<8x1024xf32, #tpu.memory_space<vmem>>, vector<1x16xf32>,
        %swap3A_608 = vector.shape_cast %swap3A_607 : vector<1x16xf32> to vector<16xf32>
        %swap3A_609 = vector.shape_cast %get3A_604 : vector<16xf32> to vector<1x16xf32>
        tpu.vector_store %arg10[%swap3A_605, %swap3A_606], %swap3A_609 {add = true, strides = array<i32>} : memref<8x1024xf32, #tpu.memory_space<vmem>>, vector<1x16xf32>,
        %mul3A_610 = arith.constant 128 : i32
        %mul3A_611 = arith.muli %select_n3A_567, %mul3A_610 : i32
        %add3A_612 = arith.constant 32 : i32
        %add3A_613 = arith.addi %mul3A_611, %add3A_612 : i32
        %get3A_614 = arith.index_cast %select_n3A_583 : i32 to index
        %get3A_615 = arith.index_cast %add3A_613 : i32 to index
        %get3A_616 = tpu.vector_load %arg14[%get3A_614, %get3A_615] {strides = array<i32>} : memref<8x1024xf32, #tpu.memory_space<vmem>>, vector<1x16xf32>,
        %get3A_617 = vector.shape_cast %get3A_616 : vector<1x16xf32> to vector<16xf32>
        %swap3A_618 = arith.index_cast %select_n3A_583 : i32 to index
        %swap3A_619 = arith.index_cast %add3A_613 : i32 to index
        %swap3A_620 = tpu.vector_load %arg10[%swap3A_618, %swap3A_619] {strides = array<i32>} : memref<8x1024xf32, #tpu.memory_space<vmem>>, vector<1x16xf32>,
        %swap3A_621 = vector.shape_cast %swap3A_620 : vector<1x16xf32> to vector<16xf32>
        %swap3A_622 = vector.shape_cast %get3A_617 : vector<16xf32> to vector<1x16xf32>
        tpu.vector_store %arg10[%swap3A_618, %swap3A_619], %swap3A_622 {add = true, strides = array<i32>} : memref<8x1024xf32, #tpu.memory_space<vmem>>, vector<1x16xf32>,
        %mul3A_623 = arith.constant 128 : i32
        %mul3A_624 = arith.muli %select_n3A_567, %mul3A_623 : i32
        %add3A_625 = arith.constant 48 : i32
        %add3A_626 = arith.addi %mul3A_624, %add3A_625 : i32
        %get3A_627 = arith.index_cast %select_n3A_583 : i32 to index
        %get3A_628 = arith.index_cast %add3A_626 : i32 to index
        %get3A_629 = tpu.vector_load %arg14[%get3A_627, %get3A_628] {strides = array<i32>} : memref<8x1024xf32, #tpu.memory_space<vmem>>, vector<1x16xf32>,
        %get3A_630 = vector.shape_cast %get3A_629 : vector<1x16xf32> to vector<16xf32>
        %swap3A_631 = arith.index_cast %select_n3A_583 : i32 to index
        %swap3A_632 = arith.index_cast %add3A_626 : i32 to index
        %swap3A_633 = tpu.vector_load %arg10[%swap3A_631, %swap3A_632] {strides = array<i32>} : memref<8x1024xf32, #tpu.memory_space<vmem>>, vector<1x16xf32>,
        %swap3A_634 = vector.shape_cast %swap3A_633 : vector<1x16xf32> to vector<16xf32>
        %swap3A_635 = vector.shape_cast %get3A_630 : vector<16xf32> to vector<1x16xf32>
        tpu.vector_store %arg10[%swap3A_631, %swap3A_632], %swap3A_635 {add = true, strides = array<i32>} : memref<8x1024xf32, #tpu.memory_space<vmem>>, vector<1x16xf32>,
        %mul3A_636 = arith.constant 128 : i32
        %mul3A_637 = arith.muli %select_n3A_567, %mul3A_636 : i32
        %add3A_638 = arith.constant 64 : i32
        %add3A_639 = arith.addi %mul3A_637, %add3A_638 : i32
        %get3A_640 = arith.index_cast %select_n3A_583 : i32 to index
        %get3A_641 = arith.index_cast %add3A_639 : i32 to index
        %get3A_642 = tpu.vector_load %arg14[%get3A_640, %get3A_641] {strides = array<i32>} : memref<8x1024xf32, #tpu.memory_space<vmem>>, vector<1x16xf32>,
        %get3A_643 = vector.shape_cast %get3A_642 : vector<1x16xf32> to vector<16xf32>
        %swap3A_644 = arith.index_cast %select_n3A_583 : i32 to index
        %swap3A_645 = arith.index_cast %add3A_639 : i32 to index
        %swap3A_646 = tpu.vector_load %arg10[%swap3A_644, %swap3A_645] {strides = array<i32>} : memref<8x1024xf32, #tpu.memory_space<vmem>>, vector<1x16xf32>,
        %swap3A_647 = vector.shape_cast %swap3A_646 : vector<1x16xf32> to vector<16xf32>
        %swap3A_648 = vector.shape_cast %get3A_643 : vector<16xf32> to vector<1x16xf32>
        tpu.vector_store %arg10[%swap3A_644, %swap3A_645], %swap3A_648 {add = true, strides = array<i32>} : memref<8x1024xf32, #tpu.memory_space<vmem>>, vector<1x16xf32>,
        %mul3A_649 = arith.constant 128 : i32
        %mul3A_650 = arith.muli %select_n3A_567, %mul3A_649 : i32
        %add3A_651 = arith.constant 80 : i32
        %add3A_652 = arith.addi %mul3A_650, %add3A_651 : i32
        %get3A_653 = arith.index_cast %select_n3A_583 : i32 to index
        %get3A_654 = arith.index_cast %add3A_652 : i32 to index
        %get3A_655 = tpu.vector_load %arg14[%get3A_653, %get3A_654] {strides = array<i32>} : memref<8x1024xf32, #tpu.memory_space<vmem>>, vector<1x16xf32>,
        %get3A_656 = vector.shape_cast %get3A_655 : vector<1x16xf32> to vector<16xf32>
        %swap3A_657 = arith.index_cast %select_n3A_583 : i32 to index
        %swap3A_658 = arith.index_cast %add3A_652 : i32 to index
        %swap3A_659 = tpu.vector_load %arg10[%swap3A_657, %swap3A_658] {strides = array<i32>} : memref<8x1024xf32, #tpu.memory_space<vmem>>, vector<1x16xf32>,
        %swap3A_660 = vector.shape_cast %swap3A_659 : vector<1x16xf32> to vector<16xf32>
        %swap3A_661 = vector.shape_cast %get3A_656 : vector<16xf32> to vector<1x16xf32>
        tpu.vector_store %arg10[%swap3A_657, %swap3A_658], %swap3A_661 {add = true, strides = array<i32>} : memref<8x1024xf32, #tpu.memory_space<vmem>>, vector<1x16xf32>,
        %mul3A_662 = arith.constant 128 : i32
        %mul3A_663 = arith.muli %select_n3A_567, %mul3A_662 : i32
        %add3A_664 = arith.constant 96 : i32
        %add3A_665 = arith.addi %mul3A_663, %add3A_664 : i32
        %get3A_666 = arith.index_cast %select_n3A_583 : i32 to index
        %get3A_667 = arith.index_cast %add3A_665 : i32 to index
        %get3A_668 = tpu.vector_load %arg14[%get3A_666, %get3A_667] {strides = array<i32>} : memref<8x1024xf32, #tpu.memory_space<vmem>>, vector<1x16xf32>,
        %get3A_669 = vector.shape_cast %get3A_668 : vector<1x16xf32> to vector<16xf32>
        %swap3A_670 = arith.index_cast %select_n3A_583 : i32 to index
        %swap3A_671 = arith.index_cast %add3A_665 : i32 to index
        %swap3A_672 = tpu.vector_load %arg10[%swap3A_670, %swap3A_671] {strides = array<i32>} : memref<8x1024xf32, #tpu.memory_space<vmem>>, vector<1x16xf32>,
        %swap3A_673 = vector.shape_cast %swap3A_672 : vector<1x16xf32> to vector<16xf32>
        %swap3A_674 = vector.shape_cast %get3A_669 : vector<16xf32> to vector<1x16xf32>
        tpu.vector_store %arg10[%swap3A_670, %swap3A_671], %swap3A_674 {add = true, strides = array<i32>} : memref<8x1024xf32, #tpu.memory_space<vmem>>, vector<1x16xf32>,
        %mul3A_675 = arith.constant 128 : i32
        %mul3A_676 = arith.muli %select_n3A_567, %mul3A_675 : i32
        %add3A_677 = arith.constant 112 : i32
        %add3A_678 = arith.addi %mul3A_676, %add3A_677 : i32
        %get3A_679 = arith.index_cast %select_n3A_583 : i32 to index
        %get3A_680 = arith.index_cast %add3A_678 : i32 to index
        %get3A_681 = tpu.vector_load %arg14[%get3A_679, %get3A_680] {strides = array<i32>} : memref<8x1024xf32, #tpu.memory_space<vmem>>, vector<1x16xf32>,
        %get3A_682 = vector.shape_cast %get3A_681 : vector<1x16xf32> to vector<16xf32>
        %swap3A_683 = arith.index_cast %select_n3A_583 : i32 to index
        %swap3A_684 = arith.index_cast %add3A_678 : i32 to index
        %swap3A_685 = tpu.vector_load %arg10[%swap3A_683, %swap3A_684] {strides = array<i32>} : memref<8x1024xf32, #tpu.memory_space<vmem>>, vector<1x16xf32>,
        %swap3A_686 = vector.shape_cast %swap3A_685 : vector<1x16xf32> to vector<16xf32>
        %swap3A_687 = vector.shape_cast %get3A_682 : vector<16xf32> to vector<1x16xf32>
        tpu.vector_store %arg10[%swap3A_683, %swap3A_684], %swap3A_687 {add = true, strides = array<i32>} : memref<8x1024xf32, #tpu.memory_space<vmem>>, vector<1x16xf32>,
      }
      %scan3A_326 = arith.constant 64 : i32
      %mul3A_327 = arith.constant 8 : i32
      %mul3A_328 = arith.muli %add3A_252, %mul3A_327 : i32
      %add3A_329 = arith.addi %mul3A_2, %mul3A_328 : i32
      %multiple_of3A_330 = tpu.assume_multiple %add3A_329, 8 : i32
      %dma_start3A_331 = arith.constant 1 : i32
      %dma_start3A_332 = arith.constant 0 : i32
      %dma_start3A_333 = tpu.memref_slice %arg4[%dma_start3A_331, %multiple_of3A_330, %dma_start3A_332] : memref<4x8192x1024xf32, #tpu.memory_space<hbm>> -> memref<1x8x1024xf32, #tpu.memory_space<hbm>>
      %dma_start3A_334 = tpu.memref_squeeze %dma_start3A_333 : memref<1x8x1024xf32, #tpu.memory_space<hbm>> -> memref<8x1024xf32, #tpu.memory_space<hbm>>
      %dma_start3A_335 = arith.constant 0 : i32
      %dma_start3A_336 = tpu.memref_slice %arg4[%dma_start3A_331, %multiple_of3A_330, %dma_start3A_335] : memref<4x8192x1024xf32, #tpu.memory_space<hbm>> -> memref<1x8x1024xf32, #tpu.memory_space<hbm>>
      %dma_start3A_337 = tpu.memref_squeeze %dma_start3A_336 : memref<1x8x1024xf32, #tpu.memory_space<hbm>> -> memref<8x1024xf32, #tpu.memory_space<hbm>>
      tpu.enqueue_dma source(%arg10 : memref<8x1024xf32, #tpu.memory_space<vmem>>) target(%dma_start3A_337 : memref<8x1024xf32, #tpu.memory_space<hbm>>) target_semaphore(%arg28 : memref<!tpu.dma_semaphore, #tpu.memory_space<semaphore_mem>>)
      %mul3A_338 = arith.constant 8 : i32
      %mul3A_339 = arith.muli %add3A_252, %mul3A_338 : i32
      %add3A_340 = arith.addi %mul3A_2, %mul3A_339 : i32
      %multiple_of3A_341 = tpu.assume_multiple %add3A_340, 8 : i32
      %dma_wait3A_342 = arith.constant 2 : i32
      %dma_wait3A_343 = arith.constant 0 : i32
      %dma_wait3A_344 = tpu.memref_slice %arg2[%dma_wait3A_342, %multiple_of3A_341, %dma_wait3A_343] : memref<4x8192x1024xf32, #tpu.memory_space<hbm>> -> memref<1x8x1024xf32, #tpu.memory_space<hbm>>
      %dma_wait3A_345 = tpu.memref_squeeze %dma_wait3A_344 : memref<1x8x1024xf32, #tpu.memory_space<hbm>> -> memref<8x1024xf32, #tpu.memory_space<hbm>>
      %dma_wait3A_346 = arith.constant 0 : i32
      %dma_wait3A_347 = tpu.memref_slice %arg2[%dma_wait3A_342, %multiple_of3A_341, %dma_wait3A_346] : memref<4x8192x1024xf32, #tpu.memory_space<hbm>> -> memref<1x8x1024xf32, #tpu.memory_space<hbm>>
      %dma_wait3A_348 = tpu.memref_squeeze %dma_wait3A_347 : memref<1x8x1024xf32, #tpu.memory_space<hbm>> -> memref<8x1024xf32, #tpu.memory_space<hbm>>
      tpu.wait_dma2 semaphore(%arg21 : memref<!tpu.dma_semaphore, #tpu.memory_space<semaphore_mem>>) src(%dma_wait3A_348 : memref<8x1024xf32, #tpu.memory_space<hbm>>) dst(%arg11 : memref<8x1024xf32, #tpu.memory_space<vmem>>)
      %add3A_349 = arith.constant 1 : i32
      %add3A_350 = arith.addi %add3A_252, %add3A_349 : i32
      %lt3A_351 = arith.constant 32 : i32
      %lt3A_352 = arith.cmpi slt, %add3A_350, %lt3A_351 : i32
      %convert_element_type3A_353 = arith.extui %lt3A_352 : i1 to i32
      %cond3A_354 = arith.constant 0 : i32
      %cond3A_355 = arith.cmpi ne, %convert_element_type3A_353, %cond3A_354 : i32
      scf.if %cond3A_355 {
        %ge3A = arith.constant 1 : i32
        %ge3A_408 = arith.cmpi sge, %add3A_252, %ge3A : i32
        %convert_element_type3A_409 = arith.extui %ge3A_408 : i1 to i32
        %cond3A_410 = arith.constant 0 : i32
        %cond3A_411 = arith.cmpi ne, %convert_element_type3A_409, %cond3A_410 : i32
        scf.if %cond3A_411 {
          %sub3A = arith.constant 1 : i32
          %sub3A_425 = arith.subi %add3A_252, %sub3A : i32
          %mul3A_426 = arith.constant 8 : i32
          %mul3A_427 = arith.muli %sub3A_425, %mul3A_426 : i32
          %add3A_428 = arith.addi %mul3A_2, %mul3A_427 : i32
          %multiple_of3A_429 = tpu.assume_multiple %add3A_428, 8 : i32
          %dma_wait3A_430 = arith.constant 2 : i32
          %dma_wait3A_431 = arith.constant 0 : i32
          %dma_wait3A_432 = tpu.memref_slice %arg4[%dma_wait3A_430, %multiple_of3A_429, %dma_wait3A_431] : memref<4x8192x1024xf32, #tpu.memory_space<hbm>> -> memref<1x8x1024xf32, #tpu.memory_space<hbm>>
          %dma_wait3A_433 = tpu.memref_squeeze %dma_wait3A_432 : memref<1x8x1024xf32, #tpu.memory_space<hbm>> -> memref<8x1024xf32, #tpu.memory_space<hbm>>
          %dma_wait3A_434 = arith.constant 0 : i32
          %dma_wait3A_435 = tpu.memref_slice %arg4[%dma_wait3A_430, %multiple_of3A_429, %dma_wait3A_434] : memref<4x8192x1024xf32, #tpu.memory_space<hbm>> -> memref<1x8x1024xf32, #tpu.memory_space<hbm>>
          %dma_wait3A_436 = tpu.memref_squeeze %dma_wait3A_435 : memref<1x8x1024xf32, #tpu.memory_space<hbm>> -> memref<8x1024xf32, #tpu.memory_space<hbm>>
          tpu.wait_dma2 semaphore(%arg25 : memref<!tpu.dma_semaphore, #tpu.memory_space<semaphore_mem>>) src(%arg7 : memref<8x1024xf32, #tpu.memory_space<vmem>>) dst(%dma_wait3A_436 : memref<8x1024xf32, #tpu.memory_space<hbm>>)
        } else {
        }
        %add3A_412 = arith.constant 1 : i32
        %add3A_413 = arith.addi %add3A_252, %add3A_412 : i32
        %mul3A_414 = arith.constant 8 : i32
        %mul3A_415 = arith.muli %add3A_413, %mul3A_414 : i32
        %add3A_416 = arith.addi %mul3A_2, %mul3A_415 : i32
        %multiple_of3A_417 = tpu.assume_multiple %add3A_416, 8 : i32
        %dma_start3A_418 = arith.constant 2 : i32
        %dma_start3A_419 = arith.constant 0 : i32
        %dma_start3A_420 = tpu.memref_slice %arg2[%dma_start3A_418, %multiple_of3A_417, %dma_start3A_419] : memref<4x8192x1024xf32, #tpu.memory_space<hbm>> -> memref<1x8x1024xf32, #tpu.memory_space<hbm>>
        %dma_start3A_421 = tpu.memref_squeeze %dma_start3A_420 : memref<1x8x1024xf32, #tpu.memory_space<hbm>> -> memref<8x1024xf32, #tpu.memory_space<hbm>>
        %dma_start3A_422 = arith.constant 0 : i32
        %dma_start3A_423 = tpu.memref_slice %arg2[%dma_start3A_418, %multiple_of3A_417, %dma_start3A_422] : memref<4x8192x1024xf32, #tpu.memory_space<hbm>> -> memref<1x8x1024xf32, #tpu.memory_space<hbm>>
        %dma_start3A_424 = tpu.memref_squeeze %dma_start3A_423 : memref<1x8x1024xf32, #tpu.memory_space<hbm>> -> memref<8x1024xf32, #tpu.memory_space<hbm>>
        tpu.enqueue_dma source(%dma_start3A_424 : memref<8x1024xf32, #tpu.memory_space<hbm>>) target(%arg7 : memref<8x1024xf32, #tpu.memory_space<vmem>>) target_semaphore(%arg17 : memref<!tpu.dma_semaphore, #tpu.memory_space<semaphore_mem>>)
      } else {
      }
      %scan3A_356 = arith.constant 0 : i32
      %scan3A_357 = arith.constant 0 : i32
      %scan3A_358 = arith.constant 64 : i32
      %scan3A_359 = arith.addi %scan3A_357, %scan3A_358 : i32
      %scan3A_360 = arith.constant 2 : i32
      scf.for %scan3A_408 = %scan3A_357 to %scan3A_359 step %scan3A_360  : i32 {
        %jit3A = arith.constant 8 : i32
        %div3A = arith.divsi %scan3A_408, %jit3A : i32
        %sign3A = arith.constant 0 : i32
        %sign3A_409 = arith.cmpi sgt, %scan3A_408, %sign3A : i32
        %sign3A_410 = arith.extui %sign3A_409 : i1 to i32
        %sign3A_411 = arith.constant 0 : i32
        %sign3A_412 = arith.cmpi slt, %scan3A_408, %sign3A_411 : i32
        %sign3A_413 = arith.extui %sign3A_412 : i1 to i32
        %sign3A_414 = arith.subi %sign3A_410, %sign3A_413 : i32
        %sign3A_415 = arith.constant 0 : i32
        %sign3A_416 = arith.cmpi sgt, %jit3A, %sign3A_415 : i32
        %sign3A_417 = arith.extui %sign3A_416 : i1 to i32
        %sign3A_418 = arith.constant 0 : i32
        %sign3A_419 = arith.cmpi slt, %jit3A, %sign3A_418 : i32
        %sign3A_420 = arith.extui %sign3A_419 : i1 to i32
        %sign3A_421 = arith.subi %sign3A_417, %sign3A_420 : i32
        %ne3A = arith.cmpi ne, %sign3A_414, %sign3A_421 : i32
        %rem3A = arith.remsi %scan3A_408, %jit3A : i32
        %ne3A_422 = arith.constant 0 : i32
        %ne3A_423 = arith.cmpi ne, %rem3A, %ne3A_422 : i32
        %and3A = arith.andi %ne3A, %ne3A_423 : i1
        %sub3A = arith.constant 1 : i32
        %sub3A_424 = arith.subi %div3A, %sub3A : i32
        %select_n3A = arith.select %and3A, %sub3A_424, %div3A : i32
        %jit3A_425 = arith.constant 8 : i32
        %eq3A = arith.constant 0 : i32
        %eq3A_426 = arith.cmpi eq, %jit3A_425, %eq3A : i32
        %jit3A_427 = arith.constant 1 : i32
        %select_n3A_428 = arith.select %eq3A_426, %jit3A_427, %jit3A_425 : i32
        %rem3A_429 = arith.remsi %scan3A_408, %select_n3A_428 : i32
        %ne3A_430 = arith.constant 0 : i32
        %ne3A_431 = arith.cmpi ne, %rem3A_429, %ne3A_430 : i32
        %lt3A_432 = arith.constant 0 : i32
        %lt3A_433 = arith.cmpi slt, %rem3A_429, %lt3A_432 : i32
        %lt3A_434 = arith.constant 0 : i32
        %lt3A_435 = arith.cmpi slt, %select_n3A_428, %lt3A_434 : i32
        %ne3A_436 = arith.xori %lt3A_433, %lt3A_435 : i1
        %and3A_437 = arith.andi %ne3A_436, %ne3A_431 : i1
        %add3A_438 = arith.addi %rem3A_429, %select_n3A_428 : i32
        %select_n3A_439 = arith.select %and3A_437, %add3A_438, %rem3A_429 : i32
        %mul3A_440 = arith.constant 128 : i32
        %mul3A_441 = arith.muli %select_n3A, %mul3A_440 : i32
        %add3A_442 = arith.constant 0 : i32
        %add3A_443 = arith.addi %mul3A_441, %add3A_442 : i32
        %get3A = arith.index_cast %select_n3A_439 : i32 to index
        %get3A_444 = arith.index_cast %add3A_443 : i32 to index
        %get3A_445 = tpu.vector_load %arg14[%get3A, %get3A_444] {strides = array<i32>} : memref<8x1024xf32, #tpu.memory_space<vmem>>, vector<1x16xf32>,
        %get3A_446 = vector.shape_cast %get3A_445 : vector<1x16xf32> to vector<16xf32>
        %swap3A = arith.index_cast %select_n3A_439 : i32 to index
        %swap3A_447 = arith.index_cast %add3A_443 : i32 to index
        %swap3A_448 = tpu.vector_load %arg11[%swap3A, %swap3A_447] {strides = array<i32>} : memref<8x1024xf32, #tpu.memory_space<vmem>>, vector<1x16xf32>,
        %swap3A_449 = vector.shape_cast %swap3A_448 : vector<1x16xf32> to vector<16xf32>
        %swap3A_450 = vector.shape_cast %get3A_446 : vector<16xf32> to vector<1x16xf32>
        tpu.vector_store %arg11[%swap3A, %swap3A_447], %swap3A_450 {add = true, strides = array<i32>} : memref<8x1024xf32, #tpu.memory_space<vmem>>, vector<1x16xf32>,
        %mul3A_451 = arith.constant 128 : i32
        %mul3A_452 = arith.muli %select_n3A, %mul3A_451 : i32
        %add3A_453 = arith.constant 16 : i32
        %add3A_454 = arith.addi %mul3A_452, %add3A_453 : i32
        %get3A_455 = arith.index_cast %select_n3A_439 : i32 to index
        %get3A_456 = arith.index_cast %add3A_454 : i32 to index
        %get3A_457 = tpu.vector_load %arg14[%get3A_455, %get3A_456] {strides = array<i32>} : memref<8x1024xf32, #tpu.memory_space<vmem>>, vector<1x16xf32>,
        %get3A_458 = vector.shape_cast %get3A_457 : vector<1x16xf32> to vector<16xf32>
        %swap3A_459 = arith.index_cast %select_n3A_439 : i32 to index
        %swap3A_460 = arith.index_cast %add3A_454 : i32 to index
        %swap3A_461 = tpu.vector_load %arg11[%swap3A_459, %swap3A_460] {strides = array<i32>} : memref<8x1024xf32, #tpu.memory_space<vmem>>, vector<1x16xf32>,
        %swap3A_462 = vector.shape_cast %swap3A_461 : vector<1x16xf32> to vector<16xf32>
        %swap3A_463 = vector.shape_cast %get3A_458 : vector<16xf32> to vector<1x16xf32>
        tpu.vector_store %arg11[%swap3A_459, %swap3A_460], %swap3A_463 {add = true, strides = array<i32>} : memref<8x1024xf32, #tpu.memory_space<vmem>>, vector<1x16xf32>,
        %mul3A_464 = arith.constant 128 : i32
        %mul3A_465 = arith.muli %select_n3A, %mul3A_464 : i32
        %add3A_466 = arith.constant 32 : i32
        %add3A_467 = arith.addi %mul3A_465, %add3A_466 : i32
        %get3A_468 = arith.index_cast %select_n3A_439 : i32 to index
        %get3A_469 = arith.index_cast %add3A_467 : i32 to index
        %get3A_470 = tpu.vector_load %arg14[%get3A_468, %get3A_469] {strides = array<i32>} : memref<8x1024xf32, #tpu.memory_space<vmem>>, vector<1x16xf32>,
        %get3A_471 = vector.shape_cast %get3A_470 : vector<1x16xf32> to vector<16xf32>
        %swap3A_472 = arith.index_cast %select_n3A_439 : i32 to index
        %swap3A_473 = arith.index_cast %add3A_467 : i32 to index
        %swap3A_474 = tpu.vector_load %arg11[%swap3A_472, %swap3A_473] {strides = array<i32>} : memref<8x1024xf32, #tpu.memory_space<vmem>>, vector<1x16xf32>,
        %swap3A_475 = vector.shape_cast %swap3A_474 : vector<1x16xf32> to vector<16xf32>
        %swap3A_476 = vector.shape_cast %get3A_471 : vector<16xf32> to vector<1x16xf32>
        tpu.vector_store %arg11[%swap3A_472, %swap3A_473], %swap3A_476 {add = true, strides = array<i32>} : memref<8x1024xf32, #tpu.memory_space<vmem>>, vector<1x16xf32>,
        %mul3A_477 = arith.constant 128 : i32
        %mul3A_478 = arith.muli %select_n3A, %mul3A_477 : i32
        %add3A_479 = arith.constant 48 : i32
        %add3A_480 = arith.addi %mul3A_478, %add3A_479 : i32
        %get3A_481 = arith.index_cast %select_n3A_439 : i32 to index
        %get3A_482 = arith.index_cast %add3A_480 : i32 to index
        %get3A_483 = tpu.vector_load %arg14[%get3A_481, %get3A_482] {strides = array<i32>} : memref<8x1024xf32, #tpu.memory_space<vmem>>, vector<1x16xf32>,
        %get3A_484 = vector.shape_cast %get3A_483 : vector<1x16xf32> to vector<16xf32>
        %swap3A_485 = arith.index_cast %select_n3A_439 : i32 to index
        %swap3A_486 = arith.index_cast %add3A_480 : i32 to index
        %swap3A_487 = tpu.vector_load %arg11[%swap3A_485, %swap3A_486] {strides = array<i32>} : memref<8x1024xf32, #tpu.memory_space<vmem>>, vector<1x16xf32>,
        %swap3A_488 = vector.shape_cast %swap3A_487 : vector<1x16xf32> to vector<16xf32>
        %swap3A_489 = vector.shape_cast %get3A_484 : vector<16xf32> to vector<1x16xf32>
        tpu.vector_store %arg11[%swap3A_485, %swap3A_486], %swap3A_489 {add = true, strides = array<i32>} : memref<8x1024xf32, #tpu.memory_space<vmem>>, vector<1x16xf32>,
        %mul3A_490 = arith.constant 128 : i32
        %mul3A_491 = arith.muli %select_n3A, %mul3A_490 : i32
        %add3A_492 = arith.constant 64 : i32
        %add3A_493 = arith.addi %mul3A_491, %add3A_492 : i32
        %get3A_494 = arith.index_cast %select_n3A_439 : i32 to index
        %get3A_495 = arith.index_cast %add3A_493 : i32 to index
        %get3A_496 = tpu.vector_load %arg14[%get3A_494, %get3A_495] {strides = array<i32>} : memref<8x1024xf32, #tpu.memory_space<vmem>>, vector<1x16xf32>,
        %get3A_497 = vector.shape_cast %get3A_496 : vector<1x16xf32> to vector<16xf32>
        %swap3A_498 = arith.index_cast %select_n3A_439 : i32 to index
        %swap3A_499 = arith.index_cast %add3A_493 : i32 to index
        %swap3A_500 = tpu.vector_load %arg11[%swap3A_498, %swap3A_499] {strides = array<i32>} : memref<8x1024xf32, #tpu.memory_space<vmem>>, vector<1x16xf32>,
        %swap3A_501 = vector.shape_cast %swap3A_500 : vector<1x16xf32> to vector<16xf32>
        %swap3A_502 = vector.shape_cast %get3A_497 : vector<16xf32> to vector<1x16xf32>
        tpu.vector_store %arg11[%swap3A_498, %swap3A_499], %swap3A_502 {add = true, strides = array<i32>} : memref<8x1024xf32, #tpu.memory_space<vmem>>, vector<1x16xf32>,
        %mul3A_503 = arith.constant 128 : i32
        %mul3A_504 = arith.muli %select_n3A, %mul3A_503 : i32
        %add3A_505 = arith.constant 80 : i32
        %add3A_506 = arith.addi %mul3A_504, %add3A_505 : i32
        %get3A_507 = arith.index_cast %select_n3A_439 : i32 to index
        %get3A_508 = arith.index_cast %add3A_506 : i32 to index
        %get3A_509 = tpu.vector_load %arg14[%get3A_507, %get3A_508] {strides = array<i32>} : memref<8x1024xf32, #tpu.memory_space<vmem>>, vector<1x16xf32>,
        %get3A_510 = vector.shape_cast %get3A_509 : vector<1x16xf32> to vector<16xf32>
        %swap3A_511 = arith.index_cast %select_n3A_439 : i32 to index
        %swap3A_512 = arith.index_cast %add3A_506 : i32 to index
        %swap3A_513 = tpu.vector_load %arg11[%swap3A_511, %swap3A_512] {strides = array<i32>} : memref<8x1024xf32, #tpu.memory_space<vmem>>, vector<1x16xf32>,
        %swap3A_514 = vector.shape_cast %swap3A_513 : vector<1x16xf32> to vector<16xf32>
        %swap3A_515 = vector.shape_cast %get3A_510 : vector<16xf32> to vector<1x16xf32>
        tpu.vector_store %arg11[%swap3A_511, %swap3A_512], %swap3A_515 {add = true, strides = array<i32>} : memref<8x1024xf32, #tpu.memory_space<vmem>>, vector<1x16xf32>,
        %mul3A_516 = arith.constant 128 : i32
        %mul3A_517 = arith.muli %select_n3A, %mul3A_516 : i32
        %add3A_518 = arith.constant 96 : i32
        %add3A_519 = arith.addi %mul3A_517, %add3A_518 : i32
        %get3A_520 = arith.index_cast %select_n3A_439 : i32 to index
        %get3A_521 = arith.index_cast %add3A_519 : i32 to index
        %get3A_522 = tpu.vector_load %arg14[%get3A_520, %get3A_521] {strides = array<i32>} : memref<8x1024xf32, #tpu.memory_space<vmem>>, vector<1x16xf32>,
        %get3A_523 = vector.shape_cast %get3A_522 : vector<1x16xf32> to vector<16xf32>
        %swap3A_524 = arith.index_cast %select_n3A_439 : i32 to index
        %swap3A_525 = arith.index_cast %add3A_519 : i32 to index
        %swap3A_526 = tpu.vector_load %arg11[%swap3A_524, %swap3A_525] {strides = array<i32>} : memref<8x1024xf32, #tpu.memory_space<vmem>>, vector<1x16xf32>,
        %swap3A_527 = vector.shape_cast %swap3A_526 : vector<1x16xf32> to vector<16xf32>
        %swap3A_528 = vector.shape_cast %get3A_523 : vector<16xf32> to vector<1x16xf32>
        tpu.vector_store %arg11[%swap3A_524, %swap3A_525], %swap3A_528 {add = true, strides = array<i32>} : memref<8x1024xf32, #tpu.memory_space<vmem>>, vector<1x16xf32>,
        %mul3A_529 = arith.constant 128 : i32
        %mul3A_530 = arith.muli %select_n3A, %mul3A_529 : i32
        %add3A_531 = arith.constant 112 : i32
        %add3A_532 = arith.addi %mul3A_530, %add3A_531 : i32
        %get3A_533 = arith.index_cast %select_n3A_439 : i32 to index
        %get3A_534 = arith.index_cast %add3A_532 : i32 to index
        %get3A_535 = tpu.vector_load %arg14[%get3A_533, %get3A_534] {strides = array<i32>} : memref<8x1024xf32, #tpu.memory_space<vmem>>, vector<1x16xf32>,
        %get3A_536 = vector.shape_cast %get3A_535 : vector<1x16xf32> to vector<16xf32>
        %swap3A_537 = arith.index_cast %select_n3A_439 : i32 to index
        %swap3A_538 = arith.index_cast %add3A_532 : i32 to index
        %swap3A_539 = tpu.vector_load %arg11[%swap3A_537, %swap3A_538] {strides = array<i32>} : memref<8x1024xf32, #tpu.memory_space<vmem>>, vector<1x16xf32>,
        %swap3A_540 = vector.shape_cast %swap3A_539 : vector<1x16xf32> to vector<16xf32>
        %swap3A_541 = vector.shape_cast %get3A_536 : vector<16xf32> to vector<1x16xf32>
        tpu.vector_store %arg11[%swap3A_537, %swap3A_538], %swap3A_541 {add = true, strides = array<i32>} : memref<8x1024xf32, #tpu.memory_space<vmem>>, vector<1x16xf32>,
        %scan3A_542 = arith.constant 1 : i32
        %scan3A_543 = arith.addi %scan3A_408, %scan3A_542 : i32
        %jit3A_544 = arith.constant 8 : i32
        %div3A_545 = arith.divsi %scan3A_543, %jit3A_544 : i32
        %sign3A_546 = arith.constant 0 : i32
        %sign3A_547 = arith.cmpi sgt, %scan3A_543, %sign3A_546 : i32
        %sign3A_548 = arith.extui %sign3A_547 : i1 to i32
        %sign3A_549 = arith.constant 0 : i32
        %sign3A_550 = arith.cmpi slt, %scan3A_543, %sign3A_549 : i32
        %sign3A_551 = arith.extui %sign3A_550 : i1 to i32
        %sign3A_552 = arith.subi %sign3A_548, %sign3A_551 : i32
        %sign3A_553 = arith.constant 0 : i32
        %sign3A_554 = arith.cmpi sgt, %jit3A_544, %sign3A_553 : i32
        %sign3A_555 = arith.extui %sign3A_554 : i1 to i32
        %sign3A_556 = arith.constant 0 : i32
        %sign3A_557 = arith.cmpi slt, %jit3A_544, %sign3A_556 : i32
        %sign3A_558 = arith.extui %sign3A_557 : i1 to i32
        %sign3A_559 = arith.subi %sign3A_555, %sign3A_558 : i32
        %ne3A_560 = arith.cmpi ne, %sign3A_552, %sign3A_559 : i32
        %rem3A_561 = arith.remsi %scan3A_543, %jit3A_544 : i32
        %ne3A_562 = arith.constant 0 : i32
        %ne3A_563 = arith.cmpi ne, %rem3A_561, %ne3A_562 : i32
        %and3A_564 = arith.andi %ne3A_560, %ne3A_563 : i1
        %sub3A_565 = arith.constant 1 : i32
        %sub3A_566 = arith.subi %div3A_545, %sub3A_565 : i32
        %select_n3A_567 = arith.select %and3A_564, %sub3A_566, %div3A_545 : i32
        %jit3A_568 = arith.constant 8 : i32
        %eq3A_569 = arith.constant 0 : i32
        %eq3A_570 = arith.cmpi eq, %jit3A_568, %eq3A_569 : i32
        %jit3A_571 = arith.constant 1 : i32
        %select_n3A_572 = arith.select %eq3A_570, %jit3A_571, %jit3A_568 : i32
        %rem3A_573 = arith.remsi %scan3A_543, %select_n3A_572 : i32
        %ne3A_574 = arith.constant 0 : i32
        %ne3A_575 = arith.cmpi ne, %rem3A_573, %ne3A_574 : i32
        %lt3A_576 = arith.constant 0 : i32
        %lt3A_577 = arith.cmpi slt, %rem3A_573, %lt3A_576 : i32
        %lt3A_578 = arith.constant 0 : i32
        %lt3A_579 = arith.cmpi slt, %select_n3A_572, %lt3A_578 : i32
        %ne3A_580 = arith.xori %lt3A_577, %lt3A_579 : i1
        %and3A_581 = arith.andi %ne3A_580, %ne3A_575 : i1
        %add3A_582 = arith.addi %rem3A_573, %select_n3A_572 : i32
        %select_n3A_583 = arith.select %and3A_581, %add3A_582, %rem3A_573 : i32
        %mul3A_584 = arith.constant 128 : i32
        %mul3A_585 = arith.muli %select_n3A_567, %mul3A_584 : i32
        %add3A_586 = arith.constant 0 : i32
        %add3A_587 = arith.addi %mul3A_585, %add3A_586 : i32
        %get3A_588 = arith.index_cast %select_n3A_583 : i32 to index
        %get3A_589 = arith.index_cast %add3A_587 : i32 to index
        %get3A_590 = tpu.vector_load %arg14[%get3A_588, %get3A_589] {strides = array<i32>} : memref<8x1024xf32, #tpu.memory_space<vmem>>, vector<1x16xf32>,
        %get3A_591 = vector.shape_cast %get3A_590 : vector<1x16xf32> to vector<16xf32>
        %swap3A_592 = arith.index_cast %select_n3A_583 : i32 to index
        %swap3A_593 = arith.index_cast %add3A_587 : i32 to index
        %swap3A_594 = tpu.vector_load %arg11[%swap3A_592, %swap3A_593] {strides = array<i32>} : memref<8x1024xf32, #tpu.memory_space<vmem>>, vector<1x16xf32>,
        %swap3A_595 = vector.shape_cast %swap3A_594 : vector<1x16xf32> to vector<16xf32>
        %swap3A_596 = vector.shape_cast %get3A_591 : vector<16xf32> to vector<1x16xf32>
        tpu.vector_store %arg11[%swap3A_592, %swap3A_593], %swap3A_596 {add = true, strides = array<i32>} : memref<8x1024xf32, #tpu.memory_space<vmem>>, vector<1x16xf32>,
        %mul3A_597 = arith.constant 128 : i32
        %mul3A_598 = arith.muli %select_n3A_567, %mul3A_597 : i32
        %add3A_599 = arith.constant 16 : i32
        %add3A_600 = arith.addi %mul3A_598, %add3A_599 : i32
        %get3A_601 = arith.index_cast %select_n3A_583 : i32 to index
        %get3A_602 = arith.index_cast %add3A_600 : i32 to index
        %get3A_603 = tpu.vector_load %arg14[%get3A_601, %get3A_602] {strides = array<i32>} : memref<8x1024xf32, #tpu.memory_space<vmem>>, vector<1x16xf32>,
        %get3A_604 = vector.shape_cast %get3A_603 : vector<1x16xf32> to vector<16xf32>
        %swap3A_605 = arith.index_cast %select_n3A_583 : i32 to index
        %swap3A_606 = arith.index_cast %add3A_600 : i32 to index
        %swap3A_607 = tpu.vector_load %arg11[%swap3A_605, %swap3A_606] {strides = array<i32>} : memref<8x1024xf32, #tpu.memory_space<vmem>>, vector<1x16xf32>,
        %swap3A_608 = vector.shape_cast %swap3A_607 : vector<1x16xf32> to vector<16xf32>
        %swap3A_609 = vector.shape_cast %get3A_604 : vector<16xf32> to vector<1x16xf32>
        tpu.vector_store %arg11[%swap3A_605, %swap3A_606], %swap3A_609 {add = true, strides = array<i32>} : memref<8x1024xf32, #tpu.memory_space<vmem>>, vector<1x16xf32>,
        %mul3A_610 = arith.constant 128 : i32
        %mul3A_611 = arith.muli %select_n3A_567, %mul3A_610 : i32
        %add3A_612 = arith.constant 32 : i32
        %add3A_613 = arith.addi %mul3A_611, %add3A_612 : i32
        %get3A_614 = arith.index_cast %select_n3A_583 : i32 to index
        %get3A_615 = arith.index_cast %add3A_613 : i32 to index
        %get3A_616 = tpu.vector_load %arg14[%get3A_614, %get3A_615] {strides = array<i32>} : memref<8x1024xf32, #tpu.memory_space<vmem>>, vector<1x16xf32>,
        %get3A_617 = vector.shape_cast %get3A_616 : vector<1x16xf32> to vector<16xf32>
        %swap3A_618 = arith.index_cast %select_n3A_583 : i32 to index
        %swap3A_619 = arith.index_cast %add3A_613 : i32 to index
        %swap3A_620 = tpu.vector_load %arg11[%swap3A_618, %swap3A_619] {strides = array<i32>} : memref<8x1024xf32, #tpu.memory_space<vmem>>, vector<1x16xf32>,
        %swap3A_621 = vector.shape_cast %swap3A_620 : vector<1x16xf32> to vector<16xf32>
        %swap3A_622 = vector.shape_cast %get3A_617 : vector<16xf32> to vector<1x16xf32>
        tpu.vector_store %arg11[%swap3A_618, %swap3A_619], %swap3A_622 {add = true, strides = array<i32>} : memref<8x1024xf32, #tpu.memory_space<vmem>>, vector<1x16xf32>,
        %mul3A_623 = arith.constant 128 : i32
        %mul3A_624 = arith.muli %select_n3A_567, %mul3A_623 : i32
        %add3A_625 = arith.constant 48 : i32
        %add3A_626 = arith.addi %mul3A_624, %add3A_625 : i32
        %get3A_627 = arith.index_cast %select_n3A_583 : i32 to index
        %get3A_628 = arith.index_cast %add3A_626 : i32 to index
        %get3A_629 = tpu.vector_load %arg14[%get3A_627, %get3A_628] {strides = array<i32>} : memref<8x1024xf32, #tpu.memory_space<vmem>>, vector<1x16xf32>,
        %get3A_630 = vector.shape_cast %get3A_629 : vector<1x16xf32> to vector<16xf32>
        %swap3A_631 = arith.index_cast %select_n3A_583 : i32 to index
        %swap3A_632 = arith.index_cast %add3A_626 : i32 to index
        %swap3A_633 = tpu.vector_load %arg11[%swap3A_631, %swap3A_632] {strides = array<i32>} : memref<8x1024xf32, #tpu.memory_space<vmem>>, vector<1x16xf32>,
        %swap3A_634 = vector.shape_cast %swap3A_633 : vector<1x16xf32> to vector<16xf32>
        %swap3A_635 = vector.shape_cast %get3A_630 : vector<16xf32> to vector<1x16xf32>
        tpu.vector_store %arg11[%swap3A_631, %swap3A_632], %swap3A_635 {add = true, strides = array<i32>} : memref<8x1024xf32, #tpu.memory_space<vmem>>, vector<1x16xf32>,
        %mul3A_636 = arith.constant 128 : i32
        %mul3A_637 = arith.muli %select_n3A_567, %mul3A_636 : i32
        %add3A_638 = arith.constant 64 : i32
        %add3A_639 = arith.addi %mul3A_637, %add3A_638 : i32
        %get3A_640 = arith.index_cast %select_n3A_583 : i32 to index
        %get3A_641 = arith.index_cast %add3A_639 : i32 to index
        %get3A_642 = tpu.vector_load %arg14[%get3A_640, %get3A_641] {strides = array<i32>} : memref<8x1024xf32, #tpu.memory_space<vmem>>, vector<1x16xf32>,
        %get3A_643 = vector.shape_cast %get3A_642 : vector<1x16xf32> to vector<16xf32>
        %swap3A_644 = arith.index_cast %select_n3A_583 : i32 to index
        %swap3A_645 = arith.index_cast %add3A_639 : i32 to index
        %swap3A_646 = tpu.vector_load %arg11[%swap3A_644, %swap3A_645] {strides = array<i32>} : memref<8x1024xf32, #tpu.memory_space<vmem>>, vector<1x16xf32>,
        %swap3A_647 = vector.shape_cast %swap3A_646 : vector<1x16xf32> to vector<16xf32>
        %swap3A_648 = vector.shape_cast %get3A_643 : vector<16xf32> to vector<1x16xf32>
        tpu.vector_store %arg11[%swap3A_644, %swap3A_645], %swap3A_648 {add = true, strides = array<i32>} : memref<8x1024xf32, #tpu.memory_space<vmem>>, vector<1x16xf32>,
        %mul3A_649 = arith.constant 128 : i32
        %mul3A_650 = arith.muli %select_n3A_567, %mul3A_649 : i32
        %add3A_651 = arith.constant 80 : i32
        %add3A_652 = arith.addi %mul3A_650, %add3A_651 : i32
        %get3A_653 = arith.index_cast %select_n3A_583 : i32 to index
        %get3A_654 = arith.index_cast %add3A_652 : i32 to index
        %get3A_655 = tpu.vector_load %arg14[%get3A_653, %get3A_654] {strides = array<i32>} : memref<8x1024xf32, #tpu.memory_space<vmem>>, vector<1x16xf32>,
        %get3A_656 = vector.shape_cast %get3A_655 : vector<1x16xf32> to vector<16xf32>
        %swap3A_657 = arith.index_cast %select_n3A_583 : i32 to index
        %swap3A_658 = arith.index_cast %add3A_652 : i32 to index
        %swap3A_659 = tpu.vector_load %arg11[%swap3A_657, %swap3A_658] {strides = array<i32>} : memref<8x1024xf32, #tpu.memory_space<vmem>>, vector<1x16xf32>,
        %swap3A_660 = vector.shape_cast %swap3A_659 : vector<1x16xf32> to vector<16xf32>
        %swap3A_661 = vector.shape_cast %get3A_656 : vector<16xf32> to vector<1x16xf32>
        tpu.vector_store %arg11[%swap3A_657, %swap3A_658], %swap3A_661 {add = true, strides = array<i32>} : memref<8x1024xf32, #tpu.memory_space<vmem>>, vector<1x16xf32>,
        %mul3A_662 = arith.constant 128 : i32
        %mul3A_663 = arith.muli %select_n3A_567, %mul3A_662 : i32
        %add3A_664 = arith.constant 96 : i32
        %add3A_665 = arith.addi %mul3A_663, %add3A_664 : i32
        %get3A_666 = arith.index_cast %select_n3A_583 : i32 to index
        %get3A_667 = arith.index_cast %add3A_665 : i32 to index
        %get3A_668 = tpu.vector_load %arg14[%get3A_666, %get3A_667] {strides = array<i32>} : memref<8x1024xf32, #tpu.memory_space<vmem>>, vector<1x16xf32>,
        %get3A_669 = vector.shape_cast %get3A_668 : vector<1x16xf32> to vector<16xf32>
        %swap3A_670 = arith.index_cast %select_n3A_583 : i32 to index
        %swap3A_671 = arith.index_cast %add3A_665 : i32 to index
        %swap3A_672 = tpu.vector_load %arg11[%swap3A_670, %swap3A_671] {strides = array<i32>} : memref<8x1024xf32, #tpu.memory_space<vmem>>, vector<1x16xf32>,
        %swap3A_673 = vector.shape_cast %swap3A_672 : vector<1x16xf32> to vector<16xf32>
        %swap3A_674 = vector.shape_cast %get3A_669 : vector<16xf32> to vector<1x16xf32>
        tpu.vector_store %arg11[%swap3A_670, %swap3A_671], %swap3A_674 {add = true, strides = array<i32>} : memref<8x1024xf32, #tpu.memory_space<vmem>>, vector<1x16xf32>,
        %mul3A_675 = arith.constant 128 : i32
        %mul3A_676 = arith.muli %select_n3A_567, %mul3A_675 : i32
        %add3A_677 = arith.constant 112 : i32
        %add3A_678 = arith.addi %mul3A_676, %add3A_677 : i32
        %get3A_679 = arith.index_cast %select_n3A_583 : i32 to index
        %get3A_680 = arith.index_cast %add3A_678 : i32 to index
        %get3A_681 = tpu.vector_load %arg14[%get3A_679, %get3A_680] {strides = array<i32>} : memref<8x1024xf32, #tpu.memory_space<vmem>>, vector<1x16xf32>,
        %get3A_682 = vector.shape_cast %get3A_681 : vector<1x16xf32> to vector<16xf32>
        %swap3A_683 = arith.index_cast %select_n3A_583 : i32 to index
        %swap3A_684 = arith.index_cast %add3A_678 : i32 to index
        %swap3A_685 = tpu.vector_load %arg11[%swap3A_683, %swap3A_684] {strides = array<i32>} : memref<8x1024xf32, #tpu.memory_space<vmem>>, vector<1x16xf32>,
        %swap3A_686 = vector.shape_cast %swap3A_685 : vector<1x16xf32> to vector<16xf32>
        %swap3A_687 = vector.shape_cast %get3A_682 : vector<16xf32> to vector<1x16xf32>
        tpu.vector_store %arg11[%swap3A_683, %swap3A_684], %swap3A_687 {add = true, strides = array<i32>} : memref<8x1024xf32, #tpu.memory_space<vmem>>, vector<1x16xf32>,
      }
      %scan3A_361 = arith.constant 64 : i32
      %mul3A_362 = arith.constant 8 : i32
      %mul3A_363 = arith.muli %add3A_252, %mul3A_362 : i32
      %add3A_364 = arith.addi %mul3A_2, %mul3A_363 : i32
      %multiple_of3A_365 = tpu.assume_multiple %add3A_364, 8 : i32
      %dma_start3A_366 = arith.constant 2 : i32
      %dma_start3A_367 = arith.constant 0 : i32
      %dma_start3A_368 = tpu.memref_slice %arg4[%dma_start3A_366, %multiple_of3A_365, %dma_start3A_367] : memref<4x8192x1024xf32, #tpu.memory_space<hbm>> -> memref<1x8x1024xf32, #tpu.memory_space<hbm>>
      %dma_start3A_369 = tpu.memref_squeeze %dma_start3A_368 : memref<1x8x1024xf32, #tpu.memory_space<hbm>> -> memref<8x1024xf32, #tpu.memory_space<hbm>>
      %dma_start3A_370 = arith.constant 0 : i32
      %dma_start3A_371 = tpu.memref_slice %arg4[%dma_start3A_366, %multiple_of3A_365, %dma_start3A_370] : memref<4x8192x1024xf32, #tpu.memory_space<hbm>> -> memref<1x8x1024xf32, #tpu.memory_space<hbm>>
      %dma_start3A_372 = tpu.memref_squeeze %dma_start3A_371 : memref<1x8x1024xf32, #tpu.memory_space<hbm>> -> memref<8x1024xf32, #tpu.memory_space<hbm>>
      tpu.enqueue_dma source(%arg11 : memref<8x1024xf32, #tpu.memory_space<vmem>>) target(%dma_start3A_372 : memref<8x1024xf32, #tpu.memory_space<hbm>>) target_semaphore(%arg29 : memref<!tpu.dma_semaphore, #tpu.memory_space<semaphore_mem>>)
      %mul3A_373 = arith.constant 8 : i32
      %mul3A_374 = arith.muli %add3A_252, %mul3A_373 : i32
      %add3A_375 = arith.addi %mul3A_2, %mul3A_374 : i32
      %multiple_of3A_376 = tpu.assume_multiple %add3A_375, 8 : i32
      %dma_wait3A_377 = arith.constant 3 : i32
      %dma_wait3A_378 = arith.constant 0 : i32
      %dma_wait3A_379 = tpu.memref_slice %arg2[%dma_wait3A_377, %multiple_of3A_376, %dma_wait3A_378] : memref<4x8192x1024xf32, #tpu.memory_space<hbm>> -> memref<1x8x1024xf32, #tpu.memory_space<hbm>>
      %dma_wait3A_380 = tpu.memref_squeeze %dma_wait3A_379 : memref<1x8x1024xf32, #tpu.memory_space<hbm>> -> memref<8x1024xf32, #tpu.memory_space<hbm>>
      %dma_wait3A_381 = arith.constant 0 : i32
      %dma_wait3A_382 = tpu.memref_slice %arg2[%dma_wait3A_377, %multiple_of3A_376, %dma_wait3A_381] : memref<4x8192x1024xf32, #tpu.memory_space<hbm>> -> memref<1x8x1024xf32, #tpu.memory_space<hbm>>
      %dma_wait3A_383 = tpu.memref_squeeze %dma_wait3A_382 : memref<1x8x1024xf32, #tpu.memory_space<hbm>> -> memref<8x1024xf32, #tpu.memory_space<hbm>>
      tpu.wait_dma2 semaphore(%arg22 : memref<!tpu.dma_semaphore, #tpu.memory_space<semaphore_mem>>) src(%dma_wait3A_383 : memref<8x1024xf32, #tpu.memory_space<hbm>>) dst(%arg12 : memref<8x1024xf32, #tpu.memory_space<vmem>>)
      %add3A_384 = arith.constant 1 : i32
      %add3A_385 = arith.addi %add3A_252, %add3A_384 : i32
      %lt3A_386 = arith.constant 32 : i32
      %lt3A_387 = arith.cmpi slt, %add3A_385, %lt3A_386 : i32
      %convert_element_type3A_388 = arith.extui %lt3A_387 : i1 to i32
      %cond3A_389 = arith.constant 0 : i32
      %cond3A_390 = arith.cmpi ne, %convert_element_type3A_388, %cond3A_389 : i32
      scf.if %cond3A_390 {
        %ge3A = arith.constant 1 : i32
        %ge3A_408 = arith.cmpi sge, %add3A_252, %ge3A : i32
        %convert_element_type3A_409 = arith.extui %ge3A_408 : i1 to i32
        %cond3A_410 = arith.constant 0 : i32
        %cond3A_411 = arith.cmpi ne, %convert_element_type3A_409, %cond3A_410 : i32
        scf.if %cond3A_411 {
          %sub3A = arith.constant 1 : i32
          %sub3A_425 = arith.subi %add3A_252, %sub3A : i32
          %mul3A_426 = arith.constant 8 : i32
          %mul3A_427 = arith.muli %sub3A_425, %mul3A_426 : i32
          %add3A_428 = arith.addi %mul3A_2, %mul3A_427 : i32
          %multiple_of3A_429 = tpu.assume_multiple %add3A_428, 8 : i32
          %dma_wait3A_430 = arith.constant 3 : i32
          %dma_wait3A_431 = arith.constant 0 : i32
          %dma_wait3A_432 = tpu.memref_slice %arg4[%dma_wait3A_430, %multiple_of3A_429, %dma_wait3A_431] : memref<4x8192x1024xf32, #tpu.memory_space<hbm>> -> memref<1x8x1024xf32, #tpu.memory_space<hbm>>
          %dma_wait3A_433 = tpu.memref_squeeze %dma_wait3A_432 : memref<1x8x1024xf32, #tpu.memory_space<hbm>> -> memref<8x1024xf32, #tpu.memory_space<hbm>>
          %dma_wait3A_434 = arith.constant 0 : i32
          %dma_wait3A_435 = tpu.memref_slice %arg4[%dma_wait3A_430, %multiple_of3A_429, %dma_wait3A_434] : memref<4x8192x1024xf32, #tpu.memory_space<hbm>> -> memref<1x8x1024xf32, #tpu.memory_space<hbm>>
          %dma_wait3A_436 = tpu.memref_squeeze %dma_wait3A_435 : memref<1x8x1024xf32, #tpu.memory_space<hbm>> -> memref<8x1024xf32, #tpu.memory_space<hbm>>
          tpu.wait_dma2 semaphore(%arg26 : memref<!tpu.dma_semaphore, #tpu.memory_space<semaphore_mem>>) src(%arg8 : memref<8x1024xf32, #tpu.memory_space<vmem>>) dst(%dma_wait3A_436 : memref<8x1024xf32, #tpu.memory_space<hbm>>)
        } else {
        }
        %add3A_412 = arith.constant 1 : i32
        %add3A_413 = arith.addi %add3A_252, %add3A_412 : i32
        %mul3A_414 = arith.constant 8 : i32
        %mul3A_415 = arith.muli %add3A_413, %mul3A_414 : i32
        %add3A_416 = arith.addi %mul3A_2, %mul3A_415 : i32
        %multiple_of3A_417 = tpu.assume_multiple %add3A_416, 8 : i32
        %dma_start3A_418 = arith.constant 3 : i32
        %dma_start3A_419 = arith.constant 0 : i32
        %dma_start3A_420 = tpu.memref_slice %arg2[%dma_start3A_418, %multiple_of3A_417, %dma_start3A_419] : memref<4x8192x1024xf32, #tpu.memory_space<hbm>> -> memref<1x8x1024xf32, #tpu.memory_space<hbm>>
        %dma_start3A_421 = tpu.memref_squeeze %dma_start3A_420 : memref<1x8x1024xf32, #tpu.memory_space<hbm>> -> memref<8x1024xf32, #tpu.memory_space<hbm>>
        %dma_start3A_422 = arith.constant 0 : i32
        %dma_start3A_423 = tpu.memref_slice %arg2[%dma_start3A_418, %multiple_of3A_417, %dma_start3A_422] : memref<4x8192x1024xf32, #tpu.memory_space<hbm>> -> memref<1x8x1024xf32, #tpu.memory_space<hbm>>
        %dma_start3A_424 = tpu.memref_squeeze %dma_start3A_423 : memref<1x8x1024xf32, #tpu.memory_space<hbm>> -> memref<8x1024xf32, #tpu.memory_space<hbm>>
        tpu.enqueue_dma source(%dma_start3A_424 : memref<8x1024xf32, #tpu.memory_space<hbm>>) target(%arg8 : memref<8x1024xf32, #tpu.memory_space<vmem>>) target_semaphore(%arg18 : memref<!tpu.dma_semaphore, #tpu.memory_space<semaphore_mem>>)
      } else {
      }
      %scan3A_391 = arith.constant 0 : i32
      %scan3A_392 = arith.constant 0 : i32
      %scan3A_393 = arith.constant 64 : i32
      %scan3A_394 = arith.addi %scan3A_392, %scan3A_393 : i32
      %scan3A_395 = arith.constant 2 : i32
      scf.for %scan3A_408 = %scan3A_392 to %scan3A_394 step %scan3A_395  : i32 {
        %jit3A = arith.constant 8 : i32
        %div3A = arith.divsi %scan3A_408, %jit3A : i32
        %sign3A = arith.constant 0 : i32
        %sign3A_409 = arith.cmpi sgt, %scan3A_408, %sign3A : i32
        %sign3A_410 = arith.extui %sign3A_409 : i1 to i32
        %sign3A_411 = arith.constant 0 : i32
        %sign3A_412 = arith.cmpi slt, %scan3A_408, %sign3A_411 : i32
        %sign3A_413 = arith.extui %sign3A_412 : i1 to i32
        %sign3A_414 = arith.subi %sign3A_410, %sign3A_413 : i32
        %sign3A_415 = arith.constant 0 : i32
        %sign3A_416 = arith.cmpi sgt, %jit3A, %sign3A_415 : i32
        %sign3A_417 = arith.extui %sign3A_416 : i1 to i32
        %sign3A_418 = arith.constant 0 : i32
        %sign3A_419 = arith.cmpi slt, %jit3A, %sign3A_418 : i32
        %sign3A_420 = arith.extui %sign3A_419 : i1 to i32
        %sign3A_421 = arith.subi %sign3A_417, %sign3A_420 : i32
        %ne3A = arith.cmpi ne, %sign3A_414, %sign3A_421 : i32
        %rem3A = arith.remsi %scan3A_408, %jit3A : i32
        %ne3A_422 = arith.constant 0 : i32
        %ne3A_423 = arith.cmpi ne, %rem3A, %ne3A_422 : i32
        %and3A = arith.andi %ne3A, %ne3A_423 : i1
        %sub3A = arith.constant 1 : i32
        %sub3A_424 = arith.subi %div3A, %sub3A : i32
        %select_n3A = arith.select %and3A, %sub3A_424, %div3A : i32
        %jit3A_425 = arith.constant 8 : i32
        %eq3A = arith.constant 0 : i32
        %eq3A_426 = arith.cmpi eq, %jit3A_425, %eq3A : i32
        %jit3A_427 = arith.constant 1 : i32
        %select_n3A_428 = arith.select %eq3A_426, %jit3A_427, %jit3A_425 : i32
        %rem3A_429 = arith.remsi %scan3A_408, %select_n3A_428 : i32
        %ne3A_430 = arith.constant 0 : i32
        %ne3A_431 = arith.cmpi ne, %rem3A_429, %ne3A_430 : i32
        %lt3A_432 = arith.constant 0 : i32
        %lt3A_433 = arith.cmpi slt, %rem3A_429, %lt3A_432 : i32
        %lt3A_434 = arith.constant 0 : i32
        %lt3A_435 = arith.cmpi slt, %select_n3A_428, %lt3A_434 : i32
        %ne3A_436 = arith.xori %lt3A_433, %lt3A_435 : i1
        %and3A_437 = arith.andi %ne3A_436, %ne3A_431 : i1
        %add3A_438 = arith.addi %rem3A_429, %select_n3A_428 : i32
        %select_n3A_439 = arith.select %and3A_437, %add3A_438, %rem3A_429 : i32
        %mul3A_440 = arith.constant 128 : i32
        %mul3A_441 = arith.muli %select_n3A, %mul3A_440 : i32
        %add3A_442 = arith.constant 0 : i32
        %add3A_443 = arith.addi %mul3A_441, %add3A_442 : i32
        %get3A = arith.index_cast %select_n3A_439 : i32 to index
        %get3A_444 = arith.index_cast %add3A_443 : i32 to index
        %get3A_445 = tpu.vector_load %arg14[%get3A, %get3A_444] {strides = array<i32>} : memref<8x1024xf32, #tpu.memory_space<vmem>>, vector<1x16xf32>,
        %get3A_446 = vector.shape_cast %get3A_445 : vector<1x16xf32> to vector<16xf32>
        %swap3A = arith.index_cast %select_n3A_439 : i32 to index
        %swap3A_447 = arith.index_cast %add3A_443 : i32 to index
        %swap3A_448 = tpu.vector_load %arg12[%swap3A, %swap3A_447] {strides = array<i32>} : memref<8x1024xf32, #tpu.memory_space<vmem>>, vector<1x16xf32>,
        %swap3A_449 = vector.shape_cast %swap3A_448 : vector<1x16xf32> to vector<16xf32>
        %swap3A_450 = vector.shape_cast %get3A_446 : vector<16xf32> to vector<1x16xf32>
        tpu.vector_store %arg12[%swap3A, %swap3A_447], %swap3A_450 {add = true, strides = array<i32>} : memref<8x1024xf32, #tpu.memory_space<vmem>>, vector<1x16xf32>,
        %mul3A_451 = arith.constant 128 : i32
        %mul3A_452 = arith.muli %select_n3A, %mul3A_451 : i32
        %add3A_453 = arith.constant 16 : i32
        %add3A_454 = arith.addi %mul3A_452, %add3A_453 : i32
        %get3A_455 = arith.index_cast %select_n3A_439 : i32 to index
        %get3A_456 = arith.index_cast %add3A_454 : i32 to index
        %get3A_457 = tpu.vector_load %arg14[%get3A_455, %get3A_456] {strides = array<i32>} : memref<8x1024xf32, #tpu.memory_space<vmem>>, vector<1x16xf32>,
        %get3A_458 = vector.shape_cast %get3A_457 : vector<1x16xf32> to vector<16xf32>
        %swap3A_459 = arith.index_cast %select_n3A_439 : i32 to index
        %swap3A_460 = arith.index_cast %add3A_454 : i32 to index
        %swap3A_461 = tpu.vector_load %arg12[%swap3A_459, %swap3A_460] {strides = array<i32>} : memref<8x1024xf32, #tpu.memory_space<vmem>>, vector<1x16xf32>,
        %swap3A_462 = vector.shape_cast %swap3A_461 : vector<1x16xf32> to vector<16xf32>
        %swap3A_463 = vector.shape_cast %get3A_458 : vector<16xf32> to vector<1x16xf32>
        tpu.vector_store %arg12[%swap3A_459, %swap3A_460], %swap3A_463 {add = true, strides = array<i32>} : memref<8x1024xf32, #tpu.memory_space<vmem>>, vector<1x16xf32>,
        %mul3A_464 = arith.constant 128 : i32
        %mul3A_465 = arith.muli %select_n3A, %mul3A_464 : i32
        %add3A_466 = arith.constant 32 : i32
        %add3A_467 = arith.addi %mul3A_465, %add3A_466 : i32
        %get3A_468 = arith.index_cast %select_n3A_439 : i32 to index
        %get3A_469 = arith.index_cast %add3A_467 : i32 to index
        %get3A_470 = tpu.vector_load %arg14[%get3A_468, %get3A_469] {strides = array<i32>} : memref<8x1024xf32, #tpu.memory_space<vmem>>, vector<1x16xf32>,
        %get3A_471 = vector.shape_cast %get3A_470 : vector<1x16xf32> to vector<16xf32>
        %swap3A_472 = arith.index_cast %select_n3A_439 : i32 to index
        %swap3A_473 = arith.index_cast %add3A_467 : i32 to index
        %swap3A_474 = tpu.vector_load %arg12[%swap3A_472, %swap3A_473] {strides = array<i32>} : memref<8x1024xf32, #tpu.memory_space<vmem>>, vector<1x16xf32>,
        %swap3A_475 = vector.shape_cast %swap3A_474 : vector<1x16xf32> to vector<16xf32>
        %swap3A_476 = vector.shape_cast %get3A_471 : vector<16xf32> to vector<1x16xf32>
        tpu.vector_store %arg12[%swap3A_472, %swap3A_473], %swap3A_476 {add = true, strides = array<i32>} : memref<8x1024xf32, #tpu.memory_space<vmem>>, vector<1x16xf32>,
        %mul3A_477 = arith.constant 128 : i32
        %mul3A_478 = arith.muli %select_n3A, %mul3A_477 : i32
        %add3A_479 = arith.constant 48 : i32
        %add3A_480 = arith.addi %mul3A_478, %add3A_479 : i32
        %get3A_481 = arith.index_cast %select_n3A_439 : i32 to index
        %get3A_482 = arith.index_cast %add3A_480 : i32 to index
        %get3A_483 = tpu.vector_load %arg14[%get3A_481, %get3A_482] {strides = array<i32>} : memref<8x1024xf32, #tpu.memory_space<vmem>>, vector<1x16xf32>,
        %get3A_484 = vector.shape_cast %get3A_483 : vector<1x16xf32> to vector<16xf32>
        %swap3A_485 = arith.index_cast %select_n3A_439 : i32 to index
        %swap3A_486 = arith.index_cast %add3A_480 : i32 to index
        %swap3A_487 = tpu.vector_load %arg12[%swap3A_485, %swap3A_486] {strides = array<i32>} : memref<8x1024xf32, #tpu.memory_space<vmem>>, vector<1x16xf32>,
        %swap3A_488 = vector.shape_cast %swap3A_487 : vector<1x16xf32> to vector<16xf32>
        %swap3A_489 = vector.shape_cast %get3A_484 : vector<16xf32> to vector<1x16xf32>
        tpu.vector_store %arg12[%swap3A_485, %swap3A_486], %swap3A_489 {add = true, strides = array<i32>} : memref<8x1024xf32, #tpu.memory_space<vmem>>, vector<1x16xf32>,
        %mul3A_490 = arith.constant 128 : i32
        %mul3A_491 = arith.muli %select_n3A, %mul3A_490 : i32
        %add3A_492 = arith.constant 64 : i32
        %add3A_493 = arith.addi %mul3A_491, %add3A_492 : i32
        %get3A_494 = arith.index_cast %select_n3A_439 : i32 to index
        %get3A_495 = arith.index_cast %add3A_493 : i32 to index
        %get3A_496 = tpu.vector_load %arg14[%get3A_494, %get3A_495] {strides = array<i32>} : memref<8x1024xf32, #tpu.memory_space<vmem>>, vector<1x16xf32>,
        %get3A_497 = vector.shape_cast %get3A_496 : vector<1x16xf32> to vector<16xf32>
        %swap3A_498 = arith.index_cast %select_n3A_439 : i32 to index
        %swap3A_499 = arith.index_cast %add3A_493 : i32 to index
        %swap3A_500 = tpu.vector_load %arg12[%swap3A_498, %swap3A_499] {strides = array<i32>} : memref<8x1024xf32, #tpu.memory_space<vmem>>, vector<1x16xf32>,
        %swap3A_501 = vector.shape_cast %swap3A_500 : vector<1x16xf32> to vector<16xf32>
        %swap3A_502 = vector.shape_cast %get3A_497 : vector<16xf32> to vector<1x16xf32>
        tpu.vector_store %arg12[%swap3A_498, %swap3A_499], %swap3A_502 {add = true, strides = array<i32>} : memref<8x1024xf32, #tpu.memory_space<vmem>>, vector<1x16xf32>,
        %mul3A_503 = arith.constant 128 : i32
        %mul3A_504 = arith.muli %select_n3A, %mul3A_503 : i32
        %add3A_505 = arith.constant 80 : i32
        %add3A_506 = arith.addi %mul3A_504, %add3A_505 : i32
        %get3A_507 = arith.index_cast %select_n3A_439 : i32 to index
        %get3A_508 = arith.index_cast %add3A_506 : i32 to index
        %get3A_509 = tpu.vector_load %arg14[%get3A_507, %get3A_508] {strides = array<i32>} : memref<8x1024xf32, #tpu.memory_space<vmem>>, vector<1x16xf32>,
        %get3A_510 = vector.shape_cast %get3A_509 : vector<1x16xf32> to vector<16xf32>
        %swap3A_511 = arith.index_cast %select_n3A_439 : i32 to index
        %swap3A_512 = arith.index_cast %add3A_506 : i32 to index
        %swap3A_513 = tpu.vector_load %arg12[%swap3A_511, %swap3A_512] {strides = array<i32>} : memref<8x1024xf32, #tpu.memory_space<vmem>>, vector<1x16xf32>,
        %swap3A_514 = vector.shape_cast %swap3A_513 : vector<1x16xf32> to vector<16xf32>
        %swap3A_515 = vector.shape_cast %get3A_510 : vector<16xf32> to vector<1x16xf32>
        tpu.vector_store %arg12[%swap3A_511, %swap3A_512], %swap3A_515 {add = true, strides = array<i32>} : memref<8x1024xf32, #tpu.memory_space<vmem>>, vector<1x16xf32>,
        %mul3A_516 = arith.constant 128 : i32
        %mul3A_517 = arith.muli %select_n3A, %mul3A_516 : i32
        %add3A_518 = arith.constant 96 : i32
        %add3A_519 = arith.addi %mul3A_517, %add3A_518 : i32
        %get3A_520 = arith.index_cast %select_n3A_439 : i32 to index
        %get3A_521 = arith.index_cast %add3A_519 : i32 to index
        %get3A_522 = tpu.vector_load %arg14[%get3A_520, %get3A_521] {strides = array<i32>} : memref<8x1024xf32, #tpu.memory_space<vmem>>, vector<1x16xf32>,
        %get3A_523 = vector.shape_cast %get3A_522 : vector<1x16xf32> to vector<16xf32>
        %swap3A_524 = arith.index_cast %select_n3A_439 : i32 to index
        %swap3A_525 = arith.index_cast %add3A_519 : i32 to index
        %swap3A_526 = tpu.vector_load %arg12[%swap3A_524, %swap3A_525] {strides = array<i32>} : memref<8x1024xf32, #tpu.memory_space<vmem>>, vector<1x16xf32>,
        %swap3A_527 = vector.shape_cast %swap3A_526 : vector<1x16xf32> to vector<16xf32>
        %swap3A_528 = vector.shape_cast %get3A_523 : vector<16xf32> to vector<1x16xf32>
        tpu.vector_store %arg12[%swap3A_524, %swap3A_525], %swap3A_528 {add = true, strides = array<i32>} : memref<8x1024xf32, #tpu.memory_space<vmem>>, vector<1x16xf32>,
        %mul3A_529 = arith.constant 128 : i32
        %mul3A_530 = arith.muli %select_n3A, %mul3A_529 : i32
        %add3A_531 = arith.constant 112 : i32
        %add3A_532 = arith.addi %mul3A_530, %add3A_531 : i32
        %get3A_533 = arith.index_cast %select_n3A_439 : i32 to index
        %get3A_534 = arith.index_cast %add3A_532 : i32 to index
        %get3A_535 = tpu.vector_load %arg14[%get3A_533, %get3A_534] {strides = array<i32>} : memref<8x1024xf32, #tpu.memory_space<vmem>>, vector<1x16xf32>,
        %get3A_536 = vector.shape_cast %get3A_535 : vector<1x16xf32> to vector<16xf32>
        %swap3A_537 = arith.index_cast %select_n3A_439 : i32 to index
        %swap3A_538 = arith.index_cast %add3A_532 : i32 to index
        %swap3A_539 = tpu.vector_load %arg12[%swap3A_537, %swap3A_538] {strides = array<i32>} : memref<8x1024xf32, #tpu.memory_space<vmem>>, vector<1x16xf32>,
        %swap3A_540 = vector.shape_cast %swap3A_539 : vector<1x16xf32> to vector<16xf32>
        %swap3A_541 = vector.shape_cast %get3A_536 : vector<16xf32> to vector<1x16xf32>
        tpu.vector_store %arg12[%swap3A_537, %swap3A_538], %swap3A_541 {add = true, strides = array<i32>} : memref<8x1024xf32, #tpu.memory_space<vmem>>, vector<1x16xf32>,
        %scan3A_542 = arith.constant 1 : i32
        %scan3A_543 = arith.addi %scan3A_408, %scan3A_542 : i32
        %jit3A_544 = arith.constant 8 : i32
        %div3A_545 = arith.divsi %scan3A_543, %jit3A_544 : i32
        %sign3A_546 = arith.constant 0 : i32
        %sign3A_547 = arith.cmpi sgt, %scan3A_543, %sign3A_546 : i32
        %sign3A_548 = arith.extui %sign3A_547 : i1 to i32
        %sign3A_549 = arith.constant 0 : i32
        %sign3A_550 = arith.cmpi slt, %scan3A_543, %sign3A_549 : i32
        %sign3A_551 = arith.extui %sign3A_550 : i1 to i32
        %sign3A_552 = arith.subi %sign3A_548, %sign3A_551 : i32
        %sign3A_553 = arith.constant 0 : i32
        %sign3A_554 = arith.cmpi sgt, %jit3A_544, %sign3A_553 : i32
        %sign3A_555 = arith.extui %sign3A_554 : i1 to i32
        %sign3A_556 = arith.constant 0 : i32
        %sign3A_557 = arith.cmpi slt, %jit3A_544, %sign3A_556 : i32
        %sign3A_558 = arith.extui %sign3A_557 : i1 to i32
        %sign3A_559 = arith.subi %sign3A_555, %sign3A_558 : i32
        %ne3A_560 = arith.cmpi ne, %sign3A_552, %sign3A_559 : i32
        %rem3A_561 = arith.remsi %scan3A_543, %jit3A_544 : i32
        %ne3A_562 = arith.constant 0 : i32
        %ne3A_563 = arith.cmpi ne, %rem3A_561, %ne3A_562 : i32
        %and3A_564 = arith.andi %ne3A_560, %ne3A_563 : i1
        %sub3A_565 = arith.constant 1 : i32
        %sub3A_566 = arith.subi %div3A_545, %sub3A_565 : i32
        %select_n3A_567 = arith.select %and3A_564, %sub3A_566, %div3A_545 : i32
        %jit3A_568 = arith.constant 8 : i32
        %eq3A_569 = arith.constant 0 : i32
        %eq3A_570 = arith.cmpi eq, %jit3A_568, %eq3A_569 : i32
        %jit3A_571 = arith.constant 1 : i32
        %select_n3A_572 = arith.select %eq3A_570, %jit3A_571, %jit3A_568 : i32
        %rem3A_573 = arith.remsi %scan3A_543, %select_n3A_572 : i32
        %ne3A_574 = arith.constant 0 : i32
        %ne3A_575 = arith.cmpi ne, %rem3A_573, %ne3A_574 : i32
        %lt3A_576 = arith.constant 0 : i32
        %lt3A_577 = arith.cmpi slt, %rem3A_573, %lt3A_576 : i32
        %lt3A_578 = arith.constant 0 : i32
        %lt3A_579 = arith.cmpi slt, %select_n3A_572, %lt3A_578 : i32
        %ne3A_580 = arith.xori %lt3A_577, %lt3A_579 : i1
        %and3A_581 = arith.andi %ne3A_580, %ne3A_575 : i1
        %add3A_582 = arith.addi %rem3A_573, %select_n3A_572 : i32
        %select_n3A_583 = arith.select %and3A_581, %add3A_582, %rem3A_573 : i32
        %mul3A_584 = arith.constant 128 : i32
        %mul3A_585 = arith.muli %select_n3A_567, %mul3A_584 : i32
        %add3A_586 = arith.constant 0 : i32
        %add3A_587 = arith.addi %mul3A_585, %add3A_586 : i32
        %get3A_588 = arith.index_cast %select_n3A_583 : i32 to index
        %get3A_589 = arith.index_cast %add3A_587 : i32 to index
        %get3A_590 = tpu.vector_load %arg14[%get3A_588, %get3A_589] {strides = array<i32>} : memref<8x1024xf32, #tpu.memory_space<vmem>>, vector<1x16xf32>,
        %get3A_591 = vector.shape_cast %get3A_590 : vector<1x16xf32> to vector<16xf32>
        %swap3A_592 = arith.index_cast %select_n3A_583 : i32 to index
        %swap3A_593 = arith.index_cast %add3A_587 : i32 to index
        %swap3A_594 = tpu.vector_load %arg12[%swap3A_592, %swap3A_593] {strides = array<i32>} : memref<8x1024xf32, #tpu.memory_space<vmem>>, vector<1x16xf32>,
        %swap3A_595 = vector.shape_cast %swap3A_594 : vector<1x16xf32> to vector<16xf32>
        %swap3A_596 = vector.shape_cast %get3A_591 : vector<16xf32> to vector<1x16xf32>
        tpu.vector_store %arg12[%swap3A_592, %swap3A_593], %swap3A_596 {add = true, strides = array<i32>} : memref<8x1024xf32, #tpu.memory_space<vmem>>, vector<1x16xf32>,
        %mul3A_597 = arith.constant 128 : i32
        %mul3A_598 = arith.muli %select_n3A_567, %mul3A_597 : i32
        %add3A_599 = arith.constant 16 : i32
        %add3A_600 = arith.addi %mul3A_598, %add3A_599 : i32
        %get3A_601 = arith.index_cast %select_n3A_583 : i32 to index
        %get3A_602 = arith.index_cast %add3A_600 : i32 to index
        %get3A_603 = tpu.vector_load %arg14[%get3A_601, %get3A_602] {strides = array<i32>} : memref<8x1024xf32, #tpu.memory_space<vmem>>, vector<1x16xf32>,
        %get3A_604 = vector.shape_cast %get3A_603 : vector<1x16xf32> to vector<16xf32>
        %swap3A_605 = arith.index_cast %select_n3A_583 : i32 to index
        %swap3A_606 = arith.index_cast %add3A_600 : i32 to index
        %swap3A_607 = tpu.vector_load %arg12[%swap3A_605, %swap3A_606] {strides = array<i32>} : memref<8x1024xf32, #tpu.memory_space<vmem>>, vector<1x16xf32>,
        %swap3A_608 = vector.shape_cast %swap3A_607 : vector<1x16xf32> to vector<16xf32>
        %swap3A_609 = vector.shape_cast %get3A_604 : vector<16xf32> to vector<1x16xf32>
        tpu.vector_store %arg12[%swap3A_605, %swap3A_606], %swap3A_609 {add = true, strides = array<i32>} : memref<8x1024xf32, #tpu.memory_space<vmem>>, vector<1x16xf32>,
        %mul3A_610 = arith.constant 128 : i32
        %mul3A_611 = arith.muli %select_n3A_567, %mul3A_610 : i32
        %add3A_612 = arith.constant 32 : i32
        %add3A_613 = arith.addi %mul3A_611, %add3A_612 : i32
        %get3A_614 = arith.index_cast %select_n3A_583 : i32 to index
        %get3A_615 = arith.index_cast %add3A_613 : i32 to index
        %get3A_616 = tpu.vector_load %arg14[%get3A_614, %get3A_615] {strides = array<i32>} : memref<8x1024xf32, #tpu.memory_space<vmem>>, vector<1x16xf32>,
        %get3A_617 = vector.shape_cast %get3A_616 : vector<1x16xf32> to vector<16xf32>
        %swap3A_618 = arith.index_cast %select_n3A_583 : i32 to index
        %swap3A_619 = arith.index_cast %add3A_613 : i32 to index
        %swap3A_620 = tpu.vector_load %arg12[%swap3A_618, %swap3A_619] {strides = array<i32>} : memref<8x1024xf32, #tpu.memory_space<vmem>>, vector<1x16xf32>,
        %swap3A_621 = vector.shape_cast %swap3A_620 : vector<1x16xf32> to vector<16xf32>
        %swap3A_622 = vector.shape_cast %get3A_617 : vector<16xf32> to vector<1x16xf32>
        tpu.vector_store %arg12[%swap3A_618, %swap3A_619], %swap3A_622 {add = true, strides = array<i32>} : memref<8x1024xf32, #tpu.memory_space<vmem>>, vector<1x16xf32>,
        %mul3A_623 = arith.constant 128 : i32
        %mul3A_624 = arith.muli %select_n3A_567, %mul3A_623 : i32
        %add3A_625 = arith.constant 48 : i32
        %add3A_626 = arith.addi %mul3A_624, %add3A_625 : i32
        %get3A_627 = arith.index_cast %select_n3A_583 : i32 to index
        %get3A_628 = arith.index_cast %add3A_626 : i32 to index
        %get3A_629 = tpu.vector_load %arg14[%get3A_627, %get3A_628] {strides = array<i32>} : memref<8x1024xf32, #tpu.memory_space<vmem>>, vector<1x16xf32>,
        %get3A_630 = vector.shape_cast %get3A_629 : vector<1x16xf32> to vector<16xf32>
        %swap3A_631 = arith.index_cast %select_n3A_583 : i32 to index
        %swap3A_632 = arith.index_cast %add3A_626 : i32 to index
        %swap3A_633 = tpu.vector_load %arg12[%swap3A_631, %swap3A_632] {strides = array<i32>} : memref<8x1024xf32, #tpu.memory_space<vmem>>, vector<1x16xf32>,
        %swap3A_634 = vector.shape_cast %swap3A_633 : vector<1x16xf32> to vector<16xf32>
        %swap3A_635 = vector.shape_cast %get3A_630 : vector<16xf32> to vector<1x16xf32>
        tpu.vector_store %arg12[%swap3A_631, %swap3A_632], %swap3A_635 {add = true, strides = array<i32>} : memref<8x1024xf32, #tpu.memory_space<vmem>>, vector<1x16xf32>,
        %mul3A_636 = arith.constant 128 : i32
        %mul3A_637 = arith.muli %select_n3A_567, %mul3A_636 : i32
        %add3A_638 = arith.constant 64 : i32
        %add3A_639 = arith.addi %mul3A_637, %add3A_638 : i32
        %get3A_640 = arith.index_cast %select_n3A_583 : i32 to index
        %get3A_641 = arith.index_cast %add3A_639 : i32 to index
        %get3A_642 = tpu.vector_load %arg14[%get3A_640, %get3A_641] {strides = array<i32>} : memref<8x1024xf32, #tpu.memory_space<vmem>>, vector<1x16xf32>,
        %get3A_643 = vector.shape_cast %get3A_642 : vector<1x16xf32> to vector<16xf32>
        %swap3A_644 = arith.index_cast %select_n3A_583 : i32 to index
        %swap3A_645 = arith.index_cast %add3A_639 : i32 to index
        %swap3A_646 = tpu.vector_load %arg12[%swap3A_644, %swap3A_645] {strides = array<i32>} : memref<8x1024xf32, #tpu.memory_space<vmem>>, vector<1x16xf32>,
        %swap3A_647 = vector.shape_cast %swap3A_646 : vector<1x16xf32> to vector<16xf32>
        %swap3A_648 = vector.shape_cast %get3A_643 : vector<16xf32> to vector<1x16xf32>
        tpu.vector_store %arg12[%swap3A_644, %swap3A_645], %swap3A_648 {add = true, strides = array<i32>} : memref<8x1024xf32, #tpu.memory_space<vmem>>, vector<1x16xf32>,
        %mul3A_649 = arith.constant 128 : i32
        %mul3A_650 = arith.muli %select_n3A_567, %mul3A_649 : i32
        %add3A_651 = arith.constant 80 : i32
        %add3A_652 = arith.addi %mul3A_650, %add3A_651 : i32
        %get3A_653 = arith.index_cast %select_n3A_583 : i32 to index
        %get3A_654 = arith.index_cast %add3A_652 : i32 to index
        %get3A_655 = tpu.vector_load %arg14[%get3A_653, %get3A_654] {strides = array<i32>} : memref<8x1024xf32, #tpu.memory_space<vmem>>, vector<1x16xf32>,
        %get3A_656 = vector.shape_cast %get3A_655 : vector<1x16xf32> to vector<16xf32>
        %swap3A_657 = arith.index_cast %select_n3A_583 : i32 to index
        %swap3A_658 = arith.index_cast %add3A_652 : i32 to index
        %swap3A_659 = tpu.vector_load %arg12[%swap3A_657, %swap3A_658] {strides = array<i32>} : memref<8x1024xf32, #tpu.memory_space<vmem>>, vector<1x16xf32>,
        %swap3A_660 = vector.shape_cast %swap3A_659 : vector<1x16xf32> to vector<16xf32>
        %swap3A_661 = vector.shape_cast %get3A_656 : vector<16xf32> to vector<1x16xf32>
        tpu.vector_store %arg12[%swap3A_657, %swap3A_658], %swap3A_661 {add = true, strides = array<i32>} : memref<8x1024xf32, #tpu.memory_space<vmem>>, vector<1x16xf32>,
        %mul3A_662 = arith.constant 128 : i32
        %mul3A_663 = arith.muli %select_n3A_567, %mul3A_662 : i32
        %add3A_664 = arith.constant 96 : i32
        %add3A_665 = arith.addi %mul3A_663, %add3A_664 : i32
        %get3A_666 = arith.index_cast %select_n3A_583 : i32 to index
        %get3A_667 = arith.index_cast %add3A_665 : i32 to index
        %get3A_668 = tpu.vector_load %arg14[%get3A_666, %get3A_667] {strides = array<i32>} : memref<8x1024xf32, #tpu.memory_space<vmem>>, vector<1x16xf32>,
        %get3A_669 = vector.shape_cast %get3A_668 : vector<1x16xf32> to vector<16xf32>
        %swap3A_670 = arith.index_cast %select_n3A_583 : i32 to index
        %swap3A_671 = arith.index_cast %add3A_665 : i32 to index
        %swap3A_672 = tpu.vector_load %arg12[%swap3A_670, %swap3A_671] {strides = array<i32>} : memref<8x1024xf32, #tpu.memory_space<vmem>>, vector<1x16xf32>,
        %swap3A_673 = vector.shape_cast %swap3A_672 : vector<1x16xf32> to vector<16xf32>
        %swap3A_674 = vector.shape_cast %get3A_669 : vector<16xf32> to vector<1x16xf32>
        tpu.vector_store %arg12[%swap3A_670, %swap3A_671], %swap3A_674 {add = true, strides = array<i32>} : memref<8x1024xf32, #tpu.memory_space<vmem>>, vector<1x16xf32>,
        %mul3A_675 = arith.constant 128 : i32
        %mul3A_676 = arith.muli %select_n3A_567, %mul3A_675 : i32
        %add3A_677 = arith.constant 112 : i32
        %add3A_678 = arith.addi %mul3A_676, %add3A_677 : i32
        %get3A_679 = arith.index_cast %select_n3A_583 : i32 to index
        %get3A_680 = arith.index_cast %add3A_678 : i32 to index
        %get3A_681 = tpu.vector_load %arg14[%get3A_679, %get3A_680] {strides = array<i32>} : memref<8x1024xf32, #tpu.memory_space<vmem>>, vector<1x16xf32>,
        %get3A_682 = vector.shape_cast %get3A_681 : vector<1x16xf32> to vector<16xf32>
        %swap3A_683 = arith.index_cast %select_n3A_583 : i32 to index
        %swap3A_684 = arith.index_cast %add3A_678 : i32 to index
        %swap3A_685 = tpu.vector_load %arg12[%swap3A_683, %swap3A_684] {strides = array<i32>} : memref<8x1024xf32, #tpu.memory_space<vmem>>, vector<1x16xf32>,
        %swap3A_686 = vector.shape_cast %swap3A_685 : vector<1x16xf32> to vector<16xf32>
        %swap3A_687 = vector.shape_cast %get3A_682 : vector<16xf32> to vector<1x16xf32>
        tpu.vector_store %arg12[%swap3A_683, %swap3A_684], %swap3A_687 {add = true, strides = array<i32>} : memref<8x1024xf32, #tpu.memory_space<vmem>>, vector<1x16xf32>,
      }
      %scan3A_396 = arith.constant 64 : i32
      %mul3A_397 = arith.constant 8 : i32
      %mul3A_398 = arith.muli %add3A_252, %mul3A_397 : i32
      %add3A_399 = arith.addi %mul3A_2, %mul3A_398 : i32
      %multiple_of3A_400 = tpu.assume_multiple %add3A_399, 8 : i32
      %dma_start3A_401 = arith.constant 3 : i32
      %dma_start3A_402 = arith.constant 0 : i32
      %dma_start3A_403 = tpu.memref_slice %arg4[%dma_start3A_401, %multiple_of3A_400, %dma_start3A_402] : memref<4x8192x1024xf32, #tpu.memory_space<hbm>> -> memref<1x8x1024xf32, #tpu.memory_space<hbm>>
      %dma_start3A_404 = tpu.memref_squeeze %dma_start3A_403 : memref<1x8x1024xf32, #tpu.memory_space<hbm>> -> memref<8x1024xf32, #tpu.memory_space<hbm>>
      %dma_start3A_405 = arith.constant 0 : i32
      %dma_start3A_406 = tpu.memref_slice %arg4[%dma_start3A_401, %multiple_of3A_400, %dma_start3A_405] : memref<4x8192x1024xf32, #tpu.memory_space<hbm>> -> memref<1x8x1024xf32, #tpu.memory_space<hbm>>
      %dma_start3A_407 = tpu.memref_squeeze %dma_start3A_406 : memref<1x8x1024xf32, #tpu.memory_space<hbm>> -> memref<8x1024xf32, #tpu.memory_space<hbm>>
      tpu.enqueue_dma source(%arg12 : memref<8x1024xf32, #tpu.memory_space<vmem>>) target(%dma_start3A_407 : memref<8x1024xf32, #tpu.memory_space<hbm>>) target_semaphore(%arg30 : memref<!tpu.dma_semaphore, #tpu.memory_space<semaphore_mem>>)
    }
    %scan3A_52 = arith.constant 16 : i32
    %add3A_53 = arith.constant 248 : i32
    %add3A_54 = arith.addi %mul3A_2, %add3A_53 : i32
    %multiple_of3A_55 = tpu.assume_multiple %add3A_54, 8 : i32
    %dma_wait3A = arith.constant 0 : i32
    %dma_wait3A_56 = arith.constant 0 : i32
    %dma_wait3A_57 = tpu.memref_slice %arg4[%dma_wait3A, %multiple_of3A_55, %dma_wait3A_56] : memref<4x8192x1024xf32, #tpu.memory_space<hbm>> -> memref<1x8x1024xf32, #tpu.memory_space<hbm>>
    %dma_wait3A_58 = tpu.memref_squeeze %dma_wait3A_57 : memref<1x8x1024xf32, #tpu.memory_space<hbm>> -> memref<8x1024xf32, #tpu.memory_space<hbm>>
    %dma_wait3A_59 = arith.constant 0 : i32
    %dma_wait3A_60 = tpu.memref_slice %arg4[%dma_wait3A, %multiple_of3A_55, %dma_wait3A_59] : memref<4x8192x1024xf32, #tpu.memory_space<hbm>> -> memref<1x8x1024xf32, #tpu.memory_space<hbm>>
    %dma_wait3A_61 = tpu.memref_squeeze %dma_wait3A_60 : memref<1x8x1024xf32, #tpu.memory_space<hbm>> -> memref<8x1024xf32, #tpu.memory_space<hbm>>
    tpu.wait_dma2 semaphore(%arg27 : memref<!tpu.dma_semaphore, #tpu.memory_space<semaphore_mem>>) src(%arg9 : memref<8x1024xf32, #tpu.memory_space<vmem>>) dst(%dma_wait3A_61 : memref<8x1024xf32, #tpu.memory_space<hbm>>)
    %add3A_62 = arith.constant 248 : i32
    %add3A_63 = arith.addi %mul3A_2, %add3A_62 : i32
    %multiple_of3A_64 = tpu.assume_multiple %add3A_63, 8 : i32
    %dma_wait3A_65 = arith.constant 1 : i32
    %dma_wait3A_66 = arith.constant 0 : i32
    %dma_wait3A_67 = tpu.memref_slice %arg4[%dma_wait3A_65, %multiple_of3A_64, %dma_wait3A_66] : memref<4x8192x1024xf32, #tpu.memory_space<hbm>> -> memref<1x8x1024xf32, #tpu.memory_space<hbm>>
    %dma_wait3A_68 = tpu.memref_squeeze %dma_wait3A_67 : memref<1x8x1024xf32, #tpu.memory_space<hbm>> -> memref<8x1024xf32, #tpu.memory_space<hbm>>
    %dma_wait3A_69 = arith.constant 0 : i32
    %dma_wait3A_70 = tpu.memref_slice %arg4[%dma_wait3A_65, %multiple_of3A_64, %dma_wait3A_69] : memref<4x8192x1024xf32, #tpu.memory_space<hbm>> -> memref<1x8x1024xf32, #tpu.memory_space<hbm>>
    %dma_wait3A_71 = tpu.memref_squeeze %dma_wait3A_70 : memref<1x8x1024xf32, #tpu.memory_space<hbm>> -> memref<8x1024xf32, #tpu.memory_space<hbm>>
    tpu.wait_dma2 semaphore(%arg28 : memref<!tpu.dma_semaphore, #tpu.memory_space<semaphore_mem>>) src(%arg10 : memref<8x1024xf32, #tpu.memory_space<vmem>>) dst(%dma_wait3A_71 : memref<8x1024xf32, #tpu.memory_space<hbm>>)
    %add3A_72 = arith.constant 248 : i32
    %add3A_73 = arith.addi %mul3A_2, %add3A_72 : i32
    %multiple_of3A_74 = tpu.assume_multiple %add3A_73, 8 : i32
    %dma_wait3A_75 = arith.constant 2 : i32
    %dma_wait3A_76 = arith.constant 0 : i32
    %dma_wait3A_77 = tpu.memref_slice %arg4[%dma_wait3A_75, %multiple_of3A_74, %dma_wait3A_76] : memref<4x8192x1024xf32, #tpu.memory_space<hbm>> -> memref<1x8x1024xf32, #tpu.memory_space<hbm>>
    %dma_wait3A_78 = tpu.memref_squeeze %dma_wait3A_77 : memref<1x8x1024xf32, #tpu.memory_space<hbm>> -> memref<8x1024xf32, #tpu.memory_space<hbm>>
    %dma_wait3A_79 = arith.constant 0 : i32
    %dma_wait3A_80 = tpu.memref_slice %arg4[%dma_wait3A_75, %multiple_of3A_74, %dma_wait3A_79] : memref<4x8192x1024xf32, #tpu.memory_space<hbm>> -> memref<1x8x1024xf32, #tpu.memory_space<hbm>>
    %dma_wait3A_81 = tpu.memref_squeeze %dma_wait3A_80 : memref<1x8x1024xf32, #tpu.memory_space<hbm>> -> memref<8x1024xf32, #tpu.memory_space<hbm>>
    tpu.wait_dma2 semaphore(%arg29 : memref<!tpu.dma_semaphore, #tpu.memory_space<semaphore_mem>>) src(%arg11 : memref<8x1024xf32, #tpu.memory_space<vmem>>) dst(%dma_wait3A_81 : memref<8x1024xf32, #tpu.memory_space<hbm>>)
    %add3A_82 = arith.constant 248 : i32
    %add3A_83 = arith.addi %mul3A_2, %add3A_82 : i32
    %multiple_of3A_84 = tpu.assume_multiple %add3A_83, 8 : i32
    %dma_wait3A_85 = arith.constant 3 : i32
    %dma_wait3A_86 = arith.constant 0 : i32
    %dma_wait3A_87 = tpu.memref_slice %arg4[%dma_wait3A_85, %multiple_of3A_84, %dma_wait3A_86] : memref<4x8192x1024xf32, #tpu.memory_space<hbm>> -> memref<1x8x1024xf32, #tpu.memory_space<hbm>>
    %dma_wait3A_88 = tpu.memref_squeeze %dma_wait3A_87 : memref<1x8x1024xf32, #tpu.memory_space<hbm>> -> memref<8x1024xf32, #tpu.memory_space<hbm>>
    %dma_wait3A_89 = arith.constant 0 : i32
    %dma_wait3A_90 = tpu.memref_slice %arg4[%dma_wait3A_85, %multiple_of3A_84, %dma_wait3A_89] : memref<4x8192x1024xf32, #tpu.memory_space<hbm>> -> memref<1x8x1024xf32, #tpu.memory_space<hbm>>
    %dma_wait3A_91 = tpu.memref_squeeze %dma_wait3A_90 : memref<1x8x1024xf32, #tpu.memory_space<hbm>> -> memref<8x1024xf32, #tpu.memory_space<hbm>>
    tpu.wait_dma2 semaphore(%arg30 : memref<!tpu.dma_semaphore, #tpu.memory_space<semaphore_mem>>) src(%arg12 : memref<8x1024xf32, #tpu.memory_space<vmem>>) dst(%dma_wait3A_91 : memref<8x1024xf32, #tpu.memory_space<hbm>>)
    return
  }
}

</mosaic_0001>

<sc_bundles>
// kernel: kernel.3.cloned.1.call-start
scs
__scs_entry_jumppad:
0x0: {  	(pc) =	sbr.rel $0x88, $3  }
0x1: {  	(tag) =	ssettag $0x0;
	lr =	simm.s32 $0x1  }
0x2: {  	[smem:$0x3F9F] =	sst lr;
	_ =	strace $0xD0000000  }
0x3: {  	_ = 	snop  }
0x4: {  	_ = 	snop  }
0x5: {  	_ = 	snop  }
0x6: {  	_ = 	snop  }
0x7: {  	_ = 	snop  }
__scs_overlays_trampoline_lowered:
0x8: {  	[smem:$0x3FAE] =	sst s0  }
0x9: {  	[smem:$0x3FAF] =	sst s1  }
0xa: {  	[smem:$0x3FB0] =	sst s2  }
0xb: {  	[smem:$0x3FB1] =	sst s3  }
0xc: {  	[smem:$0x3FB2] =	sst s4  }
0xd: {  	[smem:$0x3FB3] =	sst s5  }
0xe: {  	[smem:$0x3FB4] =	sst s6  }
0xf: {  	[smem:$0x3FB5] =	sst s7  }
0x10: {  	[smem:$0x3FB6] =	sst s8  }
0x11: {  	[smem:$0x3FB7] =	sst s9;
	s0 =	simm.s32 @!p0 $0x0  }
0x12: {  	s1 =	sld [smem:$0x3F9D];
	s0 =	simm.s32 @p0 $0x1  }
0x13: {  	[smem:$0x3FB8] =	sst s0;
	s0 =	simm.s32 @!p1 $0x0  }
0x14: {  	s2 =	sld [smem:$0x3F9C];
	s0 =	simm.s32 @p1 $0x1  }
0x15: {  	[smem:$0x3FB9] =	sst s0;
	s0 =	simm.s32 @!p2 $0x0  }
0x16: {  	s3 =	sld [smem:$0x3FDB];
	s0 =	simm.s32 @p2 $0x1  }
0x17: {  	s4 =	simm.s32 $0x1BF5;
	[smem:$0x3FBB] =	sst s0  }
0x18: {  	s0 =	sld [smem:$0x3F9E];
	_ =	swait.ge [sflag:s4], $0x0  }
0x19: {  	s7 =	sld [smem:$0x3F9F]  }
0x1a: {  	s8 =	sadd.s32 $0xFFFFE003, lr  }
0x1b: {  	s9 =	sadd.s32 $0xFFFFFEF7, lr;
	s5 =	simm.s32 $0xFFFFFFFF;
	p2 =	slt.u32 s8, $0xFFFFF086  }
0x1c: {  	p1 =	slt.u32 s9, $0xF7A;
	s5 =	simm.s32 @!p2 $0x0  }
0x1d: {  	s5 =	simm.s32 @p1 $0x1;
	p0 =	seq.s32 s7, s2  }
0x1e: {  	s7 =	smul.u32 @!p0 $0xF7A, s2;
	p2 =	seq.s32 @!p0 s5, $0x0  }
0x1f: {  	s9 =	smul.u32 $0xF7A, s1;
	s8 =	simm.s32 @!p0 $0x1BF5;
	p2 =	por !p2, p0  }
0x20: {  	[sflag:s8] =	ssyncset.s32 @!p0 $0xFFFFF086;
	s6 =	sadd.s32 @!p0 s3, s7;
	s7 =	simm.s32 @!p0 $0x108  }
0x21: {  	s3 =	sadd.s32 s3, s9;
	s6 =	sadd.s32 @!p0 $0x88, s6;
	s7 =	simm.s32 @p2 $0x1082  }
0x22: {  	[simem:s7], [sflag:s8] =	dma.local @!p0 [hbm:s6], $0xF7A  }
0x23: {  	s9 =	sor.u32 $0xD0000000, s2;
	s6 =	simm.s32 $0x108;
	_ =	swait.ge @!p0 [sflag:s8], $0x0  }
0x24: {  	s3 =	sadd.s32 $0x88, s3;
	s6 =	simm.s32 @!p1 $0x1082;
	[sflag:s4] =	ssyncset.s32 $0xFFFFF086  }
0x25: {  	[simem:s6], [sflag:s4] =	dma.local [hbm:s3], $0xF7A  }
0x26: {  	[smem:$0x3F9F] =	sst s1;
	(tag) =	ssettag s2;
	_ =	strace s9  }
0x27: {  	s1 =	sld [smem:$0x3FAF]  }
0x28: {  	s2 =	sld [smem:$0x3FB0]  }
0x29: {  	s4 =	sld [smem:$0x3FB2]  }
0x2a: {  	p0 =	seq.s32 s5, $0x0;
	s5 =	sld [smem:$0x3FB3]  }
0x2b: {  	s6 =	sld [smem:$0x3FB4]  }
0x2c: {  	s7 =	sld [smem:$0x3FB5]  }
0x2d: {  	s3 =	simm.s32 $0x108;
	s8 =	sld [smem:$0x3FB6]  }
0x2e: {  	s3 =	simm.s32 @!p0 $0x1082;
	s9 =	sld [smem:$0x3FB7]  }
0x2f: {  	lr =	sadd.s32 s0, s3;
	s0 =	sld [smem:$0x3FAE]  }
0x30: {  	s3 =	sld [smem:$0x3FB1]  }
0x31: {  	[smem:$0x3FBA] =	sst s10  }
0x32: {  	s10 =	sld [smem:$0x3FB8];
	_ =	sdelay $0x3  }
0x33: {  	p0 =	seq.s32 s10, $0x1;
	s10 =	sld [smem:$0x3FBA];
	_ =	sdelay $0x3  }
0x34: {  	[smem:$0x3FBA] =	sst s10  }
0x35: {  	s10 =	sld [smem:$0x3FB9];
	_ =	sdelay $0x3  }
0x36: {  	p1 =	seq.s32 s10, $0x1;
	s10 =	sld [smem:$0x3FBA];
	_ =	sdelay $0x3  }
0x37: {  	[smem:$0x3FBA] =	sst s10  }
0x38: {  	s10 =	sld [smem:$0x3FBB]  }
0x39: {  	_ = 	snop;
	(pc) =	sbr.ind lr, $3  }
0x3a: {  	_ = 	snop  }
0x3b: {  	_ = 	snop  }
0x3c: {  	p2 =	seq.s32 s10, $0x1;
	s10 =	sld [smem:$0x3FBA]  }
0x3d: {  	_ =	shalt  }
0x3e: {  	_ =	shalt  }
0x3f: {  	_ =	shalt  }
0x40: {  	_ =	shalt  }
0x41: {  	_ =	shalt  }
0x42: {  	_ =	shalt  }
0x43: {  	_ =	shalt  }
0x44: {  	_ =	shalt  }
0x45: {  	_ =	shalt  }
0x46: {  	_ =	shalt  }
0x47: {  	_ =	shalt  }
0x48: {  	_ =	shalt  }
0x49: {  	_ =	shalt  }
0x4a: {  	_ =	shalt  }
0x4b: {  	_ =	shalt  }
0x4c: {  	_ =	shalt  }
0x4d: {  	_ =	shalt  }
0x4e: {  	_ =	shalt  }
0x4f: {  	_ =	shalt  }
0x50: {  	_ =	shalt  }
0x51: {  	_ =	shalt  }
0x52: {  	_ =	shalt  }
0x53: {  	_ =	shalt  }
0x54: {  	_ =	shalt  }
0x55: {  	_ =	shalt  }
0x56: {  	_ =	shalt  }
0x57: {  	_ =	shalt  }
0x58: {  	_ =	shalt  }
0x59: {  	_ =	shalt  }
0x5a: {  	_ =	shalt  }
0x5b: {  	_ =	shalt  }
0x5c: {  	_ =	shalt  }
0x5d: {  	_ =	shalt  }
0x5e: {  	_ =	shalt  }
0x5f: {  	_ =	shalt  }
0x60: {  	_ =	shalt  }
0x61: {  	_ =	shalt  }
0x62: {  	_ =	shalt  }
0x63: {  	_ =	shalt  }
0x64: {  	_ =	shalt  }
0x65: {  	_ =	shalt  }
0x66: {  	_ =	shalt  }
0x67: {  	_ =	shalt  }
0x68: {  	_ =	shalt  }
0x69: {  	_ =	shalt  }
0x6a: {  	_ =	shalt  }
0x6b: {  	_ =	shalt  }
0x6c: {  	_ =	shalt  }
0x6d: {  	_ =	shalt  }
0x6e: {  	_ =	shalt  }
0x6f: {  	_ =	shalt  }
0x70: {  	_ =	shalt  }
0x71: {  	_ =	shalt  }
0x72: {  	_ =	shalt  }
0x73: {  	_ =	shalt  }
0x74: {  	_ =	shalt  }
0x75: {  	_ =	shalt  }
0x76: {  	_ =	shalt  }
0x77: {  	_ =	shalt  }
0x78: {  	_ =	shalt  }
0x79: {  	_ =	shalt  }
0x7a: {  	_ =	shalt  }
0x7b: {  	_ =	shalt  }
0x7c: {  	_ =	shalt  }
0x7d: {  	_ =	shalt  }
0x7e: {  	_ =	shalt  }
0x7f: {  	_ =	shalt  }
0x80: {  	_ =	shalt  }
0x81: {  	_ =	shalt  }
0x82: {  	_ =	shalt  }
0x83: {  	_ =	shalt  }
0x84: {  	_ =	shalt  }
0x85: {  	_ =	shalt  }
0x86: {  	_ =	shalt  }
0x87: {  	_ =	shalt  }
.Lfunc_end0:
.L_simem_size_0:
called_computation_lowered:
.L_overlay_start_0:
0x88: {  	s2 =	sld [smem:$0x3FD9]  }
0x89: {  	s3 =	sld [smem:$0x3FFE];
	_ =	sdelay $0x1  }
0x8a: {  	s1 =	srdreg.scid  }
0x8b: {  	s0 =	sand.u32 $0x1, s1  }
0x8c: {  	s18 =	sshll.u32 s0, $0xA;
	s2 =	sadd.s32 s3, s2  }
0x8d: {  	s2 =	sadd.s32 s2, s18  }
0x8e: {  	[smem:$0x3FC6] =	sst s2  }
0x8f: {  	_ = 	snop  }
0x90: {  	s2 =	sld [smem:$0x3FC9]  }
0x91: {  	s19 =	sld [smem:$0x3FC8]  }
0x92: {  	s4 =	sld [smem:$0x3FD0];
	(tm) =	ssettm $0x1  }
0x93: {  	s5 =	sld [smem:$0x3FFB];
	_ =	sdelay $0x3  }
0x94: {  	_ =	strace s5  }
0x95: {  	s5 =	sld [smem:$0x3FFC];
	_ =	sdelay $0x3  }
0x96: {  	_ =	strace s5  }
0x97: {  	s5 =	sld [smem:$0x3FFD];
	_ =	sdelay $0x3  }
0x98: {  	_ =	strace s5  }
0x99: {  	_ =	strace $0x8FFFFFFF  }
0x9a: {  	s20 =	sld [smem:$0x3FDB];
	_ =	sdelay $0x1  }
0x9b: {  	s6 =	simm.s32 $_scs_section_size  }
0x9c: {  	s7 =	simm.s32 $_size__tile_overlayer_lowered;
	s8 =	simm.s32 $_tile_overlayer_lowered  }
0x9d: {  	s23 =	simm.s32 $0x1BFF;
	s22 =	sshll.u32 s8, $0x1;
	s5 =	sadd.s32 s6, s20  }
0x9e: {  	s9 =	simm.s32 $0x0;
	s21 =	sshll.u32 s7, $0x1;
	s7 =	sadd.s32 s22, s5  }
0x9f: {  	[timem:s9], [sflag:s23] =	dma.local [hbm:s7], s21  }
0xa0: {  	_ =	swait.ge [sflag:s23], s21  }
0xa1: {  	s6 =	ssub.s32 $0x0, s21;
	[sflag:s23] =	ssyncset.done $0x0  }
0xa2: {  	[sflag:s23] =	ssyncadd.s32 s6;
	_ =	sdelay $0x1  }
0xa3: {  	s24 =	simm.s32 $0x1B8B  }
0xa4: {  	_ =	swait.ge [sflag:s24], $0x1  }
0xa5: {  	[sflag:s24] =	ssyncset.done $0x0  }
0xa6: {  	s25 =	simm.s32 $0x1B8E;
	[sflag:s24] =	ssyncadd.s32 $0xFFFFFFFF  }
0xa7: {  	s26 =	simm.s32 $execute0_lowered;
	[smem:$0x3FD2] =	sst s25  }
0xa8: {  	s6 =	sshll.u32 s26, $0x1;
	_ =	strace $0x80000046;
	[dreg:$0x1] =	wrdreg $0xFFFFFFFF  }
0xa9: {  	s28 =	simm.s32 $_size_execute0_lowered;
	s5 =	sadd.s32 s5, s6;
	[dreg:$0x0] =	wrdreg $0x0  }
0xaa: {  	s6 =	sshll.u32 s28, $0x1;
	[dreg:$0x2] =	wrdreg s5  }
0xab: {  	[dreg:$0x3] =	wrdreg s6  }
0xac: {  	[dreg:$0x4] =	wrdreg $0xC0  }
0xad: {  	_ =	task [dreg:s9], $0x5FFFF  }
0xae: {  	[dreg:$0x1] =	wrdreg $0xFFFFFFFF  }
0xaf: {  	[dreg:$0x0] =	wrdreg $0x60  }
0xb0: {  	[dreg:$0x2] =	wrdreg s2  }
0xb1: {  	[dreg:$0x3] =	wrdreg s19  }
0xb2: {  	[dreg:$0x4] =	wrdreg s4  }
0xb3: {  	[dreg:$0x5] =	wrdreg $0x9  }
0xb4: {  	_ =	task.clear_ibuf [dreg:s9], $0x6FFFF;
	_ =	strace $0x90000046  }
0xb5: {  	s29 =	simm.s32 $0x9;
	_ =	strace $0x80000048  }
0xb6: {  	_ =	swait.ge [sflag:s29], $0x1  }
0xb7: {  	[sflag:s29] =	ssyncadd.s32 $0xFFFFFFFF  }
0xb8: {  	_ =	strace $0x90000048  }
0xb9: {  	_ =	sfence  }
0xba: {  	s30 =	sld [smem:$0x0];
	_ =	sdelay $0x2  }
0xbb: {  	s31 =	sshll.u32 s1, $0xD;
	s1 =	sshrl.u32 s1, $0x2  }
0xbc: {  	s3 =	sand.u32 $0x4000, s31;
	s1 =	sadd.s32 s1, s30  }
0xbd: {  	s0 =	sor.u32 s3, s0;
	s1 =	sshll.u32 s1, $0x11  }
0xbe: {  	s0 =	sor.u32 s1, s0  }
0xbf: {  	s0 =	sadd.s32 $0x8F2B, s0  }
0xc0: {  	[sflag:s0] =	ssyncadd.remote.s32 $0x1  }
0xc1: {  	_ =	sfence.sel $0xFFFF  }
0xc2: {  	[dreg:$0x0] =	wrdreg $0xFFFFFFFF;
	(pc) =	sbr.abs _section_cstart, $3  }
0xc3: {  	[dreg:$0x1] =	wrdreg $0xFFFFFFFF  }
0xc4: {  	_ =	task.clear_ibuf [dreg:s9], $0x2FFFF;
	_ =	strace $0x9FFFFFFF  }
0xc5: {  	(tm) =	ssettm $0x7FFFFFFF  }
tec
execute0_lowered:
.L_overlay_start_1:
0x0: {  	(tag) =	ssettag $0x1  }
0x1: {  	s1 =	rddreg [dreg:$0x0]  }
0x2: {  	s6 =	rddreg [dreg:$0x1]  }
0x3: {  	s4 =	rddreg [dreg:$0x2]  }
0x4: {  	s0 =	srdreg.scid;
	s2 =	stileid.u32;
	s5 =	simm.s32 $0x0  }
0x5: {  	s28 =	simm.s32 $0x8000;
	s29 =	simm.s32 $0x2;
	s30 =	simm.s32 $0xA000  }
0x6: {  	s31 =	simm.s32 $0x3;
	s12 =	simm.s32 $0x8;
	s9 =	simm.s32 $0x0  }
0x7: {  	s0 =	sand.u32 $0x1, s0;
	s2 =	sshll.u32 s2, $0x9;
	[smem:$0x7FF] =	sst s5  }
0x8: {  	s21 =	sadd.s32 $0x100000, s1;
	s22 =	sadd.s32 $0x200000, s1;
	s8 =	sadd.s32 $0x300000, s1  }
0x9: {  	s25 =	sadd.s32 $0x100000, s4;
	s26 =	sadd.s32 $0x200000, s4;
	s3 =	sshll.u32 s0, $0x8  }
0xa: {  	s0 =	ssub.s32 $0x2, s0;
	_ =	strace $0x80000047;
	s16 =	smov.u32 s21  }
0xb: {  	s10 =	smov.u32 s22;
	s17 =	smov.u32 s8;
	[dreg:$0x9] =	wrdreg s25  }
0xc: {  	[dreg:$0xa] =	wrdreg s26;
	s25 =	simm.s32 $0x11;
	s2 =	sor.u32 s3, s2  }
0xd: {  	s26 =	simm.s32 $0x1;
	s18 =	sshrl.u32 s0, $0x1;
	s7 =	sshll.u32 s2, $0x7  }
0xe: {  	s0 =	ssub.s32 s0, s18;
	s15 =	sshrl.u32 s2, $0x3;
	s19 =	sadd.s32 s6, s7  }
0xf: {  	s18 =	sadd.s32 $0x300000, s4;
	s20 =	sadd.s32 s1, s7;
	[dreg:$0x4] =	wrdreg s19  }
0x10: {  	s2 =	simm.s32 $0x4;
	s3 =	sadd.s32 s7, s21;
	[dreg:$0x5] =	wrdreg s20  }
0x11: {  	s23 =	sadd.s32 s7, s22;
	s11 =	smov.u32 s7;
	[dreg:$0x6] =	wrdreg s3  }
0x12: {  	s24 =	sadd.s32 s7, s8;
	s0 =	smax.u32 s0, $0x1;
	[dreg:$0x7] =	wrdreg s23  }
0x13: {  	s7 =	simm.s32 $0x6;
	s8 =	simm.s32 $0x7;
	[dreg:$0x8] =	wrdreg s24  }
0x14: {  	[dreg:$0xb] =	wrdreg s0;
	s0 =	simm.s32 $0xC000;
	s20 =	simm.s32 $0xE000  }
.LBB2_1:
0x15: {  	[dreg:$0xc] =	wrdreg s9  }
0x16: {  	s3 =	rddreg [dreg:$0x4];
	s6 =	simm.s32 $0x10000  }
0x17: {  	[tilespmem:s6], [sflag:$0x11] =	stream.linear.gather [hbm4b:s3+s5], $0x2000, $0x38;
	[tilespmem:$0x14000] =	vst v63  }
0x18: {  	s13 =	rddreg [dreg:$0x5]  }
0x19: {  	[tilespmem:s5], [sflag:$0x1] =	stream.linear.gather [hbm4b:s13+s5], $0x2000, $0x38;
	[tilespmem:$0x14000] =	vst v63  }
0x1a: {  	s14 =	rddreg [dreg:$0x6];
	s19 =	simm.s32 $0x2000  }
0x1b: {  	[tilespmem:s19], [sflag:$0x2] =	stream.linear.gather [hbm4b:s14+s5], $0x2000, $0x38;
	[tilespmem:$0x14000] =	vst v63  }
0x1c: {  	s21 =	rddreg [dreg:$0x7];
	s22 =	simm.s32 $0x4000  }
0x1d: {  	[tilespmem:s22], [sflag:$0x3] =	stream.linear.gather [hbm4b:s21+s5], $0x2000, $0x38;
	[tilespmem:$0x14000] =	vst v63  }
0x1e: {  	s23 =	rddreg [dreg:$0x8];
	s24 =	simm.s32 $0x6000;
	s19 =	simm.s32 $0x0  }
0x1f: {  	[tilespmem:s24], [sflag:$0x4] =	stream.linear.gather [hbm4b:s23+s5], $0x2000, $0x38;
	[tilespmem:$0x14000] =	vst v63  }
.LBB2_2:
0x20: {  	s22 =	sshll.u32 s19, $0x1  }
0x21: {  	s3 =	sor.u32 s22, s15  }
0x22: {  	s21 =	sshll.u32 s3, $0xA  }
0x23: {  	s14 =	rddreg [dreg:$0x1];
	s13 =	sor.u32 $0x400, s21  }
0x24: {  	s6 =	simm.s32 $0x12000;
	s3 =	sadd.s32 s14, s13  }
0x25: {  	[tilespmem:s6], [sflag:$0x12] =	stream.linear.gather [hbm4b:s3+s5], $0x2000, $0x38;
	[tilespmem:$0x14000] =	vst v63  }
0x26: {  	_ =	swait.ge [sflag:s25], $0x2000  }
0x27: {  	[sflag:s25] =	ssyncset.done $0x0  }
0x28: {  	[sflag:s25] =	ssyncadd.s32 $0xFFFFE000  }
0x29: {  	_ =	swait.ge [sflag:s26], $0x2000  }
0x2a: {  	p0 =	seq.s32 s19, $0x0;
	[sflag:s26] =	ssyncset.done $0x0  }
0x2b: {  	s3 =	simm.s32 @!p0 $0xD;
	[sflag:s26] =	ssyncadd.s32 $0xFFFFE000  }
0x2c: {  	_ =	swait.ge @!p0 [sflag:s3], $0x2000  }
0x2d: {  	s24 =	simm.s32 $0x0;
	[sflag:s3] =	ssyncset.done @!p0 $0x0  }
0x2e: {  	s23 =	sadd.s32 s1, s13;
	s14 =	simm.s32 $0x0;
	[sflag:s3] =	ssyncadd.s32 @!p0 $0xFFFFE000  }
0x2f: {  	[tilespmem:s28], [sflag:$0x5] =	stream.linear.gather [hbm4b:s23+s24], $0x2000, $0x38;
	[tilespmem:$0x14000] =	vst v63  }
0x30: {  	v0 =	vld [tilespmem:s14+$0x100F0]  }
0x31: {  	v1 =	vld [tilespmem:s14+$0x10000]  }
0x32: {  	v2 =	vld [tilespmem:s14+$0x10010]  }
0x33: {  	v3 =	vld [tilespmem:s14+$0x10020]  }
0x34: {  	v4 =	vld [tilespmem:s14+$0x10030]  }
0x35: {  	v5 =	vld [tilespmem:s14+$0x10040]  }
0x36: {  	v6 =	vld [tilespmem:s14+$0x10050]  }
0x37: {  	v7 =	vld [tilespmem:s14+$0x10060]  }
0x38: {  	v8 =	vld [tilespmem:s14+$0x10070]  }
0x39: {  	v9 =	vld [tilespmem:s14+$0x10080]  }
0x3a: {  	v10 =	vld [tilespmem:s14+$0x10090]  }
0x3b: {  	v11 =	vld [tilespmem:s14+$0x100A0]  }
0x3c: {  	v12 =	vld [tilespmem:s14+$0x100B0]  }
0x3d: {  	v13 =	vld [tilespmem:s14+$0x100C0]  }
0x3e: {  	v14 =	vld [tilespmem:s14+$0x100D0]  }
0x3f: {  	[tilespmem:s14+$0xF0] =	vst.add.f32.msk $0xffff, v0  }
0x40: {  	v0 =	vld [tilespmem:s14+$0x100E0]  }
0x41: {  	[tilespmem:s14+$0x0] =	vst.add.f32.msk $0xffff, v1  }
0x42: {  	[tilespmem:s14+$0x10] =	vst.add.f32.msk $0xffff, v2  }
0x43: {  	[tilespmem:s14+$0x20] =	vst.add.f32.msk $0xffff, v3  }
0x44: {  	[tilespmem:s14+$0x30] =	vst.add.f32.msk $0xffff, v4  }
0x45: {  	[tilespmem:s14+$0x40] =	vst.add.f32.msk $0xffff, v5  }
0x46: {  	[tilespmem:s14+$0x50] =	vst.add.f32.msk $0xffff, v6  }
0x47: {  	[tilespmem:s14+$0x60] =	vst.add.f32.msk $0xffff, v7  }
0x48: {  	[tilespmem:s14+$0x70] =	vst.add.f32.msk $0xffff, v8  }
0x49: {  	[tilespmem:s14+$0x80] =	vst.add.f32.msk $0xffff, v9  }
0x4a: {  	[tilespmem:s14+$0x90] =	vst.add.f32.msk $0xffff, v10  }
0x4b: {  	[tilespmem:s14+$0xA0] =	vst.add.f32.msk $0xffff, v11  }
0x4c: {  	[tilespmem:s14+$0xB0] =	vst.add.f32.msk $0xffff, v12  }
0x4d: {  	[tilespmem:s14+$0xC0] =	vst.add.f32.msk $0xffff, v13  }
0x4e: {  	s9 =	simm.s32 $0x400;
	s3 =	simm.s32 $0x0;
	[tilespmem:s14+$0xD0] =	vst.add.f32.msk $0xffff, v14  }
.LBB2_3:
0x4f: {  	s3 =	sadd.s32 $0x2, s3;
	[tilespmem:s14+$0xE0] =	vst.add.f32.msk $0xffff, v0;
	s14 =	sshra.s32 s9, $0x2  }
0x50: {  	v0 =	vld [tilespmem:s14+$0x100F0];
	p1 =	slt.u32 s3, $0x3E  }
0x51: {  	v1 =	vld [tilespmem:s14+$0x10000]  }
0x52: {  	v2 =	vld [tilespmem:s14+$0x10010]  }
0x53: {  	v3 =	vld [tilespmem:s14+$0x10020]  }
0x54: {  	v4 =	vld [tilespmem:s14+$0x10030]  }
0x55: {  	[tilespmem:s14+$0xF0] =	vst.add.f32.msk $0xffff, v0  }
0x56: {  	v5 =	vld [tilespmem:s14+$0x10040]  }
0x57: {  	v6 =	vld [tilespmem:s14+$0x10050]  }
0x58: {  	v7 =	vld [tilespmem:s14+$0x10060]  }
0x59: {  	v8 =	vld [tilespmem:s14+$0x10070]  }
0x5a: {  	v9 =	vld [tilespmem:s14+$0x10080]  }
0x5b: {  	v10 =	vld [tilespmem:s14+$0x10090]  }
0x5c: {  	v11 =	vld [tilespmem:s14+$0x100A0]  }
0x5d: {  	v12 =	vld [tilespmem:s14+$0x100B0]  }
0x5e: {  	v13 =	vld [tilespmem:s14+$0x100C0]  }
0x5f: {  	v14 =	vld [tilespmem:s14+$0x100D0]  }
0x60: {  	v0 =	vld [tilespmem:s14+$0x100E0]  }
0x61: {  	[tilespmem:s14+$0x0] =	vst.add.f32.msk $0xffff, v1  }
0x62: {  	[tilespmem:s14+$0x10] =	vst.add.f32.msk $0xffff, v2  }
0x63: {  	[tilespmem:s14+$0x20] =	vst.add.f32.msk $0xffff, v3  }
0x64: {  	[tilespmem:s14+$0x30] =	vst.add.f32.msk $0xffff, v4  }
0x65: {  	[tilespmem:s14+$0x40] =	vst.add.f32.msk $0xffff, v5  }
0x66: {  	[tilespmem:s14+$0x50] =	vst.add.f32.msk $0xffff, v6  }
0x67: {  	[tilespmem:s14+$0x60] =	vst.add.f32.msk $0xffff, v7  }
0x68: {  	[tilespmem:s14+$0x70] =	vst.add.f32.msk $0xffff, v8  }
0x69: {  	[tilespmem:s14+$0x80] =	vst.add.f32.msk $0xffff, v9  }
.Ltmp0:
0x6a: {  	[tilespmem:s14+$0x90] =	vst.add.f32.msk $0xffff, v10;
	(pc) =	sbr.rel @p1 .LBB2_3-.Ltmp0, $4  }
0x6b: {  	[tilespmem:s14+$0xA0] =	vst.add.f32.msk $0xffff, v11  }
0x6c: {  	[tilespmem:s14+$0xB0] =	vst.add.f32.msk $0xffff, v12  }
0x6d: {  	[tilespmem:s14+$0xC0] =	vst.add.f32.msk $0xffff, v13  }
0x6e: {  	s9 =	sadd.s32 $0x400, s9;
	[tilespmem:s14+$0xD0] =	vst.add.f32.msk $0xffff, v14  }
0x6f: {  	s3 =	sshll.u32 s19, $0xB  }
0x70: {  	s23 =	sadd.s32 s11, s3  }
0x71: {  	[tilespmem:s14+$0xE0] =	vst.add.f32.msk $0xffff, v0;
	s3 =	sadd.s32 s4, s23  }
0x72: {  	[hbm4b:s3+s5] =	stream.linear.scatter [tilespmem:s5], [sflag:$0x9], $0x2000, $0x38;
	[tilespmem:$0x14000] =	vst v63  }
0x73: {  	_ =	swait.ge [sflag:s29], $0x2000  }
0x74: {  	[sflag:s29] =	ssyncset.done $0x0  }
0x75: {  	s3 =	simm.s32 @!p0 $0xE;
	[sflag:s29] =	ssyncadd.s32 $0xFFFFE000  }
0x76: {  	_ =	swait.ge @!p0 [sflag:s3], $0x2000  }
0x77: {  	s14 =	sor.u32 $0x100400, s21;
	[sflag:s3] =	ssyncset.done @!p0 $0x0  }
0x78: {  	s6 =	simm.s32 $0x0;
	s24 =	sadd.s32 s1, s14;
	[sflag:s3] =	ssyncadd.s32 @!p0 $0xFFFFE000  }
0x79: {  	[tilespmem:s30], [sflag:$0x6] =	stream.linear.gather [hbm4b:s24+s6], $0x2000, $0x38;
	[tilespmem:$0x14000] =	vst v63  }
0x7a: {  	s24 =	simm.s32 $0x0  }
0x7b: {  	v0 =	vld [tilespmem:s24+$0x100F0]  }
0x7c: {  	v1 =	vld [tilespmem:s24+$0x10000]  }
0x7d: {  	v2 =	vld [tilespmem:s24+$0x10010]  }
0x7e: {  	v3 =	vld [tilespmem:s24+$0x10020]  }
0x7f: {  	v4 =	vld [tilespmem:s24+$0x10030]  }
0x80: {  	v5 =	vld [tilespmem:s24+$0x10040]  }
0x81: {  	v6 =	vld [tilespmem:s24+$0x10050]  }
0x82: {  	v7 =	vld [tilespmem:s24+$0x10060]  }
0x83: {  	v8 =	vld [tilespmem:s24+$0x10070]  }
0x84: {  	v9 =	vld [tilespmem:s24+$0x10080]  }
0x85: {  	v10 =	vld [tilespmem:s24+$0x10090]  }
0x86: {  	v11 =	vld [tilespmem:s24+$0x100A0]  }
0x87: {  	v12 =	vld [tilespmem:s24+$0x100B0]  }
0x88: {  	v13 =	vld [tilespmem:s24+$0x100C0]  }
0x89: {  	v14 =	vld [tilespmem:s24+$0x100D0]  }
0x8a: {  	[tilespmem:s24+$0x20F0] =	vst.add.f32.msk $0xffff, v0  }
0x8b: {  	v0 =	vld [tilespmem:s24+$0x100E0]  }
0x8c: {  	[tilespmem:s24+$0x2000] =	vst.add.f32.msk $0xffff, v1  }
0x8d: {  	[tilespmem:s24+$0x2010] =	vst.add.f32.msk $0xffff, v2  }
0x8e: {  	[tilespmem:s24+$0x2020] =	vst.add.f32.msk $0xffff, v3  }
0x8f: {  	[tilespmem:s24+$0x2030] =	vst.add.f32.msk $0xffff, v4  }
0x90: {  	[tilespmem:s24+$0x2040] =	vst.add.f32.msk $0xffff, v5  }
0x91: {  	[tilespmem:s24+$0x2050] =	vst.add.f32.msk $0xffff, v6  }
0x92: {  	[tilespmem:s24+$0x2060] =	vst.add.f32.msk $0xffff, v7  }
0x93: {  	[tilespmem:s24+$0x2070] =	vst.add.f32.msk $0xffff, v8  }
0x94: {  	[tilespmem:s24+$0x2080] =	vst.add.f32.msk $0xffff, v9  }
0x95: {  	[tilespmem:s24+$0x2090] =	vst.add.f32.msk $0xffff, v10  }
0x96: {  	[tilespmem:s24+$0x20A0] =	vst.add.f32.msk $0xffff, v11  }
0x97: {  	[tilespmem:s24+$0x20B0] =	vst.add.f32.msk $0xffff, v12  }
0x98: {  	[tilespmem:s24+$0x20C0] =	vst.add.f32.msk $0xffff, v13  }
0x99: {  	s9 =	simm.s32 $0x400;
	s3 =	simm.s32 $0x0;
	[tilespmem:s24+$0x20D0] =	vst.add.f32.msk $0xffff, v14  }
.LBB2_5:
0x9a: {  	s3 =	sadd.s32 $0x2, s3;
	[tilespmem:s24+$0x20E0] =	vst.add.f32.msk $0xffff, v0;
	s24 =	sshra.s32 s9, $0x2  }
0x9b: {  	v0 =	vld [tilespmem:s24+$0x100F0];
	p1 =	slt.u32 s3, $0x3E  }
0x9c: {  	v1 =	vld [tilespmem:s24+$0x10000]  }
0x9d: {  	v2 =	vld [tilespmem:s24+$0x10010]  }
0x9e: {  	v3 =	vld [tilespmem:s24+$0x10020]  }
0x9f: {  	v4 =	vld [tilespmem:s24+$0x10030]  }
0xa0: {  	[tilespmem:s24+$0x20F0] =	vst.add.f32.msk $0xffff, v0  }
0xa1: {  	v5 =	vld [tilespmem:s24+$0x10040]  }
0xa2: {  	v6 =	vld [tilespmem:s24+$0x10050]  }
0xa3: {  	v7 =	vld [tilespmem:s24+$0x10060]  }
0xa4: {  	v8 =	vld [tilespmem:s24+$0x10070]  }
0xa5: {  	v9 =	vld [tilespmem:s24+$0x10080]  }
0xa6: {  	v10 =	vld [tilespmem:s24+$0x10090]  }
0xa7: {  	v11 =	vld [tilespmem:s24+$0x100A0]  }
0xa8: {  	v12 =	vld [tilespmem:s24+$0x100B0]  }
0xa9: {  	v13 =	vld [tilespmem:s24+$0x100C0]  }
0xaa: {  	v14 =	vld [tilespmem:s24+$0x100D0]  }
0xab: {  	v0 =	vld [tilespmem:s24+$0x100E0]  }
0xac: {  	[tilespmem:s24+$0x2000] =	vst.add.f32.msk $0xffff, v1  }
0xad: {  	[tilespmem:s24+$0x2010] =	vst.add.f32.msk $0xffff, v2  }
0xae: {  	[tilespmem:s24+$0x2020] =	vst.add.f32.msk $0xffff, v3  }
0xaf: {  	[tilespmem:s24+$0x2030] =	vst.add.f32.msk $0xffff, v4  }
0xb0: {  	[tilespmem:s24+$0x2040] =	vst.add.f32.msk $0xffff, v5  }
0xb1: {  	[tilespmem:s24+$0x2050] =	vst.add.f32.msk $0xffff, v6  }
0xb2: {  	[tilespmem:s24+$0x2060] =	vst.add.f32.msk $0xffff, v7  }
0xb3: {  	[tilespmem:s24+$0x2070] =	vst.add.f32.msk $0xffff, v8  }
0xb4: {  	[tilespmem:s24+$0x2080] =	vst.add.f32.msk $0xffff, v9  }
.Ltmp1:
0xb5: {  	[tilespmem:s24+$0x2090] =	vst.add.f32.msk $0xffff, v10;
	(pc) =	sbr.rel @p1 .LBB2_5-.Ltmp1, $4  }
0xb6: {  	[tilespmem:s24+$0x20A0] =	vst.add.f32.msk $0xffff, v11  }
0xb7: {  	[tilespmem:s24+$0x20B0] =	vst.add.f32.msk $0xffff, v12  }
0xb8: {  	[tilespmem:s24+$0x20C0] =	vst.add.f32.msk $0xffff, v13  }
0xb9: {  	s9 =	sadd.s32 $0x400, s9;
	[tilespmem:s24+$0x20D0] =	vst.add.f32.msk $0xffff, v14  }
0xba: {  	s3 =	rddreg [dreg:$0x9]  }
0xbb: {  	[tilespmem:s24+$0x20E0] =	vst.add.f32.msk $0xffff, v0;
	s6 =	simm.s32 $0x2000;
	s3 =	sadd.s32 s23, s3  }
0xbc: {  	[hbm4b:s3+s5] =	stream.linear.scatter [tilespmem:s6], [sflag:$0xA], $0x2000, $0x38;
	[tilespmem:$0x14000] =	vst v63  }
0xbd: {  	_ =	swait.ge [sflag:s31], $0x2000  }
0xbe: {  	[sflag:s31] =	ssyncset.done $0x0  }
0xbf: {  	s3 =	simm.s32 @!p0 $0xF;
	[sflag:s31] =	ssyncadd.s32 $0xFFFFE000  }
0xc0: {  	_ =	swait.ge @!p0 [sflag:s3], $0x2000  }
0xc1: {  	s24 =	sor.u32 $0x200400, s21;
	s9 =	simm.s32 $0x0;
	[sflag:s3] =	ssyncset.done @!p0 $0x0  }
0xc2: {  	s6 =	sadd.s32 s1, s24;
	[sflag:s3] =	ssyncadd.s32 @!p0 $0xFFFFE000;
	s3 =	simm.s32 $0x0  }
0xc3: {  	[tilespmem:s0], [sflag:$0x7] =	stream.linear.gather [hbm4b:s6+s9], $0x2000, $0x38;
	[tilespmem:$0x14000] =	vst v63  }
0xc4: {  	v0 =	vld [tilespmem:s3+$0x100F0]  }
0xc5: {  	v1 =	vld [tilespmem:s3+$0x10000]  }
0xc6: {  	v2 =	vld [tilespmem:s3+$0x10010]  }
0xc7: {  	v3 =	vld [tilespmem:s3+$0x10020]  }
0xc8: {  	v4 =	vld [tilespmem:s3+$0x10030]  }
0xc9: {  	v5 =	vld [tilespmem:s3+$0x10040]  }
0xca: {  	v6 =	vld [tilespmem:s3+$0x10050]  }
0xcb: {  	v7 =	vld [tilespmem:s3+$0x10060]  }
0xcc: {  	v8 =	vld [tilespmem:s3+$0x10070]  }
0xcd: {  	v9 =	vld [tilespmem:s3+$0x10080]  }
0xce: {  	v10 =	vld [tilespmem:s3+$0x10090]  }
0xcf: {  	v11 =	vld [tilespmem:s3+$0x100A0]  }
0xd0: {  	v12 =	vld [tilespmem:s3+$0x100B0]  }
0xd1: {  	v13 =	vld [tilespmem:s3+$0x100C0]  }
0xd2: {  	v14 =	vld [tilespmem:s3+$0x100D0]  }
0xd3: {  	[tilespmem:s3+$0x40F0] =	vst.add.f32.msk $0xffff, v0  }
0xd4: {  	v0 =	vld [tilespmem:s3+$0x100E0]  }
0xd5: {  	[tilespmem:s3+$0x4000] =	vst.add.f32.msk $0xffff, v1  }
0xd6: {  	[tilespmem:s3+$0x4010] =	vst.add.f32.msk $0xffff, v2  }
0xd7: {  	[tilespmem:s3+$0x4020] =	vst.add.f32.msk $0xffff, v3  }
0xd8: {  	[tilespmem:s3+$0x4030] =	vst.add.f32.msk $0xffff, v4  }
0xd9: {  	[tilespmem:s3+$0x4040] =	vst.add.f32.msk $0xffff, v5  }
0xda: {  	[tilespmem:s3+$0x4050] =	vst.add.f32.msk $0xffff, v6  }
0xdb: {  	[tilespmem:s3+$0x4060] =	vst.add.f32.msk $0xffff, v7  }
0xdc: {  	[tilespmem:s3+$0x4070] =	vst.add.f32.msk $0xffff, v8  }
0xdd: {  	[tilespmem:s3+$0x4080] =	vst.add.f32.msk $0xffff, v9  }
0xde: {  	[tilespmem:s3+$0x4090] =	vst.add.f32.msk $0xffff, v10  }
0xdf: {  	[tilespmem:s3+$0x40A0] =	vst.add.f32.msk $0xffff, v11  }
0xe0: {  	[tilespmem:s3+$0x40B0] =	vst.add.f32.msk $0xffff, v12  }
0xe1: {  	[tilespmem:s3+$0x40C0] =	vst.add.f32.msk $0xffff, v13  }
0xe2: {  	s9 =	simm.s32 $0x0;
	s6 =	simm.s32 $0x400;
	[tilespmem:s3+$0x40D0] =	vst.add.f32.msk $0xffff, v14  }
.LBB2_7:
0xe3: {  	s9 =	sadd.s32 $0x2, s9;
	[tilespmem:s3+$0x40E0] =	vst.add.f32.msk $0xffff, v0;
	s3 =	sshra.s32 s6, $0x2  }
0xe4: {  	v0 =	vld [tilespmem:s3+$0x100F0];
	p1 =	slt.u32 s9, $0x3E  }
0xe5: {  	v1 =	vld [tilespmem:s3+$0x10000]  }
0xe6: {  	v2 =	vld [tilespmem:s3+$0x10010]  }
0xe7: {  	v3 =	vld [tilespmem:s3+$0x10020]  }
0xe8: {  	v4 =	vld [tilespmem:s3+$0x10030]  }
0xe9: {  	[tilespmem:s3+$0x40F0] =	vst.add.f32.msk $0xffff, v0  }
0xea: {  	v5 =	vld [tilespmem:s3+$0x10040]  }
0xeb: {  	v6 =	vld [tilespmem:s3+$0x10050]  }
0xec: {  	v7 =	vld [tilespmem:s3+$0x10060]  }
0xed: {  	v8 =	vld [tilespmem:s3+$0x10070]  }
0xee: {  	v9 =	vld [tilespmem:s3+$0x10080]  }
0xef: {  	v10 =	vld [tilespmem:s3+$0x10090]  }
0xf0: {  	v11 =	vld [tilespmem:s3+$0x100A0]  }
0xf1: {  	v12 =	vld [tilespmem:s3+$0x100B0]  }
0xf2: {  	v13 =	vld [tilespmem:s3+$0x100C0]  }
0xf3: {  	v14 =	vld [tilespmem:s3+$0x100D0]  }
0xf4: {  	v0 =	vld [tilespmem:s3+$0x100E0]  }
0xf5: {  	[tilespmem:s3+$0x4000] =	vst.add.f32.msk $0xffff, v1  }
0xf6: {  	[tilespmem:s3+$0x4010] =	vst.add.f32.msk $0xffff, v2  }
0xf7: {  	[tilespmem:s3+$0x4020] =	vst.add.f32.msk $0xffff, v3  }
0xf8: {  	[tilespmem:s3+$0x4030] =	vst.add.f32.msk $0xffff, v4  }
0xf9: {  	[tilespmem:s3+$0x4040] =	vst.add.f32.msk $0xffff, v5  }
0xfa: {  	[tilespmem:s3+$0x4050] =	vst.add.f32.msk $0xffff, v6  }
0xfb: {  	[tilespmem:s3+$0x4060] =	vst.add.f32.msk $0xffff, v7  }
0xfc: {  	[tilespmem:s3+$0x4070] =	vst.add.f32.msk $0xffff, v8  }
0xfd: {  	[tilespmem:s3+$0x4080] =	vst.add.f32.msk $0xffff, v9  }
.Ltmp2:
0xfe: {  	[tilespmem:s3+$0x4090] =	vst.add.f32.msk $0xffff, v10;
	(pc) =	sbr.rel @p1 .LBB2_7-.Ltmp2, $4  }
0xff: {  	[tilespmem:s3+$0x40A0] =	vst.add.f32.msk $0xffff, v11  }
0x100: {  	[tilespmem:s3+$0x40B0] =	vst.add.f32.msk $0xffff, v12  }
0x101: {  	[tilespmem:s3+$0x40C0] =	vst.add.f32.msk $0xffff, v13  }
0x102: {  	s6 =	sadd.s32 $0x400, s6;
	[tilespmem:s3+$0x40D0] =	vst.add.f32.msk $0xffff, v14  }
0x103: {  	s9 =	rddreg [dreg:$0xa]  }
0x104: {  	[tilespmem:s3+$0x40E0] =	vst.add.f32.msk $0xffff, v0;
	s6 =	simm.s32 $0x4000;
	s3 =	sadd.s32 s23, s9  }
0x105: {  	[hbm4b:s3+s5] =	stream.linear.scatter [tilespmem:s6], [sflag:$0xB], $0x2000, $0x38;
	[tilespmem:$0x14000] =	vst v63  }
0x106: {  	_ =	swait.ge [sflag:s2], $0x2000  }
0x107: {  	[sflag:s2] =	ssyncset.done $0x0  }
0x108: {  	s3 =	simm.s32 @!p0 $0x10;
	[sflag:s2] =	ssyncadd.s32 $0xFFFFE000  }
0x109: {  	_ =	swait.ge @!p0 [sflag:s3], $0x2000  }
0x10a: {  	s21 =	sor.u32 $0x300400, s21;
	s9 =	simm.s32 $0x0;
	[sflag:s3] =	ssyncset.done @!p0 $0x0  }
0x10b: {  	s6 =	sadd.s32 s1, s21;
	[sflag:s3] =	ssyncadd.s32 @!p0 $0xFFFFE000;
	s3 =	simm.s32 $0x0  }
0x10c: {  	[tilespmem:s20], [sflag:$0x8] =	stream.linear.gather [hbm4b:s6+s9], $0x2000, $0x38;
	[tilespmem:$0x14000] =	vst v63  }
0x10d: {  	v0 =	vld [tilespmem:s3+$0x100F0]  }
0x10e: {  	v1 =	vld [tilespmem:s3+$0x10000]  }
0x10f: {  	v2 =	vld [tilespmem:s3+$0x10010]  }
0x110: {  	v3 =	vld [tilespmem:s3+$0x10020]  }
0x111: {  	v4 =	vld [tilespmem:s3+$0x10030]  }
0x112: {  	v5 =	vld [tilespmem:s3+$0x10040]  }
0x113: {  	v6 =	vld [tilespmem:s3+$0x10050]  }
0x114: {  	v7 =	vld [tilespmem:s3+$0x10060]  }
0x115: {  	v8 =	vld [tilespmem:s3+$0x10070]  }
0x116: {  	v9 =	vld [tilespmem:s3+$0x10080]  }
0x117: {  	v10 =	vld [tilespmem:s3+$0x10090]  }
0x118: {  	v11 =	vld [tilespmem:s3+$0x100A0]  }
0x119: {  	v12 =	vld [tilespmem:s3+$0x100B0]  }
0x11a: {  	v13 =	vld [tilespmem:s3+$0x100C0]  }
0x11b: {  	v14 =	vld [tilespmem:s3+$0x100D0]  }
0x11c: {  	[tilespmem:s3+$0x60F0] =	vst.add.f32.msk $0xffff, v0  }
0x11d: {  	v0 =	vld [tilespmem:s3+$0x100E0]  }
0x11e: {  	[tilespmem:s3+$0x6000] =	vst.add.f32.msk $0xffff, v1  }
0x11f: {  	[tilespmem:s3+$0x6010] =	vst.add.f32.msk $0xffff, v2  }
0x120: {  	[tilespmem:s3+$0x6020] =	vst.add.f32.msk $0xffff, v3  }
0x121: {  	[tilespmem:s3+$0x6030] =	vst.add.f32.msk $0xffff, v4  }
0x122: {  	[tilespmem:s3+$0x6040] =	vst.add.f32.msk $0xffff, v5  }
0x123: {  	[tilespmem:s3+$0x6050] =	vst.add.f32.msk $0xffff, v6  }
0x124: {  	[tilespmem:s3+$0x6060] =	vst.add.f32.msk $0xffff, v7  }
0x125: {  	[tilespmem:s3+$0x6070] =	vst.add.f32.msk $0xffff, v8  }
0x126: {  	[tilespmem:s3+$0x6080] =	vst.add.f32.msk $0xffff, v9  }
0x127: {  	[tilespmem:s3+$0x6090] =	vst.add.f32.msk $0xffff, v10  }
0x128: {  	[tilespmem:s3+$0x60A0] =	vst.add.f32.msk $0xffff, v11  }
0x129: {  	[tilespmem:s3+$0x60B0] =	vst.add.f32.msk $0xffff, v12  }
0x12a: {  	[tilespmem:s3+$0x60C0] =	vst.add.f32.msk $0xffff, v13  }
0x12b: {  	s9 =	simm.s32 $0x0;
	s6 =	simm.s32 $0x400;
	[tilespmem:s3+$0x60D0] =	vst.add.f32.msk $0xffff, v14  }
.LBB2_9:
0x12c: {  	s9 =	sadd.s32 $0x2, s9;
	[tilespmem:s3+$0x60E0] =	vst.add.f32.msk $0xffff, v0;
	s3 =	sshra.s32 s6, $0x2  }
0x12d: {  	v0 =	vld [tilespmem:s3+$0x100F0];
	p0 =	slt.u32 s9, $0x3E  }
0x12e: {  	v1 =	vld [tilespmem:s3+$0x10000]  }
0x12f: {  	v2 =	vld [tilespmem:s3+$0x10010]  }
0x130: {  	v3 =	vld [tilespmem:s3+$0x10020]  }
0x131: {  	v4 =	vld [tilespmem:s3+$0x10030]  }
0x132: {  	[tilespmem:s3+$0x60F0] =	vst.add.f32.msk $0xffff, v0  }
0x133: {  	v5 =	vld [tilespmem:s3+$0x10040]  }
0x134: {  	v6 =	vld [tilespmem:s3+$0x10050]  }
0x135: {  	v7 =	vld [tilespmem:s3+$0x10060]  }
0x136: {  	v8 =	vld [tilespmem:s3+$0x10070]  }
0x137: {  	v9 =	vld [tilespmem:s3+$0x10080]  }
0x138: {  	v10 =	vld [tilespmem:s3+$0x10090]  }
0x139: {  	v11 =	vld [tilespmem:s3+$0x100A0]  }
0x13a: {  	v12 =	vld [tilespmem:s3+$0x100B0]  }
0x13b: {  	v13 =	vld [tilespmem:s3+$0x100C0]  }
0x13c: {  	v14 =	vld [tilespmem:s3+$0x100D0]  }
0x13d: {  	v0 =	vld [tilespmem:s3+$0x100E0]  }
0x13e: {  	[tilespmem:s3+$0x6000] =	vst.add.f32.msk $0xffff, v1  }
0x13f: {  	[tilespmem:s3+$0x6010] =	vst.add.f32.msk $0xffff, v2  }
0x140: {  	[tilespmem:s3+$0x6020] =	vst.add.f32.msk $0xffff, v3  }
0x141: {  	[tilespmem:s3+$0x6030] =	vst.add.f32.msk $0xffff, v4  }
0x142: {  	[tilespmem:s3+$0x6040] =	vst.add.f32.msk $0xffff, v5  }
0x143: {  	[tilespmem:s3+$0x6050] =	vst.add.f32.msk $0xffff, v6  }
0x144: {  	[tilespmem:s3+$0x6060] =	vst.add.f32.msk $0xffff, v7  }
0x145: {  	[tilespmem:s3+$0x6070] =	vst.add.f32.msk $0xffff, v8  }
0x146: {  	[tilespmem:s3+$0x6080] =	vst.add.f32.msk $0xffff, v9  }
.Ltmp3:
0x147: {  	[tilespmem:s3+$0x6090] =	vst.add.f32.msk $0xffff, v10;
	(pc) =	sbr.rel @p0 .LBB2_9-.Ltmp3, $4  }
0x148: {  	[tilespmem:s3+$0x60A0] =	vst.add.f32.msk $0xffff, v11  }
0x149: {  	[tilespmem:s3+$0x60B0] =	vst.add.f32.msk $0xffff, v12  }
0x14a: {  	[tilespmem:s3+$0x60C0] =	vst.add.f32.msk $0xffff, v13  }
0x14b: {  	s6 =	sadd.s32 $0x400, s6;
	[tilespmem:s3+$0x60D0] =	vst.add.f32.msk $0xffff, v14  }
0x14c: {  	[tilespmem:s3+$0x60E0] =	vst.add.f32.msk $0xffff, v0;
	s23 =	sadd.s32 s23, s18;
	s6 =	simm.s32 $0x6000;
	p0 =	seq.s32 s19, $0xF  }
0x14d: {  	[hbm4b:s23+s5] =	stream.linear.scatter [tilespmem:s6], [sflag:$0xC], $0x2000, $0x38;
	[tilespmem:$0x14000] =	vst v63  }
0x14e: {  	s3 =	simm.s32 @p0 $0x12  }
0x14f: {  	_ =	swait.ge @p0 [sflag:s3], $0x2000  }
0x150: {  	[sflag:s3] =	ssyncset.done @p0 $0x0  }
0x151: {  	[sflag:s3] =	ssyncadd.s32 @p0 $0xFFFFE000;
	s3 =	simm.s32 @p0 $0x5  }
0x152: {  	s6 =	sadd.s32 $0x2, s22;
	_ =	swait.ge @p0 [sflag:s3], $0x2000  }
0x153: {  	s6 =	sadd.s32 @!p0 s15, s6;
	[sflag:s3] =	ssyncset.done @p0 $0x0  }
0x154: {  	s22 =	sshll.u32 @!p0 s6, $0xA;
	[sflag:s3] =	ssyncadd.s32 @p0 $0xFFFFE000  }
0x155: {  	s3 =	sand.u32 @!p0 $0x1FFFF800, s22;
	s6 =	rddreg [dreg:$0x1]  }
0x156: {  	s9 =	simm.s32 @!p0 $0x0;
	s23 =	simm.s32 @!p0 $0x10000;
	s6 =	sadd.s32 @!p0 s6, s3  }
0x157: {  	[tilespmem:s23], [sflag:$0x11] =	stream.linear.gather @!p0 [hbm4b:s6+s9], $0x2000, $0x38;
	[tilespmem:$0x14000] =	vst v63  }
0x158: {  	s6 =	simm.s32 @!p0 $0x12  }
0x159: {  	_ =	swait.ge @!p0 [sflag:s6], $0x2000  }
0x15a: {  	[sflag:s6] =	ssyncset.done @!p0 $0x0  }
0x15b: {  	[sflag:s6] =	ssyncadd.s32 @!p0 $0xFFFFE000;
	s6 =	simm.s32 @!p0 $0x5  }
0x15c: {  	_ =	swait.ge @!p0 [sflag:s6], $0x2000  }
0x15d: {  	[sflag:s6] =	ssyncset.done @!p0 $0x0  }
0x15e: {  	[sflag:s6] =	ssyncadd.s32 @!p0 $0xFFFFE000;
	s6 =	simm.s32 @!p0 $0x9  }
0x15f: {  	_ =	swait.ge @!p0 [sflag:s6], $0x2000  }
0x160: {  	[sflag:s6] =	ssyncset.done @!p0 $0x0  }
0x161: {  	s3 =	sadd.s32 @!p0 s1, s3;
	[sflag:s6] =	ssyncadd.s32 @!p0 $0xFFFFE000  }
0x162: {  	[tilespmem:s9], [sflag:$0x1] =	stream.linear.gather @!p0 [hbm4b:s3+s9], $0x2000, $0x38;
	[tilespmem:$0x14000] =	vst v63  }
0x163: {  	s3 =	simm.s32 $0x0  }
0x164: {  	v0 =	vld [tilespmem:s3+$0x120F0]  }
0x165: {  	v1 =	vld [tilespmem:s3+$0x12000]  }
0x166: {  	v2 =	vld [tilespmem:s3+$0x12010]  }
0x167: {  	v3 =	vld [tilespmem:s3+$0x12020]  }
0x168: {  	v4 =	vld [tilespmem:s3+$0x12030]  }
0x169: {  	v5 =	vld [tilespmem:s3+$0x12040]  }
0x16a: {  	v6 =	vld [tilespmem:s3+$0x12050]  }
0x16b: {  	v7 =	vld [tilespmem:s3+$0x12060]  }
0x16c: {  	v8 =	vld [tilespmem:s3+$0x12070]  }
0x16d: {  	v9 =	vld [tilespmem:s3+$0x12080]  }
0x16e: {  	v10 =	vld [tilespmem:s3+$0x12090]  }
0x16f: {  	v11 =	vld [tilespmem:s3+$0x120A0]  }
0x170: {  	v12 =	vld [tilespmem:s3+$0x120B0]  }
0x171: {  	v13 =	vld [tilespmem:s3+$0x120C0]  }
0x172: {  	v14 =	vld [tilespmem:s3+$0x120D0]  }
0x173: {  	[tilespmem:s3+$0x80F0] =	vst.add.f32.msk $0xffff, v0  }
0x174: {  	v0 =	vld [tilespmem:s3+$0x120E0]  }
0x175: {  	[tilespmem:s3+$0x8000] =	vst.add.f32.msk $0xffff, v1  }
0x176: {  	[tilespmem:s3+$0x8010] =	vst.add.f32.msk $0xffff, v2  }
0x177: {  	[tilespmem:s3+$0x8020] =	vst.add.f32.msk $0xffff, v3  }
0x178: {  	[tilespmem:s3+$0x8030] =	vst.add.f32.msk $0xffff, v4  }
0x179: {  	[tilespmem:s3+$0x8040] =	vst.add.f32.msk $0xffff, v5  }
0x17a: {  	[tilespmem:s3+$0x8050] =	vst.add.f32.msk $0xffff, v6  }
0x17b: {  	[tilespmem:s3+$0x8060] =	vst.add.f32.msk $0xffff, v7  }
0x17c: {  	[tilespmem:s3+$0x8070] =	vst.add.f32.msk $0xffff, v8  }
0x17d: {  	[tilespmem:s3+$0x8080] =	vst.add.f32.msk $0xffff, v9  }
0x17e: {  	[tilespmem:s3+$0x8090] =	vst.add.f32.msk $0xffff, v10  }
0x17f: {  	[tilespmem:s3+$0x80A0] =	vst.add.f32.msk $0xffff, v11  }
0x180: {  	[tilespmem:s3+$0x80B0] =	vst.add.f32.msk $0xffff, v12  }
0x181: {  	[tilespmem:s3+$0x80C0] =	vst.add.f32.msk $0xffff, v13  }
0x182: {  	s6 =	simm.s32 $0x400;
	s9 =	simm.s32 $0x0;
	[tilespmem:s3+$0x80D0] =	vst.add.f32.msk $0xffff, v14  }
.LBB2_11:
0x183: {  	s9 =	sadd.s32 $0x2, s9;
	[tilespmem:s3+$0x80E0] =	vst.add.f32.msk $0xffff, v0;
	s3 =	sshra.s32 s6, $0x2  }
0x184: {  	v0 =	vld [tilespmem:s3+$0x120F0];
	p1 =	slt.u32 s9, $0x3E  }
0x185: {  	v1 =	vld [tilespmem:s3+$0x12000]  }
0x186: {  	v2 =	vld [tilespmem:s3+$0x12010]  }
0x187: {  	v3 =	vld [tilespmem:s3+$0x12020]  }
0x188: {  	v4 =	vld [tilespmem:s3+$0x12030]  }
0x189: {  	[tilespmem:s3+$0x80F0] =	vst.add.f32.msk $0xffff, v0  }
0x18a: {  	v5 =	vld [tilespmem:s3+$0x12040]  }
0x18b: {  	v6 =	vld [tilespmem:s3+$0x12050]  }
0x18c: {  	v7 =	vld [tilespmem:s3+$0x12060]  }
0x18d: {  	v8 =	vld [tilespmem:s3+$0x12070]  }
0x18e: {  	v9 =	vld [tilespmem:s3+$0x12080]  }
0x18f: {  	v10 =	vld [tilespmem:s3+$0x12090]  }
0x190: {  	v11 =	vld [tilespmem:s3+$0x120A0]  }
0x191: {  	v12 =	vld [tilespmem:s3+$0x120B0]  }
0x192: {  	v13 =	vld [tilespmem:s3+$0x120C0]  }
0x193: {  	v14 =	vld [tilespmem:s3+$0x120D0]  }
0x194: {  	v0 =	vld [tilespmem:s3+$0x120E0]  }
0x195: {  	[tilespmem:s3+$0x8000] =	vst.add.f32.msk $0xffff, v1  }
0x196: {  	[tilespmem:s3+$0x8010] =	vst.add.f32.msk $0xffff, v2  }
0x197: {  	[tilespmem:s3+$0x8020] =	vst.add.f32.msk $0xffff, v3  }
0x198: {  	[tilespmem:s3+$0x8030] =	vst.add.f32.msk $0xffff, v4  }
0x199: {  	[tilespmem:s3+$0x8040] =	vst.add.f32.msk $0xffff, v5  }
0x19a: {  	[tilespmem:s3+$0x8050] =	vst.add.f32.msk $0xffff, v6  }
0x19b: {  	[tilespmem:s3+$0x8060] =	vst.add.f32.msk $0xffff, v7  }
0x19c: {  	[tilespmem:s3+$0x8070] =	vst.add.f32.msk $0xffff, v8  }
0x19d: {  	[tilespmem:s3+$0x8080] =	vst.add.f32.msk $0xffff, v9  }
.Ltmp4:
0x19e: {  	[tilespmem:s3+$0x8090] =	vst.add.f32.msk $0xffff, v10;
	(pc) =	sbr.rel @p1 .LBB2_11-.Ltmp4, $4  }
0x19f: {  	[tilespmem:s3+$0x80A0] =	vst.add.f32.msk $0xffff, v11  }
0x1a0: {  	[tilespmem:s3+$0x80B0] =	vst.add.f32.msk $0xffff, v12  }
0x1a1: {  	[tilespmem:s3+$0x80C0] =	vst.add.f32.msk $0xffff, v13  }
0x1a2: {  	s6 =	sadd.s32 $0x400, s6;
	[tilespmem:s3+$0x80D0] =	vst.add.f32.msk $0xffff, v14  }
0x1a3: {  	[tilespmem:s3+$0x80E0] =	vst.add.f32.msk $0xffff, v0;
	s23 =	sadd.s32 s4, s13  }
0x1a4: {  	[hbm4b:s23+s5] =	stream.linear.scatter [tilespmem:s28], [sflag:$0xD], $0x2000, $0x38;
	[tilespmem:$0x14000] =	vst v63  }
0x1a5: {  	_ =	swait.ge [sflag:s7], $0x2000  }
0x1a6: {  	[sflag:s7] =	ssyncset.done $0x0  }
0x1a7: {  	s3 =	simm.s32 @!p0 $0xA;
	[sflag:s7] =	ssyncadd.s32 $0xFFFFE000  }
0x1a8: {  	_ =	swait.ge @!p0 [sflag:s3], $0x2000  }
0x1a9: {  	s6 =	simm.s32 @!p0 $0x0;
	[sflag:s3] =	ssyncset.done @!p0 $0x0  }
0x1aa: {  	s9 =	simm.s32 @!p0 $0x2000;
	[sflag:s3] =	ssyncadd.s32 @!p0 $0xFFFFE000;
	s3 =	sadd.s32 @!p0 s22, s16  }
0x1ab: {  	[tilespmem:s9], [sflag:$0x2] =	stream.linear.gather @!p0 [hbm4b:s3+s6], $0x2000, $0x38;
	[tilespmem:$0x14000] =	vst v63  }
0x1ac: {  	s3 =	simm.s32 $0x0  }
0x1ad: {  	v0 =	vld [tilespmem:s3+$0x120F0]  }
0x1ae: {  	v1 =	vld [tilespmem:s3+$0x12000]  }
0x1af: {  	v2 =	vld [tilespmem:s3+$0x12010]  }
0x1b0: {  	v3 =	vld [tilespmem:s3+$0x12020]  }
0x1b1: {  	v4 =	vld [tilespmem:s3+$0x12030]  }
0x1b2: {  	v5 =	vld [tilespmem:s3+$0x12040]  }
0x1b3: {  	v6 =	vld [tilespmem:s3+$0x12050]  }
0x1b4: {  	v7 =	vld [tilespmem:s3+$0x12060]  }
0x1b5: {  	v8 =	vld [tilespmem:s3+$0x12070]  }
0x1b6: {  	v9 =	vld [tilespmem:s3+$0x12080]  }
0x1b7: {  	v10 =	vld [tilespmem:s3+$0x12090]  }
0x1b8: {  	v11 =	vld [tilespmem:s3+$0x120A0]  }
0x1b9: {  	v12 =	vld [tilespmem:s3+$0x120B0]  }
0x1ba: {  	v13 =	vld [tilespmem:s3+$0x120C0]  }
0x1bb: {  	v14 =	vld [tilespmem:s3+$0x120D0]  }
0x1bc: {  	[tilespmem:s3+$0xA0F0] =	vst.add.f32.msk $0xffff, v0  }
0x1bd: {  	v0 =	vld [tilespmem:s3+$0x120E0]  }
0x1be: {  	[tilespmem:s3+$0xA000] =	vst.add.f32.msk $0xffff, v1  }
0x1bf: {  	[tilespmem:s3+$0xA010] =	vst.add.f32.msk $0xffff, v2  }
0x1c0: {  	[tilespmem:s3+$0xA020] =	vst.add.f32.msk $0xffff, v3  }
0x1c1: {  	[tilespmem:s3+$0xA030] =	vst.add.f32.msk $0xffff, v4  }
0x1c2: {  	[tilespmem:s3+$0xA040] =	vst.add.f32.msk $0xffff, v5  }
0x1c3: {  	[tilespmem:s3+$0xA050] =	vst.add.f32.msk $0xffff, v6  }
0x1c4: {  	[tilespmem:s3+$0xA060] =	vst.add.f32.msk $0xffff, v7  }
0x1c5: {  	[tilespmem:s3+$0xA070] =	vst.add.f32.msk $0xffff, v8  }
0x1c6: {  	[tilespmem:s3+$0xA080] =	vst.add.f32.msk $0xffff, v9  }
0x1c7: {  	[tilespmem:s3+$0xA090] =	vst.add.f32.msk $0xffff, v10  }
0x1c8: {  	[tilespmem:s3+$0xA0A0] =	vst.add.f32.msk $0xffff, v11  }
0x1c9: {  	[tilespmem:s3+$0xA0B0] =	vst.add.f32.msk $0xffff, v12  }
0x1ca: {  	[tilespmem:s3+$0xA0C0] =	vst.add.f32.msk $0xffff, v13  }
0x1cb: {  	s9 =	simm.s32 $0x0;
	s6 =	simm.s32 $0x400;
	[tilespmem:s3+$0xA0D0] =	vst.add.f32.msk $0xffff, v14  }
.LBB2_13:
0x1cc: {  	s9 =	sadd.s32 $0x2, s9;
	[tilespmem:s3+$0xA0E0] =	vst.add.f32.msk $0xffff, v0;
	s3 =	sshra.s32 s6, $0x2  }
0x1cd: {  	v0 =	vld [tilespmem:s3+$0x120F0];
	p1 =	slt.u32 s9, $0x3E  }
0x1ce: {  	v1 =	vld [tilespmem:s3+$0x12000]  }
0x1cf: {  	v2 =	vld [tilespmem:s3+$0x12010]  }
0x1d0: {  	v3 =	vld [tilespmem:s3+$0x12020]  }
0x1d1: {  	v4 =	vld [tilespmem:s3+$0x12030]  }
0x1d2: {  	[tilespmem:s3+$0xA0F0] =	vst.add.f32.msk $0xffff, v0  }
0x1d3: {  	v5 =	vld [tilespmem:s3+$0x12040]  }
0x1d4: {  	v6 =	vld [tilespmem:s3+$0x12050]  }
0x1d5: {  	v7 =	vld [tilespmem:s3+$0x12060]  }
0x1d6: {  	v8 =	vld [tilespmem:s3+$0x12070]  }
0x1d7: {  	v9 =	vld [tilespmem:s3+$0x12080]  }
0x1d8: {  	v10 =	vld [tilespmem:s3+$0x12090]  }
0x1d9: {  	v11 =	vld [tilespmem:s3+$0x120A0]  }
0x1da: {  	v12 =	vld [tilespmem:s3+$0x120B0]  }
0x1db: {  	v13 =	vld [tilespmem:s3+$0x120C0]  }
0x1dc: {  	v14 =	vld [tilespmem:s3+$0x120D0]  }
0x1dd: {  	v0 =	vld [tilespmem:s3+$0x120E0]  }
0x1de: {  	[tilespmem:s3+$0xA000] =	vst.add.f32.msk $0xffff, v1  }
0x1df: {  	[tilespmem:s3+$0xA010] =	vst.add.f32.msk $0xffff, v2  }
0x1e0: {  	[tilespmem:s3+$0xA020] =	vst.add.f32.msk $0xffff, v3  }
0x1e1: {  	[tilespmem:s3+$0xA030] =	vst.add.f32.msk $0xffff, v4  }
0x1e2: {  	[tilespmem:s3+$0xA040] =	vst.add.f32.msk $0xffff, v5  }
0x1e3: {  	[tilespmem:s3+$0xA050] =	vst.add.f32.msk $0xffff, v6  }
0x1e4: {  	[tilespmem:s3+$0xA060] =	vst.add.f32.msk $0xffff, v7  }
0x1e5: {  	[tilespmem:s3+$0xA070] =	vst.add.f32.msk $0xffff, v8  }
0x1e6: {  	[tilespmem:s3+$0xA080] =	vst.add.f32.msk $0xffff, v9  }
.Ltmp5:
0x1e7: {  	[tilespmem:s3+$0xA090] =	vst.add.f32.msk $0xffff, v10;
	(pc) =	sbr.rel @p1 .LBB2_13-.Ltmp5, $4  }
0x1e8: {  	[tilespmem:s3+$0xA0A0] =	vst.add.f32.msk $0xffff, v11  }
0x1e9: {  	[tilespmem:s3+$0xA0B0] =	vst.add.f32.msk $0xffff, v12  }
0x1ea: {  	[tilespmem:s3+$0xA0C0] =	vst.add.f32.msk $0xffff, v13  }
0x1eb: {  	s6 =	sadd.s32 $0x400, s6;
	[tilespmem:s3+$0xA0D0] =	vst.add.f32.msk $0xffff, v14  }
0x1ec: {  	[tilespmem:s3+$0xA0E0] =	vst.add.f32.msk $0xffff, v0;
	s23 =	sadd.s32 s4, s14  }
0x1ed: {  	[hbm4b:s23+s5] =	stream.linear.scatter [tilespmem:s30], [sflag:$0xE], $0x2000, $0x38;
	[tilespmem:$0x14000] =	vst v63  }
0x1ee: {  	_ =	swait.ge [sflag:s8], $0x2000  }
0x1ef: {  	[sflag:s8] =	ssyncset.done $0x0  }
0x1f0: {  	s3 =	simm.s32 @!p0 $0xB;
	[sflag:s8] =	ssyncadd.s32 $0xFFFFE000  }
0x1f1: {  	_ =	swait.ge @!p0 [sflag:s3], $0x2000  }
0x1f2: {  	s6 =	simm.s32 @!p0 $0x0;
	[sflag:s3] =	ssyncset.done @!p0 $0x0  }
0x1f3: {  	s9 =	simm.s32 @!p0 $0x4000;
	[sflag:s3] =	ssyncadd.s32 @!p0 $0xFFFFE000;
	s3 =	sadd.s32 @!p0 s22, s10  }
0x1f4: {  	[tilespmem:s9], [sflag:$0x3] =	stream.linear.gather @!p0 [hbm4b:s3+s6], $0x2000, $0x38;
	[tilespmem:$0x14000] =	vst v63  }
0x1f5: {  	s3 =	simm.s32 $0x0  }
0x1f6: {  	v0 =	vld [tilespmem:s3+$0x120F0]  }
0x1f7: {  	v1 =	vld [tilespmem:s3+$0x12000]  }
0x1f8: {  	v2 =	vld [tilespmem:s3+$0x12010]  }
0x1f9: {  	v3 =	vld [tilespmem:s3+$0x12020]  }
0x1fa: {  	v4 =	vld [tilespmem:s3+$0x12030]  }
0x1fb: {  	v5 =	vld [tilespmem:s3+$0x12040]  }
0x1fc: {  	v6 =	vld [tilespmem:s3+$0x12050]  }
0x1fd: {  	v7 =	vld [tilespmem:s3+$0x12060]  }
0x1fe: {  	v8 =	vld [tilespmem:s3+$0x12070]  }
0x1ff: {  	v9 =	vld [tilespmem:s3+$0x12080]  }
0x200: {  	v10 =	vld [tilespmem:s3+$0x12090]  }
0x201: {  	v11 =	vld [tilespmem:s3+$0x120A0]  }
0x202: {  	v12 =	vld [tilespmem:s3+$0x120B0]  }
0x203: {  	v13 =	vld [tilespmem:s3+$0x120C0]  }
0x204: {  	v14 =	vld [tilespmem:s3+$0x120D0]  }
0x205: {  	[tilespmem:s3+$0xC0F0] =	vst.add.f32.msk $0xffff, v0  }
0x206: {  	v0 =	vld [tilespmem:s3+$0x120E0]  }
0x207: {  	[tilespmem:s3+$0xC000] =	vst.add.f32.msk $0xffff, v1  }
0x208: {  	[tilespmem:s3+$0xC010] =	vst.add.f32.msk $0xffff, v2  }
0x209: {  	[tilespmem:s3+$0xC020] =	vst.add.f32.msk $0xffff, v3  }
0x20a: {  	[tilespmem:s3+$0xC030] =	vst.add.f32.msk $0xffff, v4  }
0x20b: {  	[tilespmem:s3+$0xC040] =	vst.add.f32.msk $0xffff, v5  }
0x20c: {  	[tilespmem:s3+$0xC050] =	vst.add.f32.msk $0xffff, v6  }
0x20d: {  	[tilespmem:s3+$0xC060] =	vst.add.f32.msk $0xffff, v7  }
0x20e: {  	[tilespmem:s3+$0xC070] =	vst.add.f32.msk $0xffff, v8  }
0x20f: {  	[tilespmem:s3+$0xC080] =	vst.add.f32.msk $0xffff, v9  }
0x210: {  	[tilespmem:s3+$0xC090] =	vst.add.f32.msk $0xffff, v10  }
0x211: {  	[tilespmem:s3+$0xC0A0] =	vst.add.f32.msk $0xffff, v11  }
0x212: {  	[tilespmem:s3+$0xC0B0] =	vst.add.f32.msk $0xffff, v12  }
0x213: {  	[tilespmem:s3+$0xC0C0] =	vst.add.f32.msk $0xffff, v13  }
0x214: {  	s9 =	simm.s32 $0x0;
	s6 =	simm.s32 $0x400;
	[tilespmem:s3+$0xC0D0] =	vst.add.f32.msk $0xffff, v14  }
.LBB2_15:
0x215: {  	s9 =	sadd.s32 $0x2, s9;
	[tilespmem:s3+$0xC0E0] =	vst.add.f32.msk $0xffff, v0;
	s3 =	sshra.s32 s6, $0x2  }
0x216: {  	v0 =	vld [tilespmem:s3+$0x120F0];
	p1 =	slt.u32 s9, $0x3E  }
0x217: {  	v1 =	vld [tilespmem:s3+$0x12000]  }
0x218: {  	v2 =	vld [tilespmem:s3+$0x12010]  }
0x219: {  	v3 =	vld [tilespmem:s3+$0x12020]  }
0x21a: {  	v4 =	vld [tilespmem:s3+$0x12030]  }
0x21b: {  	[tilespmem:s3+$0xC0F0] =	vst.add.f32.msk $0xffff, v0  }
0x21c: {  	v5 =	vld [tilespmem:s3+$0x12040]  }
0x21d: {  	v6 =	vld [tilespmem:s3+$0x12050]  }
0x21e: {  	v7 =	vld [tilespmem:s3+$0x12060]  }
0x21f: {  	v8 =	vld [tilespmem:s3+$0x12070]  }
0x220: {  	v9 =	vld [tilespmem:s3+$0x12080]  }
0x221: {  	v10 =	vld [tilespmem:s3+$0x12090]  }
0x222: {  	v11 =	vld [tilespmem:s3+$0x120A0]  }
0x223: {  	v12 =	vld [tilespmem:s3+$0x120B0]  }
0x224: {  	v13 =	vld [tilespmem:s3+$0x120C0]  }
0x225: {  	v14 =	vld [tilespmem:s3+$0x120D0]  }
0x226: {  	v0 =	vld [tilespmem:s3+$0x120E0]  }
0x227: {  	[tilespmem:s3+$0xC000] =	vst.add.f32.msk $0xffff, v1  }
0x228: {  	[tilespmem:s3+$0xC010] =	vst.add.f32.msk $0xffff, v2  }
0x229: {  	[tilespmem:s3+$0xC020] =	vst.add.f32.msk $0xffff, v3  }
0x22a: {  	[tilespmem:s3+$0xC030] =	vst.add.f32.msk $0xffff, v4  }
0x22b: {  	[tilespmem:s3+$0xC040] =	vst.add.f32.msk $0xffff, v5  }
0x22c: {  	[tilespmem:s3+$0xC050] =	vst.add.f32.msk $0xffff, v6  }
0x22d: {  	[tilespmem:s3+$0xC060] =	vst.add.f32.msk $0xffff, v7  }
0x22e: {  	[tilespmem:s3+$0xC070] =	vst.add.f32.msk $0xffff, v8  }
0x22f: {  	[tilespmem:s3+$0xC080] =	vst.add.f32.msk $0xffff, v9  }
.Ltmp6:
0x230: {  	[tilespmem:s3+$0xC090] =	vst.add.f32.msk $0xffff, v10;
	(pc) =	sbr.rel @p1 .LBB2_15-.Ltmp6, $4  }
0x231: {  	[tilespmem:s3+$0xC0A0] =	vst.add.f32.msk $0xffff, v11  }
0x232: {  	[tilespmem:s3+$0xC0B0] =	vst.add.f32.msk $0xffff, v12  }
0x233: {  	[tilespmem:s3+$0xC0C0] =	vst.add.f32.msk $0xffff, v13  }
0x234: {  	s6 =	sadd.s32 $0x400, s6;
	[tilespmem:s3+$0xC0D0] =	vst.add.f32.msk $0xffff, v14  }
0x235: {  	[tilespmem:s3+$0xC0E0] =	vst.add.f32.msk $0xffff, v0;
	s24 =	sadd.s32 s4, s24  }
0x236: {  	[hbm4b:s24+s5] =	stream.linear.scatter [tilespmem:s0], [sflag:$0xF], $0x2000, $0x38;
	[tilespmem:$0x14000] =	vst v63  }
0x237: {  	_ =	swait.ge [sflag:s12], $0x2000  }
0x238: {  	[sflag:s12] =	ssyncset.done $0x0  }
0x239: {  	s3 =	simm.s32 @!p0 $0xC;
	[sflag:s12] =	ssyncadd.s32 $0xFFFFE000  }
0x23a: {  	_ =	swait.ge @!p0 [sflag:s3], $0x2000  }
0x23b: {  	s6 =	simm.s32 @!p0 $0x0;
	[sflag:s3] =	ssyncset.done @!p0 $0x0  }
0x23c: {  	s9 =	simm.s32 @!p0 $0x6000;
	[sflag:s3] =	ssyncadd.s32 @!p0 $0xFFFFE000;
	s3 =	sadd.s32 @!p0 s22, s17  }
0x23d: {  	[tilespmem:s9], [sflag:$0x4] =	stream.linear.gather @!p0 [hbm4b:s3+s6], $0x2000, $0x38;
	[tilespmem:$0x14000] =	vst v63  }
0x23e: {  	s3 =	simm.s32 $0x0  }
0x23f: {  	v0 =	vld [tilespmem:s3+$0x120F0]  }
0x240: {  	v1 =	vld [tilespmem:s3+$0x12000]  }
0x241: {  	v2 =	vld [tilespmem:s3+$0x12010]  }
0x242: {  	v3 =	vld [tilespmem:s3+$0x12020]  }
0x243: {  	v4 =	vld [tilespmem:s3+$0x12030]  }
0x244: {  	v5 =	vld [tilespmem:s3+$0x12040]  }
0x245: {  	v6 =	vld [tilespmem:s3+$0x12050]  }
0x246: {  	v7 =	vld [tilespmem:s3+$0x12060]  }
0x247: {  	v8 =	vld [tilespmem:s3+$0x12070]  }
0x248: {  	v9 =	vld [tilespmem:s3+$0x12080]  }
0x249: {  	v10 =	vld [tilespmem:s3+$0x12090]  }
0x24a: {  	v11 =	vld [tilespmem:s3+$0x120A0]  }
0x24b: {  	v12 =	vld [tilespmem:s3+$0x120B0]  }
0x24c: {  	v13 =	vld [tilespmem:s3+$0x120C0]  }
0x24d: {  	v14 =	vld [tilespmem:s3+$0x120D0]  }
0x24e: {  	[tilespmem:s3+$0xE0F0] =	vst.add.f32.msk $0xffff, v0  }
0x24f: {  	v0 =	vld [tilespmem:s3+$0x120E0]  }
0x250: {  	[tilespmem:s3+$0xE000] =	vst.add.f32.msk $0xffff, v1  }
0x251: {  	[tilespmem:s3+$0xE010] =	vst.add.f32.msk $0xffff, v2  }
0x252: {  	[tilespmem:s3+$0xE020] =	vst.add.f32.msk $0xffff, v3  }
0x253: {  	[tilespmem:s3+$0xE030] =	vst.add.f32.msk $0xffff, v4  }
0x254: {  	[tilespmem:s3+$0xE040] =	vst.add.f32.msk $0xffff, v5  }
0x255: {  	[tilespmem:s3+$0xE050] =	vst.add.f32.msk $0xffff, v6  }
0x256: {  	[tilespmem:s3+$0xE060] =	vst.add.f32.msk $0xffff, v7  }
0x257: {  	[tilespmem:s3+$0xE070] =	vst.add.f32.msk $0xffff, v8  }
0x258: {  	[tilespmem:s3+$0xE080] =	vst.add.f32.msk $0xffff, v9  }
0x259: {  	[tilespmem:s3+$0xE090] =	vst.add.f32.msk $0xffff, v10  }
0x25a: {  	[tilespmem:s3+$0xE0A0] =	vst.add.f32.msk $0xffff, v11  }
0x25b: {  	[tilespmem:s3+$0xE0B0] =	vst.add.f32.msk $0xffff, v12  }
0x25c: {  	[tilespmem:s3+$0xE0C0] =	vst.add.f32.msk $0xffff, v13  }
0x25d: {  	s9 =	simm.s32 $0x0;
	s6 =	simm.s32 $0x400;
	[tilespmem:s3+$0xE0D0] =	vst.add.f32.msk $0xffff, v14  }
.LBB2_17:
0x25e: {  	s9 =	sadd.s32 $0x2, s9;
	[tilespmem:s3+$0xE0E0] =	vst.add.f32.msk $0xffff, v0;
	s3 =	sshra.s32 s6, $0x2  }
0x25f: {  	v0 =	vld [tilespmem:s3+$0x120F0];
	p0 =	slt.u32 s9, $0x3E  }
0x260: {  	v1 =	vld [tilespmem:s3+$0x12000]  }
0x261: {  	v2 =	vld [tilespmem:s3+$0x12010]  }
0x262: {  	v3 =	vld [tilespmem:s3+$0x12020]  }
0x263: {  	v4 =	vld [tilespmem:s3+$0x12030]  }
0x264: {  	[tilespmem:s3+$0xE0F0] =	vst.add.f32.msk $0xffff, v0  }
0x265: {  	v5 =	vld [tilespmem:s3+$0x12040]  }
0x266: {  	v6 =	vld [tilespmem:s3+$0x12050]  }
0x267: {  	v7 =	vld [tilespmem:s3+$0x12060]  }
0x268: {  	v8 =	vld [tilespmem:s3+$0x12070]  }
0x269: {  	v9 =	vld [tilespmem:s3+$0x12080]  }
0x26a: {  	v10 =	vld [tilespmem:s3+$0x12090]  }
0x26b: {  	v11 =	vld [tilespmem:s3+$0x120A0]  }
0x26c: {  	v12 =	vld [tilespmem:s3+$0x120B0]  }
0x26d: {  	v13 =	vld [tilespmem:s3+$0x120C0]  }
0x26e: {  	v14 =	vld [tilespmem:s3+$0x120D0]  }
0x26f: {  	v0 =	vld [tilespmem:s3+$0x120E0]  }
0x270: {  	[tilespmem:s3+$0xE000] =	vst.add.f32.msk $0xffff, v1  }
0x271: {  	[tilespmem:s3+$0xE010] =	vst.add.f32.msk $0xffff, v2  }
0x272: {  	[tilespmem:s3+$0xE020] =	vst.add.f32.msk $0xffff, v3  }
0x273: {  	[tilespmem:s3+$0xE030] =	vst.add.f32.msk $0xffff, v4  }
0x274: {  	[tilespmem:s3+$0xE040] =	vst.add.f32.msk $0xffff, v5  }
0x275: {  	[tilespmem:s3+$0xE050] =	vst.add.f32.msk $0xffff, v6  }
0x276: {  	[tilespmem:s3+$0xE060] =	vst.add.f32.msk $0xffff, v7  }
0x277: {  	[tilespmem:s3+$0xE070] =	vst.add.f32.msk $0xffff, v8  }
0x278: {  	[tilespmem:s3+$0xE080] =	vst.add.f32.msk $0xffff, v9  }
.Ltmp7:
0x279: {  	[tilespmem:s3+$0xE090] =	vst.add.f32.msk $0xffff, v10;
	(pc) =	sbr.rel @p0 .LBB2_17-.Ltmp7, $4  }
0x27a: {  	[tilespmem:s3+$0xE0A0] =	vst.add.f32.msk $0xffff, v11  }
0x27b: {  	[tilespmem:s3+$0xE0B0] =	vst.add.f32.msk $0xffff, v12  }
0x27c: {  	[tilespmem:s3+$0xE0C0] =	vst.add.f32.msk $0xffff, v13  }
0x27d: {  	s6 =	sadd.s32 $0x400, s6;
	[tilespmem:s3+$0xE0D0] =	vst.add.f32.msk $0xffff, v14  }
0x27e: {  	s19 =	sadd.s32 $0x1, s19  }
0x27f: {  	p0 =	sne.s32 s19, $0x10  }
.Ltmp8:
0x280: {  	_ = 	snop;
	(pc) =	sbr.rel @p0 .LBB2_2-.Ltmp8, $3  }
0x281: {  	_ =	sdelay $0x1  }
0x282: {  	[tilespmem:s3+$0xE0E0] =	vst.add.f32.msk $0xffff, v0;
	s24 =	sadd.s32 s4, s21  }
0x283: {  	[hbm4b:s24+s5] =	stream.linear.scatter [tilespmem:s20], [sflag:$0x10], $0x2000, $0x38;
	[tilespmem:$0x14000] =	vst v63  }
0x284: {  	s3 =	simm.s32 $0xD  }
0x285: {  	_ =	swait.ge [sflag:s3], $0x2000  }
0x286: {  	[sflag:s3] =	ssyncset.done $0x0  }
0x287: {  	s22 =	simm.s32 $0xE;
	[sflag:s3] =	ssyncadd.s32 $0xFFFFE000  }
0x288: {  	_ =	swait.ge [sflag:s22], $0x2000  }
0x289: {  	[sflag:s22] =	ssyncset.done $0x0  }
0x28a: {  	s23 =	simm.s32 $0xF;
	[sflag:s22] =	ssyncadd.s32 $0xFFFFE000  }
0x28b: {  	_ =	swait.ge [sflag:s23], $0x2000  }
0x28c: {  	[sflag:s23] =	ssyncset.done $0x0  }
0x28d: {  	s6 =	simm.s32 $0x10;
	[sflag:s23] =	ssyncadd.s32 $0xFFFFE000  }
0x28e: {  	_ =	swait.ge [sflag:s6], $0x2000  }
0x28f: {  	s9 =	rddreg [dreg:$0xc]  }
0x290: {  	s24 =	rddreg [dreg:$0xb];
	s9 =	sadd.s32 $0x1, s9  }
0x291: {  	p0 =	sne.s32 s9, s24  }
.Ltmp9:
0x292: {  	_ = 	snop;
	(pc) =	sbr.rel @p0 .LBB2_1-.Ltmp9, $3  }
0x293: {  	_ =	sdelay $0x1  }
0x294: {  	[sflag:s6] =	ssyncset.done $0x0  }
0x295: {  	[sflag:s6] =	ssyncadd.s32 $0xFFFFE000  }
0x296: {  	_ =	sfence.sel $0x180000  }
0x297: {  	[bflag:$0x0] =	sbarrier.arrive $0xFFFF  }
0x298: {  	_ =	strace $0x90000047  }
0x299: {  	s0 =	stileid.u32;
	[bflag:$0x2] =	sbarrier.arrive $0xFFFF  }
0x29a: {  	p0 =	sne.s32 s0, $0x0;
	s0 =	rddreg [dreg:$0x3]  }
0x29b: {  	s0 =	sadd.s32 @!p0 $0x100000, s0  }
0x29c: {  	[sflag:s0] =	ssyncadd.tile.s32 @!p0 $0x1;
	_ =	shalt  }
.Lfunc_end2:
_tile_overlayer_lowered:
.L_overlay_start_2:
0x29d: {  	(tag) =	ssettag $0x2  }
0x29e: {  	s0 =	rddreg [dreg:$0x0];
	s2 =	stileid.u32  }
0x29f: {  	s1 =	rddreg [dreg:$0x1];
	p0 =	sne.s32 s2, $0x0  }
0x2a0: {  	s3 =	rddreg [dreg:$0x2];
	[bflag:$0x3] =	sbarrier.arrive $0xFFFF;
	s2 =	simm.s32 @!p0 $0x1C13  }
0x2a1: {  	[timem:s3], [sflag:s2] =	dma.local @!p0 [hbm:s0], s1  }
0x2a2: {  	s0 =	simm.s32 @!p0 $0x13  }
0x2a3: {  	_ =	swait.ge @!p0 [sflag:s0], s1  }
0x2a4: {  	s1 =	ssub.s32 @!p0 $0x0, s1;
	[sflag:s0] =	ssyncset.done @!p0 $0x0  }
0x2a5: {  	[sflag:s0] =	ssyncadd.s32 @!p0 s1  }
0x2a6: {  	[bflag:$0x3] =	sbarrier.arrive $0xFFFF  }
0x2a7: {  	_ =	shalt  }

</sc_bundles>
